<compile_context>
chip_gen: v7x
topology: tpu7x:2x2x1
jax: 0.10.2.dev20260603
libtpu: 0.0.44.dev20260713+nightly
codegen_flags: <defaults>
</compile_context>

<pallas_src>
import dataclasses
import functools

import jax
import jax.numpy as jnp
from jax import lax
from jax.experimental import pallas as pl
from jax.experimental.pallas import tpu as pltpu
from jax.experimental.pallas import tpu_sc as plsc

TOPK = 64


def _merge16(a_s, a_i, b_s, b_i, sort_hi=True):
    br_s = lax.rev(b_s, (0,))
    br_i = lax.rev(b_i, (0,))
    take = a_s <= br_s
    lo_s = jnp.where(take, a_s, br_s)
    lo_i = jnp.where(take, a_i, br_i)
    hi_s = jnp.where(take, br_s, a_s)
    hi_i = jnp.where(take, br_i, a_i)
    lo_s, lo_i = plsc.sort_key_val(lo_s, lo_i)
    if sort_hi:
        hi_s, hi_i = plsc.sort_key_val(hi_s, hi_i)
    return lo_s, lo_i, hi_s, hi_i


def _sc_extract(x2d, *, n, k):
    info = plsc.get_sparse_core_info()
    nc, ns, L = info.num_cores, info.num_subcores, info.num_lanes
    nw = nc * ns
    rpw = n // nw
    nv = n // L
    nkv = k // L
    f32, i32 = jnp.float32, jnp.int32
    mesh = plsc.VectorSubcoreMesh(core_axis_name="core", subcore_axis_name="subcore")
    cp = pltpu.CompilerParams()
    if "needs_layout_passes" in pltpu.CompilerParams.__dataclass_fields__:
        cp = dataclasses.replace(cp, needs_layout_passes=False)
    cp = dataclasses.replace(cp, use_tc_tiling_on_sc=True)

    @functools.partial(
        pl.kernel,
        compiler_params=cp,
        out_type=[
            jax.ShapeDtypeStruct((5, n * k), f32),
        ],
        mesh=mesh,
        scratch_types=[
            pltpu.VMEM((4 * n,), f32),
            pltpu.VMEM((4 * n,), f32),
            pltpu.VMEM((n,), f32),
            pltpu.VMEM((n,), f32),
            pltpu.VMEM((n,), i32),
            pltpu.VMEM((n + L,), f32),
            pltpu.VMEM((n + L,), i32),
            pltpu.VMEM((5, rpw * k), f32),
            pltpu.SemaphoreType.DMA,
            pltpu.SemaphoreType.DMA,
        ],
    )
    def ker(x_hbm, f5_hbm,
            buf_a, buf_b, s_buf, lane_s, lane_i, cand_s, cand_i,
            st5, sem_a, sem_b):
        wid = lax.axis_index("subcore") * nc + lax.axis_index("core")
        base = wid * rpw
        iota = lax.iota(i32, L)
        zero16 = jnp.zeros((L,), i32)
        infv = jnp.full((L,), jnp.inf, f32)
        zerov = jnp.zeros((L,), i32)

        def process(rl, buf, sem):
            pltpu.make_async_copy(x_hbm.at[base + rl], buf, sem).wait()

            def p1(v, carry):
                m1, m2, m3, m4 = carry
                jv = v * (4 * L) + 4 * iota
                x0 = plsc.load_gather(buf, [jv])
                x1 = plsc.load_gather(buf, [jv + 1])
                s = (x0 * x0 + x1 * x1) + jnp.float32(1e-6)
                s_buf[pl.ds(v * L, L)] = s
                m4n = jnp.minimum(m4, jnp.maximum(m3, s))
                m3n = jnp.minimum(m3, jnp.maximum(m2, s))
                m2n = jnp.minimum(m2, jnp.maximum(m1, s))
                m1n = jnp.minimum(m1, s)
                return (m1n, m2n, m3n, m4n)

            _, _, _, m4 = plsc.parallel_loop(0, nv, unroll=4, carry=(infv, infv, infv, infv))(p1)
            t = jnp.max(m4)

            def p2(v, cl):
                sv = s_buf[pl.ds(v * L, L)]
                msk = sv <= t
                pos = cl * L + iota
                plsc.store_scatter(lane_s, [pos], sv, mask=msk)
                plsc.store_scatter(lane_i, [pos], iota + v * L, mask=msk)
                return cl + jnp.where(msk, 1, 0)

            cnt_l = plsc.parallel_loop(0, nv, unroll=4, carry=zerov)(p2)
            mq = jnp.max(cnt_l)
            bases = plsc.cumsum(cnt_l) - cnt_l

            def repack(q, _):
                sv = lane_s[pl.ds(q * L, L)]
                ivv = lane_i[pl.ds(q * L, L)]
                msk = q < cnt_l
                pos = bases + q
                plsc.store_scatter(cand_s, [pos], sv, mask=msk)
                plsc.store_scatter(cand_i, [pos], ivv, mask=msk)
                return 0

            plsc.parallel_loop(0, mq, carry=jnp.int32(0))(repack)
            cnt = jnp.sum(cnt_l)
            nvec = (cnt + (L - 1)) // L

            def p3(ci, carry):
                bs0, bi0, bs1, bi1, bs2, bi2, bs3, bi3 = carry
                svec = cand_s[pl.ds(ci * L, L)]
                ivec = cand_i[pl.ds(ci * L, L)]
                valid = (iota + ci * L) < cnt
                svec = jnp.where(valid, svec, jnp.inf)
                zs, zi = plsc.sort_key_val(svec, ivec)
                bs0, bi0, zs, zi = _merge16(bs0, bi0, zs, zi)
                bs1, bi1, zs, zi = _merge16(bs1, bi1, zs, zi)
                bs2, bi2, zs, zi = _merge16(bs2, bi2, zs, zi)
                bs3, bi3, zs, zi = _merge16(bs3, bi3, zs, zi, sort_hi=False)
                return (bs0, bi0, bs1, bi1, bs2, bi2, bs3, bi3)

            init = (infv, zerov, infv, zerov, infv, zerov, infv, zerov)
            res = plsc.parallel_loop(0, nvec, carry=init)(p3)
            for j in range(nkv):
                bij = res[2 * j + 1]
                col = rl * k + j * L
                st5[4, pl.ds(col, L)] = bij.astype(f32)
                bi4 = bij * 4
                for c in range(4):
                    gc = plsc.load_gather(buf, [bi4 + c])
                    st5[c, pl.ds(col, L)] = gc

        pltpu.make_async_copy(x_hbm.at[base], buf_a, sem_a).start()

        @pl.loop(0, rpw, step=2)
        def _(rl):
            pltpu.make_async_copy(x_hbm.at[base + rl + 1], buf_b, sem_b).start()
            process(rl, buf_a, sem_a)

            @pl.when(rl + 2 < rpw)
            def _():
                pltpu.make_async_copy(x_hbm.at[base + rl + 2], buf_a, sem_a).start()

            process(rl + 1, buf_b, sem_b)

        pltpu.sync_copy(st5, f5_hbm.at[:, pl.ds(base * k, rpw * k)])

    return ker(x2d)


def _mlp_body(fr, rr, w1r, b1r, w2r, b2r, w3r, b3r, w4r, b4r, outr, maskr,
              idxo, *, s, k):
    f = fr[...]
    pid = pl.program_id(0)
    pos = lax.broadcasted_iota(jnp.int32, (1, s), 1)
    within = pos & (k - 1)
    for parity in (0, 1):
        dn = jnp.sqrt(f[0:1, :] * f[0:1, :] + f[1:2, :] * f[1:2, :] + 1e-6)
        dn_r = jnp.roll(dn, -1, axis=1)
        idc = f[4:5, :]
        id_r = jnp.roll(idc, -1, axis=1)
        lead = (((within & 1) == parity) & (within != k - 1)
                & (dn == dn_r) & (idc > id_r)).astype(jnp.float32)
        trail = jnp.roll(lead, 1, axis=1)
        f_r = jnp.roll(f, -1, axis=1)
        f_l = jnp.roll(f, 1, axis=1)
        keep = 1.0 - lead - trail
        f = f * keep + f_r * lead + f_l * trail
    a0 = f[0:1, :]
    a1 = f[1:2, :]
    d = jnp.sqrt(a0 * a0 + a1 * a1 + 1e-4)
    mask = (d <= 1.0).astype(jnp.float32)
    li = lax.broadcasted_iota(jnp.int32, (1, s), 1) + pid * s
    rowf = (li // k).astype(jnp.float32)
    eye = (f[4:5, :] == rowf).astype(jnp.float32)
    margin = d - rr[...]
    zz = jnp.zeros((2, s), jnp.float32)
    feat = jnp.concatenate([f[0:4, :], eye, margin, zz], axis=0)
    h = jnp.maximum(jnp.dot(w1r[...], feat, preferred_element_type=jnp.float32) + b1r[...], 0.0)
    h = jnp.maximum(jnp.dot(w2r[...], h, preferred_element_type=jnp.float32) + b2r[...], 0.0)
    h = jnp.maximum(jnp.dot(w3r[...], h, preferred_element_type=jnp.float32) + b3r[...], 0.0)
    o = jnp.sum(h * w4r[...], axis=0, keepdims=True) + b4r[...]
    outr[...] = o * mask
    maskr[...] = mask
    idxo[...] = f[4:5, :].astype(jnp.int32)


def _mlp_call(f5, r2, weights, *, n, k, s):
    nb = (n * k) // s
    body = functools.partial(_mlp_body, s=s, k=k)
    w1t, b1c, w2t, b2c, w3t, b3c, w4c, b4r = weights
    full = lambda a: pl.BlockSpec(a.shape, lambda b: tuple([0] * a.ndim))
    f32 = jnp.float32
    return pl.pallas_call(
        body,
        grid=(nb,),
        in_specs=[pl.BlockSpec((5, s), lambda b: (0, b)),
                  full(r2), full(w1t), full(b1c), full(w2t),
                  full(b2c), full(w3t), full(b3c), full(w4c), full(b4r)],
        out_specs=[pl.BlockSpec((1, s), lambda b: (0, b))] * 3,
        out_shape=[
            jax.ShapeDtypeStruct((1, n * k), f32),
            jax.ShapeDtypeStruct((1, n * k), f32),
            jax.ShapeDtypeStruct((1, n * k), jnp.int32),
        ],
    )(f5, r2, w1t, b1c, w2t, b2c, w3t, b3c, w4c, b4r)


def kernel(x, r, W1, b1, W2, b2, W3, b3, W4, b4):
    n = x.shape[0]
    k = TOPK
    f5 = _sc_extract(x.reshape(n, 4 * n), n=n, k=k)[0]
    w1t = jnp.zeros((W1.shape[1], 8), jnp.float32).at[:, :6].set(W1.T)
    weights = (w1t, b1.reshape(-1, 1), W2.T, b2.reshape(-1, 1), W3.T,
               b3.reshape(-1, 1), W4.reshape(-1, 1), b4.reshape(1, 1))
    out_f, mask_f, idx_f = _mlp_call(f5, r.reshape(1, 1), weights, n=n, k=k, s=8192)
    return out_f.reshape(n, k, 1), mask_f.reshape(n, k, 1), idx_f.reshape(n, k)

# --- scband reference (transcript-rebuilt; emitter-appended) ---
"""Pipeline reference for scband-network-cbf-89713276879245 (READ-ONLY COPY).

The authoritative reference and input builder live on the scoring server;
editing this copy changes nothing except your own understanding.
"""

import jax, jax.numpy as jnp
import numpy as np

TOP_K = 64
OBS_RADIUS = 1.0
N = 2048


def _init_lin(k, fi, fo):
    kw, kb = jax.random.split(k)
    lim = 1.0 / np.sqrt(fi)
    W = jax.random.uniform(kw, (fi, fo), minval=-lim, maxval=lim, dtype=jnp.float32)
    b = jax.random.uniform(kb, (fo,), minval=-lim, maxval=lim, dtype=jnp.float32)
    return W, b


def setup_inputs(seed: int = 0):
    key = jax.random.key(seed)
    ks = jax.random.split(key, 6)
    x = jax.random.normal(ks[0], (N, N, 4), dtype=jnp.float32)
    r = jax.random.uniform(ks[1], (1,), dtype=jnp.float32)
    W1, b1 = _init_lin(ks[2], 6, 64)
    W2, b2 = _init_lin(ks[3], 64, 128)
    W3, b3 = _init_lin(ks[4], 128, 64)
    W4, b4 = _init_lin(ks[5], 64, 1)
    return {"x": x, "r": r, "W1": W1, "b1": b1, "W2": W2, "b2": b2,
            "W3": W3, "b3": b3, "W4": W4, "b4": b4}


def reference(x, r, W1, b1, W2, b2, W3, b3, W4, b4):
    n = x.shape[0]
    d_norm = jnp.sqrt(jnp.sum(jnp.square(x[:, :, :2]), axis=2) + 0.0001)
    eye_tag = jnp.eye(n, dtype=x.dtype)[:, :, None]
    margin = (d_norm - r)[:, :, None]
    xc = jnp.concatenate([x, eye_tag, margin], axis=2)
    # remove_distant_agents: keep k nearest by planar distance
    dn = jnp.sqrt(jnp.sum(jnp.square(xc[:, :, :2]), axis=2) + 1e-06)
    _, indices = jax.lax.top_k(-dn, TOP_K)  # smallest-k (torch topk largest=False)
    row_idx = jnp.arange(n)[:, None]
    xf = xc[row_idx, indices]  # gather [N, k, 6]
    distance = jnp.sqrt(jnp.sum(jnp.square(xf[:, :, :2]), axis=2, keepdims=True) + 0.0001)
    mask = (distance <= OBS_RADIUS).astype(xf.dtype)
    h = jax.nn.relu(xf @ W1 + b1)
    h = jax.nn.relu(h @ W2 + b2)
    h = jax.nn.relu(h @ W3 + b3)
    out = h @ W4 + b4
    out = out * mask
    return (out, mask, indices)

if __name__ == "__main__":
    import jax
    _d = setup_inputs()
    print(jax.jit(kernel)(*tuple(_d.values())))

</pallas_src>

<mosaic_0001>
#map = affine_map<(d0, d1) -> (0, 0)>
module attributes {stable_mosaic.version = 14 : i64} {
  func.func @ker(%arg0: i32, %arg1: i32, %arg2: memref<2048x8192xf32, #tpu.memory_space<hbm>>, %arg3: memref<5x131072xf32, #tpu.memory_space<hbm>>, %arg4: memref<8192xf32, #tpu.memory_space<vmem>>, %arg5: memref<8192xf32, #tpu.memory_space<vmem>>, %arg6: memref<2048xf32, #tpu.memory_space<vmem>>, %arg7: memref<2048xf32, #tpu.memory_space<vmem>>, %arg8: memref<2048xi32, #tpu.memory_space<vmem>>, %arg9: memref<2064xf32, #tpu.memory_space<vmem>>, %arg10: memref<2064xi32, #tpu.memory_space<vmem>>, %arg11: memref<5x4096xf32, #tpu.memory_space<vmem>>, %arg12: memref<!tpu.dma_semaphore, #tpu.memory_space<semaphore_mem>>, %arg13: memref<!tpu.dma_semaphore, #tpu.memory_space<semaphore_mem>>) attributes {dimension_semantics = [#tpu.dimension_semantics<core_parallel>, #tpu.dimension_semantics<subcore_parallel>], iteration_bounds = array<i64: 2, 16>, scalar_prefetch = 0 : i64, scratch_operands = 10 : i64, tpu.core_type = #tpu.core_type<sc_vector_subcore>, window_params = [{transform_indices = #map}, {transform_indices = #map}]} {
    %mul3A = arith.constant 2 : i32
    %mul3A_0 = arith.muli %arg1, %mul3A : i32
    %add3A = arith.addi %mul3A_0, %arg0 : i32
    %mul3A_1 = arith.constant 64 : i32
    %mul3A_2 = arith.muli %add3A, %mul3A_1 : i32
    %iota3A = tpu.iota {dimensions = array<i32: 0>} : vector<16xi32>
    %broadcast_in_dim3A = arith.constant 0 : i32
    %broadcast_in_dim3A_3 = vector.broadcast %broadcast_in_dim3A : i32 to vector<16xi32>
    %broadcast_in_dim3A_4 = arith.constant 0x7F800000 : f32
    %broadcast_in_dim3A_5 = vector.broadcast %broadcast_in_dim3A_4 : f32 to vector<16xf32>
    %broadcast_in_dim3A_6 = arith.constant 0 : i32
    %broadcast_in_dim3A_7 = vector.broadcast %broadcast_in_dim3A_6 : i32 to vector<16xi32>
    %dma_start3A = arith.constant 0 : i32
    %dma_start3A_8 = tpu.memref_slice %arg2[%mul3A_2, %dma_start3A] : memref<2048x8192xf32, #tpu.memory_space<hbm>> -> memref<1x8192xf32, #tpu.memory_space<hbm>>
    %dma_start3A_9 = tpu.memref_squeeze %dma_start3A_8 : memref<1x8192xf32, #tpu.memory_space<hbm>> -> memref<8192xf32, #tpu.memory_space<hbm>>
    %dma_start3A_10 = arith.constant 0 : i32
    %dma_start3A_11 = tpu.memref_slice %arg2[%mul3A_2, %dma_start3A_10] : memref<2048x8192xf32, #tpu.memory_space<hbm>> -> memref<1x8192xf32, #tpu.memory_space<hbm>>
    %dma_start3A_12 = tpu.memref_squeeze %dma_start3A_11 : memref<1x8192xf32, #tpu.memory_space<hbm>> -> memref<8192xf32, #tpu.memory_space<hbm>>
    tpu.enqueue_dma source(%dma_start3A_12 : memref<8192xf32, #tpu.memory_space<hbm>>) target(%arg4 : memref<8192xf32, #tpu.memory_space<vmem>>) target_semaphore(%arg12 : memref<!tpu.dma_semaphore, #tpu.memory_space<semaphore_mem>>)
    %scan3A = arith.constant 0 : i32
    %scan3A_13 = arith.constant 32 : i32
    %scan3A_14 = arith.addi %scan3A, %scan3A_13 : i32
    %scan3A_15 = arith.constant 1 : i32
    scf.for %scan3A_19 = %scan3A to %scan3A_14 step %scan3A_15  : i32 {
      %mul3A_20 = arith.constant 2 : i32
      %mul3A_21 = arith.muli %scan3A_19, %mul3A_20 : i32
      %add3A_22 = arith.constant 0 : i32
      %add3A_23 = arith.addi %add3A_22, %mul3A_21 : i32
      %add3A_24 = arith.addi %mul3A_2, %add3A_23 : i32
      %add3A_25 = arith.constant 1 : i32
      %add3A_26 = arith.addi %add3A_24, %add3A_25 : i32
      %dma_start3A_27 = arith.constant 0 : i32
      %dma_start3A_28 = tpu.memref_slice %arg2[%add3A_26, %dma_start3A_27] : memref<2048x8192xf32, #tpu.memory_space<hbm>> -> memref<1x8192xf32, #tpu.memory_space<hbm>>
      %dma_start3A_29 = tpu.memref_squeeze %dma_start3A_28 : memref<1x8192xf32, #tpu.memory_space<hbm>> -> memref<8192xf32, #tpu.memory_space<hbm>>
      %dma_start3A_30 = arith.constant 0 : i32
      %dma_start3A_31 = tpu.memref_slice %arg2[%add3A_26, %dma_start3A_30] : memref<2048x8192xf32, #tpu.memory_space<hbm>> -> memref<1x8192xf32, #tpu.memory_space<hbm>>
      %dma_start3A_32 = tpu.memref_squeeze %dma_start3A_31 : memref<1x8192xf32, #tpu.memory_space<hbm>> -> memref<8192xf32, #tpu.memory_space<hbm>>
      tpu.enqueue_dma source(%dma_start3A_32 : memref<8192xf32, #tpu.memory_space<hbm>>) target(%arg5 : memref<8192xf32, #tpu.memory_space<vmem>>) target_semaphore(%arg13 : memref<!tpu.dma_semaphore, #tpu.memory_space<semaphore_mem>>)
      %add3A_33 = arith.addi %mul3A_2, %add3A_23 : i32
      %dma_wait3A = arith.constant 0 : i32
      %dma_wait3A_34 = tpu.memref_slice %arg2[%add3A_33, %dma_wait3A] : memref<2048x8192xf32, #tpu.memory_space<hbm>> -> memref<1x8192xf32, #tpu.memory_space<hbm>>
      %dma_wait3A_35 = tpu.memref_squeeze %dma_wait3A_34 : memref<1x8192xf32, #tpu.memory_space<hbm>> -> memref<8192xf32, #tpu.memory_space<hbm>>
      %dma_wait3A_36 = arith.constant 0 : i32
      %dma_wait3A_37 = tpu.memref_slice %arg2[%add3A_33, %dma_wait3A_36] : memref<2048x8192xf32, #tpu.memory_space<hbm>> -> memref<1x8192xf32, #tpu.memory_space<hbm>>
      %dma_wait3A_38 = tpu.memref_squeeze %dma_wait3A_37 : memref<1x8192xf32, #tpu.memory_space<hbm>> -> memref<8192xf32, #tpu.memory_space<hbm>>
      tpu.wait_dma2 semaphore(%arg12 : memref<!tpu.dma_semaphore, #tpu.memory_space<semaphore_mem>>) src(%dma_wait3A_38 : memref<8192xf32, #tpu.memory_space<hbm>>) dst(%arg4 : memref<8192xf32, #tpu.memory_space<vmem>>)
      %parallel_loop3A = arith.constant 0 : i32
      %parallel_loop3A_39 = arith.constant 128 : i32
      %parallel_loop3A_40 = arith.constant 1 : i32
      %parallel_loop3A_41:4 = scf.for %parallel_loop3A_512 = %parallel_loop3A to %parallel_loop3A_39 step %parallel_loop3A_40 iter_args(%parallel_loop3A_513 = %broadcast_in_dim3A_5, %parallel_loop3A_514 = %broadcast_in_dim3A_5, %parallel_loop3A_515 = %broadcast_in_dim3A_5, %parallel_loop3A_516 = %broadcast_in_dim3A_5) -> (vector<16xf32>, vector<16xf32>, vector<16xf32>, vector<16xf32>)  : i32 {
        %parallel_loop3A_517 = arith.constant 64 : i32
        %parallel_loop3A_518 = arith.muli %parallel_loop3A_512, %parallel_loop3A_517 : i32
        %parallel_loop3A_519 = arith.constant 4 : i32
        %parallel_loop3A_520 = vector.broadcast %parallel_loop3A_519 : i32 to vector<16xi32>
        %parallel_loop3A_521 = arith.muli %parallel_loop3A_520, %iota3A : vector<16xi32>
        %parallel_loop3A_522 = vector.broadcast %parallel_loop3A_518 : i32 to vector<16xi32>
        %parallel_loop3A_523 = arith.addi %parallel_loop3A_522, %parallel_loop3A_521 : vector<16xi32>
        %parallel_loop3A_524 = tpu.vector_load_idx %arg4[%parallel_loop3A_523] : memref<8192xf32, #tpu.memory_space<vmem>>[vector<16xi32>], vector<16xf32>,
        %parallel_loop3A_525 = arith.constant 1 : i32
        %parallel_loop3A_526 = vector.broadcast %parallel_loop3A_525 : i32 to vector<16xi32>
        %parallel_loop3A_527 = arith.addi %parallel_loop3A_523, %parallel_loop3A_526 : vector<16xi32>
        %parallel_loop3A_528 = tpu.vector_load_idx %arg4[%parallel_loop3A_527] : memref<8192xf32, #tpu.memory_space<vmem>>[vector<16xi32>], vector<16xf32>,
        %parallel_loop3A_529 = arith.mulf %parallel_loop3A_524, %parallel_loop3A_524 : vector<16xf32>
        %parallel_loop3A_530 = arith.mulf %parallel_loop3A_528, %parallel_loop3A_528 : vector<16xf32>
        %parallel_loop3A_531 = arith.addf %parallel_loop3A_529, %parallel_loop3A_530 : vector<16xf32>
        %parallel_loop3A_532 = arith.constant 9.99999997E-7 : f32
        %parallel_loop3A_533 = vector.broadcast %parallel_loop3A_532 : f32 to vector<16xf32>
        %parallel_loop3A_534 = arith.addf %parallel_loop3A_531, %parallel_loop3A_533 : vector<16xf32>
        %parallel_loop3A_535 = arith.constant 16 : i32
        %parallel_loop3A_536 = arith.muli %parallel_loop3A_512, %parallel_loop3A_535 : i32
        %parallel_loop3A_537 = arith.index_cast %parallel_loop3A_536 : i32 to index
        %parallel_loop3A_538 = tpu.vector_load %arg6[%parallel_loop3A_537] {strides = array<i32>} : memref<2048xf32, #tpu.memory_space<vmem>>, vector<16xf32>,
        tpu.vector_store %arg6[%parallel_loop3A_537], %parallel_loop3A_534 {strides = array<i32>} : memref<2048xf32, #tpu.memory_space<vmem>>, vector<16xf32>,
        %parallel_loop3A_539 = arith.maximumf %parallel_loop3A_515, %parallel_loop3A_534 : vector<16xf32>
        %parallel_loop3A_540 = arith.minimumf %parallel_loop3A_516, %parallel_loop3A_539 : vector<16xf32>
        %parallel_loop3A_541 = arith.maximumf %parallel_loop3A_514, %parallel_loop3A_534 : vector<16xf32>
        %parallel_loop3A_542 = arith.minimumf %parallel_loop3A_515, %parallel_loop3A_541 : vector<16xf32>
        %parallel_loop3A_543 = arith.maximumf %parallel_loop3A_513, %parallel_loop3A_534 : vector<16xf32>
        %parallel_loop3A_544 = arith.minimumf %parallel_loop3A_514, %parallel_loop3A_543 : vector<16xf32>
        %parallel_loop3A_545 = arith.minimumf %parallel_loop3A_513, %parallel_loop3A_534 : vector<16xf32>
        scf.yield %parallel_loop3A_545, %parallel_loop3A_544, %parallel_loop3A_542, %parallel_loop3A_540 : vector<16xf32>, vector<16xf32>, vector<16xf32>, vector<16xf32>
      } {sc.loop_unroll_factor = 4 : i64, sc.parallel_access}
      %reduce_max3A = arith.constant true
      %reduce_max3A_42 = vector.broadcast %reduce_max3A : i1 to vector<16xi1>
      %reduce_max3A_43 = tpu.scan <max>, %parallel_loop3A_41#3 masked %reduce_max3A_42 : vector<16xf32>, vector<16xi1> -> vector<16xf32>
      %reduce_max3A_44 = vector.extract %reduce_max3A_43[15] : f32 from vector<16xf32>
      %parallel_loop3A_45 = arith.constant 0 : i32
      %parallel_loop3A_46 = arith.constant 128 : i32
      %parallel_loop3A_47 = arith.constant 1 : i32
      %parallel_loop3A_48 = scf.for %parallel_loop3A_512 = %parallel_loop3A_45 to %parallel_loop3A_46 step %parallel_loop3A_47 iter_args(%parallel_loop3A_513 = %broadcast_in_dim3A_7) -> (vector<16xi32>)  : i32 {
        %parallel_loop3A_514 = arith.constant 16 : i32
        %parallel_loop3A_515 = arith.muli %parallel_loop3A_512, %parallel_loop3A_514 : i32
        %parallel_loop3A_516 = arith.index_cast %parallel_loop3A_515 : i32 to index
        %parallel_loop3A_517 = tpu.vector_load %arg6[%parallel_loop3A_516] {strides = array<i32>} : memref<2048xf32, #tpu.memory_space<vmem>>, vector<16xf32>,
        %parallel_loop3A_518 = vector.broadcast %reduce_max3A_44 : f32 to vector<16xf32>
        %parallel_loop3A_519 = arith.cmpf ole, %parallel_loop3A_517, %parallel_loop3A_518 : vector<16xf32>
        %parallel_loop3A_520 = arith.constant 16 : i32
        %parallel_loop3A_521 = vector.broadcast %parallel_loop3A_520 : i32 to vector<16xi32>
        %parallel_loop3A_522 = arith.muli %parallel_loop3A_513, %parallel_loop3A_521 : vector<16xi32>
        %parallel_loop3A_523 = arith.addi %parallel_loop3A_522, %iota3A : vector<16xi32>
        tpu.vector_store_idx %arg7[%parallel_loop3A_523], %parallel_loop3A_517 masked %parallel_loop3A_519 : memref<2048xf32, #tpu.memory_space<vmem>>[vector<16xi32>], vector<16xf32>, vector<16xi1>
        %parallel_loop3A_524 = arith.constant 16 : i32
        %parallel_loop3A_525 = arith.muli %parallel_loop3A_512, %parallel_loop3A_524 : i32
        %parallel_loop3A_526 = vector.broadcast %parallel_loop3A_525 : i32 to vector<16xi32>
        %parallel_loop3A_527 = arith.addi %iota3A, %parallel_loop3A_526 : vector<16xi32>
        tpu.vector_store_idx %arg8[%parallel_loop3A_523], %parallel_loop3A_527 masked %parallel_loop3A_519 : memref<2048xi32, #tpu.memory_space<vmem>>[vector<16xi32>], vector<16xi32>, vector<16xi1>
        %parallel_loop3A_528 = arith.constant 1 : i32
        %parallel_loop3A_529 = arith.constant 0 : i32
        %parallel_loop3A_530 = vector.broadcast %parallel_loop3A_528 : i32 to vector<16xi32>
        %parallel_loop3A_531 = vector.broadcast %parallel_loop3A_529 : i32 to vector<16xi32>
        %parallel_loop3A_532 = arith.select %parallel_loop3A_519, %parallel_loop3A_530, %parallel_loop3A_531 : vector<16xi1>, vector<16xi32>
        %parallel_loop3A_533 = arith.addi %parallel_loop3A_513, %parallel_loop3A_532 : vector<16xi32>
        scf.yield %parallel_loop3A_533 : vector<16xi32>
      } {sc.loop_unroll_factor = 4 : i64, sc.parallel_access}
      %reduce_max3A_49 = arith.constant true
      %reduce_max3A_50 = vector.broadcast %reduce_max3A_49 : i1 to vector<16xi1>
      %reduce_max3A_51 = arith.constant -2147483648 : i32
      %reduce_max3A_52 = vector.broadcast %reduce_max3A_51 : i32 to vector<16xi32>
      %reduce_max3A_53 = arith.xori %parallel_loop3A_48, %reduce_max3A_52 : vector<16xi32>
      %reduce_max3A_54 = tpu.scan <max>, %reduce_max3A_53 masked %reduce_max3A_50 : vector<16xi32>, vector<16xi1> -> vector<16xi32>
      %reduce_max3A_55 = arith.xori %reduce_max3A_54, %reduce_max3A_52 : vector<16xi32>
      %reduce_max3A_56 = vector.extract %reduce_max3A_55[15] : i32 from vector<16xi32>
      %broadcast_in_dim3A_57 = arith.constant true
      %broadcast_in_dim3A_58 = vector.broadcast %broadcast_in_dim3A_57 : i1 to vector<16xi1>
      %masked_cumsum3A = tpu.scan <sum>, %parallel_loop3A_48 masked %broadcast_in_dim3A_58 : vector<16xi32>, vector<16xi1> -> vector<16xi32>
      %sub3A = arith.subi %masked_cumsum3A, %parallel_loop3A_48 : vector<16xi32>
      %parallel_loop3A_59 = arith.constant 0 : i32
      %parallel_loop3A_60 = arith.constant 1 : i32
      %parallel_loop3A_61 = arith.constant 0 : i32
      %parallel_loop3A_62 = scf.for %parallel_loop3A_512 = %parallel_loop3A_59 to %reduce_max3A_56 step %parallel_loop3A_60 iter_args(%parallel_loop3A_513 = %parallel_loop3A_61) -> (i32)  : i32 {
        %parallel_loop3A_514 = arith.constant 16 : i32
        %parallel_loop3A_515 = arith.muli %parallel_loop3A_512, %parallel_loop3A_514 : i32
        %parallel_loop3A_516 = arith.index_cast %parallel_loop3A_515 : i32 to index
        %parallel_loop3A_517 = tpu.vector_load %arg7[%parallel_loop3A_516] {strides = array<i32>} : memref<2048xf32, #tpu.memory_space<vmem>>, vector<16xf32>,
        %parallel_loop3A_518 = arith.constant 16 : i32
        %parallel_loop3A_519 = arith.muli %parallel_loop3A_512, %parallel_loop3A_518 : i32
        %parallel_loop3A_520 = arith.index_cast %parallel_loop3A_519 : i32 to index
        %parallel_loop3A_521 = tpu.vector_load %arg8[%parallel_loop3A_520] {strides = array<i32>} : memref<2048xi32, #tpu.memory_space<vmem>>, vector<16xi32>,
        %parallel_loop3A_522 = vector.broadcast %parallel_loop3A_512 : i32 to vector<16xi32>
        %parallel_loop3A_523 = arith.cmpi slt, %parallel_loop3A_522, %parallel_loop3A_48 : vector<16xi32>
        %parallel_loop3A_524 = vector.broadcast %parallel_loop3A_512 : i32 to vector<16xi32>
        %parallel_loop3A_525 = arith.addi %sub3A, %parallel_loop3A_524 : vector<16xi32>
        tpu.vector_store_idx %arg9[%parallel_loop3A_525], %parallel_loop3A_517 masked %parallel_loop3A_523 : memref<2064xf32, #tpu.memory_space<vmem>>[vector<16xi32>], vector<16xf32>, vector<16xi1>
        tpu.vector_store_idx %arg10[%parallel_loop3A_525], %parallel_loop3A_521 masked %parallel_loop3A_523 : memref<2064xi32, #tpu.memory_space<vmem>>[vector<16xi32>], vector<16xi32>, vector<16xi1>
        %parallel_loop3A_526 = arith.constant 0 : i32
        scf.yield %parallel_loop3A_526 : i32
      } {sc.loop_unroll_factor = 1 : i64, sc.parallel_access}
      %reduce_sum3A = arith.constant true
      %reduce_sum3A_63 = vector.broadcast %reduce_sum3A : i1 to vector<16xi1>
      %reduce_sum3A_64 = tpu.scan <sum>, %parallel_loop3A_48 masked %reduce_sum3A_63 : vector<16xi32>, vector<16xi1> -> vector<16xi32>
      %reduce_sum3A_65 = vector.extract %reduce_sum3A_64[15] : i32 from vector<16xi32>
      %add3A_66 = arith.constant 15 : i32
      %add3A_67 = arith.addi %reduce_sum3A_65, %add3A_66 : i32
      %jit3A = arith.constant 16 : i32
      %div3A = arith.divsi %add3A_67, %jit3A : i32
      %sign3A = arith.constant 0 : i32
      %sign3A_68 = arith.cmpi sgt, %add3A_67, %sign3A : i32
      %sign3A_69 = arith.extui %sign3A_68 : i1 to i32
      %sign3A_70 = arith.constant 0 : i32
      %sign3A_71 = arith.cmpi slt, %add3A_67, %sign3A_70 : i32
      %sign3A_72 = arith.extui %sign3A_71 : i1 to i32
      %sign3A_73 = arith.subi %sign3A_69, %sign3A_72 : i32
      %sign3A_74 = arith.constant 0 : i32
      %sign3A_75 = arith.cmpi sgt, %jit3A, %sign3A_74 : i32
      %sign3A_76 = arith.extui %sign3A_75 : i1 to i32
      %sign3A_77 = arith.constant 0 : i32
      %sign3A_78 = arith.cmpi slt, %jit3A, %sign3A_77 : i32
      %sign3A_79 = arith.extui %sign3A_78 : i1 to i32
      %sign3A_80 = arith.subi %sign3A_76, %sign3A_79 : i32
      %ne3A = arith.cmpi ne, %sign3A_73, %sign3A_80 : i32
      %rem3A = arith.remsi %add3A_67, %jit3A : i32
      %ne3A_81 = arith.constant 0 : i32
      %ne3A_82 = arith.cmpi ne, %rem3A, %ne3A_81 : i32
      %and3A = arith.andi %ne3A, %ne3A_82 : i1
      %sub3A_83 = arith.constant 1 : i32
      %sub3A_84 = arith.subi %div3A, %sub3A_83 : i32
      %select_n3A = arith.select %and3A, %sub3A_84, %div3A : i32
      %parallel_loop3A_85 = arith.constant 0 : i32
      %parallel_loop3A_86 = arith.constant 1 : i32
      %parallel_loop3A_87:8 = scf.for %parallel_loop3A_512 = %parallel_loop3A_85 to %select_n3A step %parallel_loop3A_86 iter_args(%parallel_loop3A_513 = %broadcast_in_dim3A_5, %parallel_loop3A_514 = %broadcast_in_dim3A_7, %parallel_loop3A_515 = %broadcast_in_dim3A_5, %parallel_loop3A_516 = %broadcast_in_dim3A_7, %parallel_loop3A_517 = %broadcast_in_dim3A_5, %parallel_loop3A_518 = %broadcast_in_dim3A_7, %parallel_loop3A_519 = %broadcast_in_dim3A_5, %parallel_loop3A_520 = %broadcast_in_dim3A_7) -> (vector<16xf32>, vector<16xi32>, vector<16xf32>, vector<16xi32>, vector<16xf32>, vector<16xi32>, vector<16xf32>, vector<16xi32>)  : i32 {
        %parallel_loop3A_521 = arith.constant 16 : i32
        %parallel_loop3A_522 = arith.muli %parallel_loop3A_512, %parallel_loop3A_521 : i32
        %parallel_loop3A_523 = arith.index_cast %parallel_loop3A_522 : i32 to index
        %parallel_loop3A_524 = tpu.vector_load %arg9[%parallel_loop3A_523] {strides = array<i32>} : memref<2064xf32, #tpu.memory_space<vmem>>, vector<16xf32>,
        %parallel_loop3A_525 = arith.constant 16 : i32
        %parallel_loop3A_526 = arith.muli %parallel_loop3A_512, %parallel_loop3A_525 : i32
        %parallel_loop3A_527 = arith.index_cast %parallel_loop3A_526 : i32 to index
        %parallel_loop3A_528 = tpu.vector_load %arg10[%parallel_loop3A_527] {strides = array<i32>} : memref<2064xi32, #tpu.memory_space<vmem>>, vector<16xi32>,
        %parallel_loop3A_529 = arith.constant 16 : i32
        %parallel_loop3A_530 = arith.muli %parallel_loop3A_512, %parallel_loop3A_529 : i32
        %parallel_loop3A_531 = vector.broadcast %parallel_loop3A_530 : i32 to vector<16xi32>
        %parallel_loop3A_532 = arith.addi %iota3A, %parallel_loop3A_531 : vector<16xi32>
        %parallel_loop3A_533 = vector.broadcast %reduce_sum3A_65 : i32 to vector<16xi32>
        %parallel_loop3A_534 = arith.cmpi slt, %parallel_loop3A_532, %parallel_loop3A_533 : vector<16xi32>
        %parallel_loop3A_535 = arith.constant 0x7F800000 : f32
        %parallel_loop3A_536 = vector.broadcast %parallel_loop3A_535 : f32 to vector<16xf32>
        %parallel_loop3A_537 = arith.select %parallel_loop3A_534, %parallel_loop3A_524, %parallel_loop3A_536 : vector<16xi1>, vector<16xf32>
        %parallel_loop3A_538 = arith.constant dense<true> : vector<16xi1>
        %parallel_loop3A_539, %parallel_loop3A_540, %parallel_loop3A_541 = tpu.sort %parallel_loop3A_537, %parallel_loop3A_528 masked %parallel_loop3A_538 : (vector<16xf32>, vector<16xi32>, vector<16xi1>) -> (vector<16xi1>, vector<16xf32>, vector<16xi32>)
        %parallel_loop3A_542 = arith.constant 15 : i32
        %parallel_loop3A_543 = vector.broadcast %parallel_loop3A_542 : i32 to vector<16xi32>
        %parallel_loop3A_544 = tpu.iota {dimensions = array<i32: 0>} : vector<16xi32>
        %parallel_loop3A_545 = arith.subi %parallel_loop3A_543, %parallel_loop3A_544 : vector<16xi32>
        %parallel_loop3A_546 = tpu.dynamic_gather %parallel_loop3A_540[%parallel_loop3A_545] in [0] : vector<16xf32>, vector<16xi32> -> vector<16xf32>
        %parallel_loop3A_547 = arith.constant 15 : i32
        %parallel_loop3A_548 = vector.broadcast %parallel_loop3A_547 : i32 to vector<16xi32>
        %parallel_loop3A_549 = tpu.iota {dimensions = array<i32: 0>} : vector<16xi32>
        %parallel_loop3A_550 = arith.subi %parallel_loop3A_548, %parallel_loop3A_549 : vector<16xi32>
        %parallel_loop3A_551 = tpu.dynamic_gather %parallel_loop3A_541[%parallel_loop3A_550] in [0] : vector<16xi32>, vector<16xi32> -> vector<16xi32>
        %parallel_loop3A_552 = arith.cmpf ole, %parallel_loop3A_513, %parallel_loop3A_546 : vector<16xf32>
        %parallel_loop3A_553 = arith.select %parallel_loop3A_552, %parallel_loop3A_513, %parallel_loop3A_546 : vector<16xi1>, vector<16xf32>
        %parallel_loop3A_554 = arith.select %parallel_loop3A_552, %parallel_loop3A_514, %parallel_loop3A_551 : vector<16xi1>, vector<16xi32>
        %parallel_loop3A_555 = arith.select %parallel_loop3A_552, %parallel_loop3A_546, %parallel_loop3A_513 : vector<16xi1>, vector<16xf32>
        %parallel_loop3A_556 = arith.select %parallel_loop3A_552, %parallel_loop3A_551, %parallel_loop3A_514 : vector<16xi1>, vector<16xi32>
        %parallel_loop3A_557 = arith.constant dense<true> : vector<16xi1>
        %parallel_loop3A_558, %parallel_loop3A_559, %parallel_loop3A_560 = tpu.sort %parallel_loop3A_553, %parallel_loop3A_554 masked %parallel_loop3A_557 : (vector<16xf32>, vector<16xi32>, vector<16xi1>) -> (vector<16xi1>, vector<16xf32>, vector<16xi32>)
        %parallel_loop3A_561 = arith.constant dense<true> : vector<16xi1>
        %parallel_loop3A_562, %parallel_loop3A_563, %parallel_loop3A_564 = tpu.sort %parallel_loop3A_555, %parallel_loop3A_556 masked %parallel_loop3A_561 : (vector<16xf32>, vector<16xi32>, vector<16xi1>) -> (vector<16xi1>, vector<16xf32>, vector<16xi32>)
        %parallel_loop3A_565 = arith.constant 15 : i32
        %parallel_loop3A_566 = vector.broadcast %parallel_loop3A_565 : i32 to vector<16xi32>
        %parallel_loop3A_567 = tpu.iota {dimensions = array<i32: 0>} : vector<16xi32>
        %parallel_loop3A_568 = arith.subi %parallel_loop3A_566, %parallel_loop3A_567 : vector<16xi32>
        %parallel_loop3A_569 = tpu.dynamic_gather %parallel_loop3A_563[%parallel_loop3A_568] in [0] : vector<16xf32>, vector<16xi32> -> vector<16xf32>
        %parallel_loop3A_570 = arith.constant 15 : i32
        %parallel_loop3A_571 = vector.broadcast %parallel_loop3A_570 : i32 to vector<16xi32>
        %parallel_loop3A_572 = tpu.iota {dimensions = array<i32: 0>} : vector<16xi32>
        %parallel_loop3A_573 = arith.subi %parallel_loop3A_571, %parallel_loop3A_572 : vector<16xi32>
        %parallel_loop3A_574 = tpu.dynamic_gather %parallel_loop3A_564[%parallel_loop3A_573] in [0] : vector<16xi32>, vector<16xi32> -> vector<16xi32>
        %parallel_loop3A_575 = arith.cmpf ole, %parallel_loop3A_515, %parallel_loop3A_569 : vector<16xf32>
        %parallel_loop3A_576 = arith.select %parallel_loop3A_575, %parallel_loop3A_515, %parallel_loop3A_569 : vector<16xi1>, vector<16xf32>
        %parallel_loop3A_577 = arith.select %parallel_loop3A_575, %parallel_loop3A_516, %parallel_loop3A_574 : vector<16xi1>, vector<16xi32>
        %parallel_loop3A_578 = arith.select %parallel_loop3A_575, %parallel_loop3A_569, %parallel_loop3A_515 : vector<16xi1>, vector<16xf32>
        %parallel_loop3A_579 = arith.select %parallel_loop3A_575, %parallel_loop3A_574, %parallel_loop3A_516 : vector<16xi1>, vector<16xi32>
        %parallel_loop3A_580 = arith.constant dense<true> : vector<16xi1>
        %parallel_loop3A_581, %parallel_loop3A_582, %parallel_loop3A_583 = tpu.sort %parallel_loop3A_576, %parallel_loop3A_577 masked %parallel_loop3A_580 : (vector<16xf32>, vector<16xi32>, vector<16xi1>) -> (vector<16xi1>, vector<16xf32>, vector<16xi32>)
        %parallel_loop3A_584 = arith.constant dense<true> : vector<16xi1>
        %parallel_loop3A_585, %parallel_loop3A_586, %parallel_loop3A_587 = tpu.sort %parallel_loop3A_578, %parallel_loop3A_579 masked %parallel_loop3A_584 : (vector<16xf32>, vector<16xi32>, vector<16xi1>) -> (vector<16xi1>, vector<16xf32>, vector<16xi32>)
        %parallel_loop3A_588 = arith.constant 15 : i32
        %parallel_loop3A_589 = vector.broadcast %parallel_loop3A_588 : i32 to vector<16xi32>
        %parallel_loop3A_590 = tpu.iota {dimensions = array<i32: 0>} : vector<16xi32>
        %parallel_loop3A_591 = arith.subi %parallel_loop3A_589, %parallel_loop3A_590 : vector<16xi32>
        %parallel_loop3A_592 = tpu.dynamic_gather %parallel_loop3A_586[%parallel_loop3A_591] in [0] : vector<16xf32>, vector<16xi32> -> vector<16xf32>
        %parallel_loop3A_593 = arith.constant 15 : i32
        %parallel_loop3A_594 = vector.broadcast %parallel_loop3A_593 : i32 to vector<16xi32>
        %parallel_loop3A_595 = tpu.iota {dimensions = array<i32: 0>} : vector<16xi32>
        %parallel_loop3A_596 = arith.subi %parallel_loop3A_594, %parallel_loop3A_595 : vector<16xi32>
        %parallel_loop3A_597 = tpu.dynamic_gather %parallel_loop3A_587[%parallel_loop3A_596] in [0] : vector<16xi32>, vector<16xi32> -> vector<16xi32>
        %parallel_loop3A_598 = arith.cmpf ole, %parallel_loop3A_517, %parallel_loop3A_592 : vector<16xf32>
        %parallel_loop3A_599 = arith.select %parallel_loop3A_598, %parallel_loop3A_517, %parallel_loop3A_592 : vector<16xi1>, vector<16xf32>
        %parallel_loop3A_600 = arith.select %parallel_loop3A_598, %parallel_loop3A_518, %parallel_loop3A_597 : vector<16xi1>, vector<16xi32>
        %parallel_loop3A_601 = arith.select %parallel_loop3A_598, %parallel_loop3A_592, %parallel_loop3A_517 : vector<16xi1>, vector<16xf32>
        %parallel_loop3A_602 = arith.select %parallel_loop3A_598, %parallel_loop3A_597, %parallel_loop3A_518 : vector<16xi1>, vector<16xi32>
        %parallel_loop3A_603 = arith.constant dense<true> : vector<16xi1>
        %parallel_loop3A_604, %parallel_loop3A_605, %parallel_loop3A_606 = tpu.sort %parallel_loop3A_599, %parallel_loop3A_600 masked %parallel_loop3A_603 : (vector<16xf32>, vector<16xi32>, vector<16xi1>) -> (vector<16xi1>, vector<16xf32>, vector<16xi32>)
        %parallel_loop3A_607 = arith.constant dense<true> : vector<16xi1>
        %parallel_loop3A_608, %parallel_loop3A_609, %parallel_loop3A_610 = tpu.sort %parallel_loop3A_601, %parallel_loop3A_602 masked %parallel_loop3A_607 : (vector<16xf32>, vector<16xi32>, vector<16xi1>) -> (vector<16xi1>, vector<16xf32>, vector<16xi32>)
        %parallel_loop3A_611 = arith.constant 15 : i32
        %parallel_loop3A_612 = vector.broadcast %parallel_loop3A_611 : i32 to vector<16xi32>
        %parallel_loop3A_613 = tpu.iota {dimensions = array<i32: 0>} : vector<16xi32>
        %parallel_loop3A_614 = arith.subi %parallel_loop3A_612, %parallel_loop3A_613 : vector<16xi32>
        %parallel_loop3A_615 = tpu.dynamic_gather %parallel_loop3A_609[%parallel_loop3A_614] in [0] : vector<16xf32>, vector<16xi32> -> vector<16xf32>
        %parallel_loop3A_616 = arith.constant 15 : i32
        %parallel_loop3A_617 = vector.broadcast %parallel_loop3A_616 : i32 to vector<16xi32>
        %parallel_loop3A_618 = tpu.iota {dimensions = array<i32: 0>} : vector<16xi32>
        %parallel_loop3A_619 = arith.subi %parallel_loop3A_617, %parallel_loop3A_618 : vector<16xi32>
        %parallel_loop3A_620 = tpu.dynamic_gather %parallel_loop3A_610[%parallel_loop3A_619] in [0] : vector<16xi32>, vector<16xi32> -> vector<16xi32>
        %parallel_loop3A_621 = arith.cmpf ole, %parallel_loop3A_519, %parallel_loop3A_615 : vector<16xf32>
        %parallel_loop3A_622 = arith.select %parallel_loop3A_621, %parallel_loop3A_519, %parallel_loop3A_615 : vector<16xi1>, vector<16xf32>
        %parallel_loop3A_623 = arith.select %parallel_loop3A_621, %parallel_loop3A_520, %parallel_loop3A_620 : vector<16xi1>, vector<16xi32>
        %parallel_loop3A_624 = arith.select %parallel_loop3A_621, %parallel_loop3A_615, %parallel_loop3A_519 : vector<16xi1>, vector<16xf32>
        %parallel_loop3A_625 = arith.select %parallel_loop3A_621, %parallel_loop3A_620, %parallel_loop3A_520 : vector<16xi1>, vector<16xi32>
        %parallel_loop3A_626 = arith.constant dense<true> : vector<16xi1>
        %parallel_loop3A_627, %parallel_loop3A_628, %parallel_loop3A_629 = tpu.sort %parallel_loop3A_622, %parallel_loop3A_623 masked %parallel_loop3A_626 : (vector<16xf32>, vector<16xi32>, vector<16xi1>) -> (vector<16xi1>, vector<16xf32>, vector<16xi32>)
        scf.yield %parallel_loop3A_559, %parallel_loop3A_560, %parallel_loop3A_582, %parallel_loop3A_583, %parallel_loop3A_605, %parallel_loop3A_606, %parallel_loop3A_628, %parallel_loop3A_629 : vector<16xf32>, vector<16xi32>, vector<16xf32>, vector<16xi32>, vector<16xf32>, vector<16xi32>, vector<16xf32>, vector<16xi32>
      } {sc.loop_unroll_factor = 1 : i64, sc.parallel_access}
      %mul3A_88 = arith.constant 64 : i32
      %mul3A_89 = arith.muli %add3A_23, %mul3A_88 : i32
      %add3A_90 = arith.constant 0 : i32
      %add3A_91 = arith.addi %mul3A_89, %add3A_90 : i32
      %convert_element_type3A = arith.sitofp %parallel_loop3A_87#1 : vector<16xi32> to vector<16xf32>
      %swap3A = arith.constant 4 : i32
      %swap3A_92 = arith.index_cast %swap3A : i32 to index
      %swap3A_93 = arith.index_cast %add3A_91 : i32 to index
      %swap3A_94 = tpu.vector_load %arg11[%swap3A_92, %swap3A_93] {strides = array<i32>} : memref<5x4096xf32, #tpu.memory_space<vmem>>, vector<16xf32>,
      tpu.vector_store %arg11[%swap3A_92, %swap3A_93], %convert_element_type3A {strides = array<i32>} : memref<5x4096xf32, #tpu.memory_space<vmem>>, vector<16xf32>,
      %mul3A_95 = arith.constant 4 : i32
      %mul3A_96 = vector.broadcast %mul3A_95 : i32 to vector<16xi32>
      %mul3A_97 = arith.muli %parallel_loop3A_87#1, %mul3A_96 : vector<16xi32>
      %add3A_98 = arith.constant 0 : i32
      %add3A_99 = vector.broadcast %add3A_98 : i32 to vector<16xi32>
      %add3A_100 = arith.addi %mul3A_97, %add3A_99 : vector<16xi32>
      %gather3A = tpu.vector_load_idx %arg4[%add3A_100] : memref<8192xf32, #tpu.memory_space<vmem>>[vector<16xi32>], vector<16xf32>,
      %swap3A_101 = arith.constant 0 : i32
      %swap3A_102 = arith.index_cast %swap3A_101 : i32 to index
      %swap3A_103 = arith.index_cast %add3A_91 : i32 to index
      %swap3A_104 = tpu.vector_load %arg11[%swap3A_102, %swap3A_103] {strides = array<i32>} : memref<5x4096xf32, #tpu.memory_space<vmem>>, vector<16xf32>,
      tpu.vector_store %arg11[%swap3A_102, %swap3A_103], %gather3A {strides = array<i32>} : memref<5x4096xf32, #tpu.memory_space<vmem>>, vector<16xf32>,
      %add3A_105 = arith.constant 1 : i32
      %add3A_106 = vector.broadcast %add3A_105 : i32 to vector<16xi32>
      %add3A_107 = arith.addi %mul3A_97, %add3A_106 : vector<16xi32>
      %gather3A_108 = tpu.vector_load_idx %arg4[%add3A_107] : memref<8192xf32, #tpu.memory_space<vmem>>[vector<16xi32>], vector<16xf32>,
      %swap3A_109 = arith.constant 1 : i32
      %swap3A_110 = arith.index_cast %swap3A_109 : i32 to index
      %swap3A_111 = arith.index_cast %add3A_91 : i32 to index
      %swap3A_112 = tpu.vector_load %arg11[%swap3A_110, %swap3A_111] {strides = array<i32>} : memref<5x4096xf32, #tpu.memory_space<vmem>>, vector<16xf32>,
      tpu.vector_store %arg11[%swap3A_110, %swap3A_111], %gather3A_108 {strides = array<i32>} : memref<5x4096xf32, #tpu.memory_space<vmem>>, vector<16xf32>,
      %add3A_113 = arith.constant 2 : i32
      %add3A_114 = vector.broadcast %add3A_113 : i32 to vector<16xi32>
      %add3A_115 = arith.addi %mul3A_97, %add3A_114 : vector<16xi32>
      %gather3A_116 = tpu.vector_load_idx %arg4[%add3A_115] : memref<8192xf32, #tpu.memory_space<vmem>>[vector<16xi32>], vector<16xf32>,
      %swap3A_117 = arith.constant 2 : i32
      %swap3A_118 = arith.index_cast %swap3A_117 : i32 to index
      %swap3A_119 = arith.index_cast %add3A_91 : i32 to index
      %swap3A_120 = tpu.vector_load %arg11[%swap3A_118, %swap3A_119] {strides = array<i32>} : memref<5x4096xf32, #tpu.memory_space<vmem>>, vector<16xf32>,
      tpu.vector_store %arg11[%swap3A_118, %swap3A_119], %gather3A_116 {strides = array<i32>} : memref<5x4096xf32, #tpu.memory_space<vmem>>, vector<16xf32>,
      %add3A_121 = arith.constant 3 : i32
      %add3A_122 = vector.broadcast %add3A_121 : i32 to vector<16xi32>
      %add3A_123 = arith.addi %mul3A_97, %add3A_122 : vector<16xi32>
      %gather3A_124 = tpu.vector_load_idx %arg4[%add3A_123] : memref<8192xf32, #tpu.memory_space<vmem>>[vector<16xi32>], vector<16xf32>,
      %swap3A_125 = arith.constant 3 : i32
      %swap3A_126 = arith.index_cast %swap3A_125 : i32 to index
      %swap3A_127 = arith.index_cast %add3A_91 : i32 to index
      %swap3A_128 = tpu.vector_load %arg11[%swap3A_126, %swap3A_127] {strides = array<i32>} : memref<5x4096xf32, #tpu.memory_space<vmem>>, vector<16xf32>,
      tpu.vector_store %arg11[%swap3A_126, %swap3A_127], %gather3A_124 {strides = array<i32>} : memref<5x4096xf32, #tpu.memory_space<vmem>>, vector<16xf32>,
      %mul3A_129 = arith.constant 64 : i32
      %mul3A_130 = arith.muli %add3A_23, %mul3A_129 : i32
      %add3A_131 = arith.constant 16 : i32
      %add3A_132 = arith.addi %mul3A_130, %add3A_131 : i32
      %convert_element_type3A_133 = arith.sitofp %parallel_loop3A_87#3 : vector<16xi32> to vector<16xf32>
      %swap3A_134 = arith.constant 4 : i32
      %swap3A_135 = arith.index_cast %swap3A_134 : i32 to index
      %swap3A_136 = arith.index_cast %add3A_132 : i32 to index
      %swap3A_137 = tpu.vector_load %arg11[%swap3A_135, %swap3A_136] {strides = array<i32>} : memref<5x4096xf32, #tpu.memory_space<vmem>>, vector<16xf32>,
      tpu.vector_store %arg11[%swap3A_135, %swap3A_136], %convert_element_type3A_133 {strides = array<i32>} : memref<5x4096xf32, #tpu.memory_space<vmem>>, vector<16xf32>,
      %mul3A_138 = arith.constant 4 : i32
      %mul3A_139 = vector.broadcast %mul3A_138 : i32 to vector<16xi32>
      %mul3A_140 = arith.muli %parallel_loop3A_87#3, %mul3A_139 : vector<16xi32>
      %add3A_141 = arith.constant 0 : i32
      %add3A_142 = vector.broadcast %add3A_141 : i32 to vector<16xi32>
      %add3A_143 = arith.addi %mul3A_140, %add3A_142 : vector<16xi32>
      %gather3A_144 = tpu.vector_load_idx %arg4[%add3A_143] : memref<8192xf32, #tpu.memory_space<vmem>>[vector<16xi32>], vector<16xf32>,
      %swap3A_145 = arith.constant 0 : i32
      %swap3A_146 = arith.index_cast %swap3A_145 : i32 to index
      %swap3A_147 = arith.index_cast %add3A_132 : i32 to index
      %swap3A_148 = tpu.vector_load %arg11[%swap3A_146, %swap3A_147] {strides = array<i32>} : memref<5x4096xf32, #tpu.memory_space<vmem>>, vector<16xf32>,
      tpu.vector_store %arg11[%swap3A_146, %swap3A_147], %gather3A_144 {strides = array<i32>} : memref<5x4096xf32, #tpu.memory_space<vmem>>, vector<16xf32>,
      %add3A_149 = arith.constant 1 : i32
      %add3A_150 = vector.broadcast %add3A_149 : i32 to vector<16xi32>
      %add3A_151 = arith.addi %mul3A_140, %add3A_150 : vector<16xi32>
      %gather3A_152 = tpu.vector_load_idx %arg4[%add3A_151] : memref<8192xf32, #tpu.memory_space<vmem>>[vector<16xi32>], vector<16xf32>,
      %swap3A_153 = arith.constant 1 : i32
      %swap3A_154 = arith.index_cast %swap3A_153 : i32 to index
      %swap3A_155 = arith.index_cast %add3A_132 : i32 to index
      %swap3A_156 = tpu.vector_load %arg11[%swap3A_154, %swap3A_155] {strides = array<i32>} : memref<5x4096xf32, #tpu.memory_space<vmem>>, vector<16xf32>,
      tpu.vector_store %arg11[%swap3A_154, %swap3A_155], %gather3A_152 {strides = array<i32>} : memref<5x4096xf32, #tpu.memory_space<vmem>>, vector<16xf32>,
      %add3A_157 = arith.constant 2 : i32
      %add3A_158 = vector.broadcast %add3A_157 : i32 to vector<16xi32>
      %add3A_159 = arith.addi %mul3A_140, %add3A_158 : vector<16xi32>
      %gather3A_160 = tpu.vector_load_idx %arg4[%add3A_159] : memref<8192xf32, #tpu.memory_space<vmem>>[vector<16xi32>], vector<16xf32>,
      %swap3A_161 = arith.constant 2 : i32
      %swap3A_162 = arith.index_cast %swap3A_161 : i32 to index
      %swap3A_163 = arith.index_cast %add3A_132 : i32 to index
      %swap3A_164 = tpu.vector_load %arg11[%swap3A_162, %swap3A_163] {strides = array<i32>} : memref<5x4096xf32, #tpu.memory_space<vmem>>, vector<16xf32>,
      tpu.vector_store %arg11[%swap3A_162, %swap3A_163], %gather3A_160 {strides = array<i32>} : memref<5x4096xf32, #tpu.memory_space<vmem>>, vector<16xf32>,
      %add3A_165 = arith.constant 3 : i32
      %add3A_166 = vector.broadcast %add3A_165 : i32 to vector<16xi32>
      %add3A_167 = arith.addi %mul3A_140, %add3A_166 : vector<16xi32>
      %gather3A_168 = tpu.vector_load_idx %arg4[%add3A_167] : memref<8192xf32, #tpu.memory_space<vmem>>[vector<16xi32>], vector<16xf32>,
      %swap3A_169 = arith.constant 3 : i32
      %swap3A_170 = arith.index_cast %swap3A_169 : i32 to index
      %swap3A_171 = arith.index_cast %add3A_132 : i32 to index
      %swap3A_172 = tpu.vector_load %arg11[%swap3A_170, %swap3A_171] {strides = array<i32>} : memref<5x4096xf32, #tpu.memory_space<vmem>>, vector<16xf32>,
      tpu.vector_store %arg11[%swap3A_170, %swap3A_171], %gather3A_168 {strides = array<i32>} : memref<5x4096xf32, #tpu.memory_space<vmem>>, vector<16xf32>,
      %mul3A_173 = arith.constant 64 : i32
      %mul3A_174 = arith.muli %add3A_23, %mul3A_173 : i32
      %add3A_175 = arith.constant 32 : i32
      %add3A_176 = arith.addi %mul3A_174, %add3A_175 : i32
      %convert_element_type3A_177 = arith.sitofp %parallel_loop3A_87#5 : vector<16xi32> to vector<16xf32>
      %swap3A_178 = arith.constant 4 : i32
      %swap3A_179 = arith.index_cast %swap3A_178 : i32 to index
      %swap3A_180 = arith.index_cast %add3A_176 : i32 to index
      %swap3A_181 = tpu.vector_load %arg11[%swap3A_179, %swap3A_180] {strides = array<i32>} : memref<5x4096xf32, #tpu.memory_space<vmem>>, vector<16xf32>,
      tpu.vector_store %arg11[%swap3A_179, %swap3A_180], %convert_element_type3A_177 {strides = array<i32>} : memref<5x4096xf32, #tpu.memory_space<vmem>>, vector<16xf32>,
      %mul3A_182 = arith.constant 4 : i32
      %mul3A_183 = vector.broadcast %mul3A_182 : i32 to vector<16xi32>
      %mul3A_184 = arith.muli %parallel_loop3A_87#5, %mul3A_183 : vector<16xi32>
      %add3A_185 = arith.constant 0 : i32
      %add3A_186 = vector.broadcast %add3A_185 : i32 to vector<16xi32>
      %add3A_187 = arith.addi %mul3A_184, %add3A_186 : vector<16xi32>
      %gather3A_188 = tpu.vector_load_idx %arg4[%add3A_187] : memref<8192xf32, #tpu.memory_space<vmem>>[vector<16xi32>], vector<16xf32>,
      %swap3A_189 = arith.constant 0 : i32
      %swap3A_190 = arith.index_cast %swap3A_189 : i32 to index
      %swap3A_191 = arith.index_cast %add3A_176 : i32 to index
      %swap3A_192 = tpu.vector_load %arg11[%swap3A_190, %swap3A_191] {strides = array<i32>} : memref<5x4096xf32, #tpu.memory_space<vmem>>, vector<16xf32>,
      tpu.vector_store %arg11[%swap3A_190, %swap3A_191], %gather3A_188 {strides = array<i32>} : memref<5x4096xf32, #tpu.memory_space<vmem>>, vector<16xf32>,
      %add3A_193 = arith.constant 1 : i32
      %add3A_194 = vector.broadcast %add3A_193 : i32 to vector<16xi32>
      %add3A_195 = arith.addi %mul3A_184, %add3A_194 : vector<16xi32>
      %gather3A_196 = tpu.vector_load_idx %arg4[%add3A_195] : memref<8192xf32, #tpu.memory_space<vmem>>[vector<16xi32>], vector<16xf32>,
      %swap3A_197 = arith.constant 1 : i32
      %swap3A_198 = arith.index_cast %swap3A_197 : i32 to index
      %swap3A_199 = arith.index_cast %add3A_176 : i32 to index
      %swap3A_200 = tpu.vector_load %arg11[%swap3A_198, %swap3A_199] {strides = array<i32>} : memref<5x4096xf32, #tpu.memory_space<vmem>>, vector<16xf32>,
      tpu.vector_store %arg11[%swap3A_198, %swap3A_199], %gather3A_196 {strides = array<i32>} : memref<5x4096xf32, #tpu.memory_space<vmem>>, vector<16xf32>,
      %add3A_201 = arith.constant 2 : i32
      %add3A_202 = vector.broadcast %add3A_201 : i32 to vector<16xi32>
      %add3A_203 = arith.addi %mul3A_184, %add3A_202 : vector<16xi32>
      %gather3A_204 = tpu.vector_load_idx %arg4[%add3A_203] : memref<8192xf32, #tpu.memory_space<vmem>>[vector<16xi32>], vector<16xf32>,
      %swap3A_205 = arith.constant 2 : i32
      %swap3A_206 = arith.index_cast %swap3A_205 : i32 to index
      %swap3A_207 = arith.index_cast %add3A_176 : i32 to index
      %swap3A_208 = tpu.vector_load %arg11[%swap3A_206, %swap3A_207] {strides = array<i32>} : memref<5x4096xf32, #tpu.memory_space<vmem>>, vector<16xf32>,
      tpu.vector_store %arg11[%swap3A_206, %swap3A_207], %gather3A_204 {strides = array<i32>} : memref<5x4096xf32, #tpu.memory_space<vmem>>, vector<16xf32>,
      %add3A_209 = arith.constant 3 : i32
      %add3A_210 = vector.broadcast %add3A_209 : i32 to vector<16xi32>
      %add3A_211 = arith.addi %mul3A_184, %add3A_210 : vector<16xi32>
      %gather3A_212 = tpu.vector_load_idx %arg4[%add3A_211] : memref<8192xf32, #tpu.memory_space<vmem>>[vector<16xi32>], vector<16xf32>,
      %swap3A_213 = arith.constant 3 : i32
      %swap3A_214 = arith.index_cast %swap3A_213 : i32 to index
      %swap3A_215 = arith.index_cast %add3A_176 : i32 to index
      %swap3A_216 = tpu.vector_load %arg11[%swap3A_214, %swap3A_215] {strides = array<i32>} : memref<5x4096xf32, #tpu.memory_space<vmem>>, vector<16xf32>,
      tpu.vector_store %arg11[%swap3A_214, %swap3A_215], %gather3A_212 {strides = array<i32>} : memref<5x4096xf32, #tpu.memory_space<vmem>>, vector<16xf32>,
      %mul3A_217 = arith.constant 64 : i32
      %mul3A_218 = arith.muli %add3A_23, %mul3A_217 : i32
      %add3A_219 = arith.constant 48 : i32
      %add3A_220 = arith.addi %mul3A_218, %add3A_219 : i32
      %convert_element_type3A_221 = arith.sitofp %parallel_loop3A_87#7 : vector<16xi32> to vector<16xf32>
      %swap3A_222 = arith.constant 4 : i32
      %swap3A_223 = arith.index_cast %swap3A_222 : i32 to index
      %swap3A_224 = arith.index_cast %add3A_220 : i32 to index
      %swap3A_225 = tpu.vector_load %arg11[%swap3A_223, %swap3A_224] {strides = array<i32>} : memref<5x4096xf32, #tpu.memory_space<vmem>>, vector<16xf32>,
      tpu.vector_store %arg11[%swap3A_223, %swap3A_224], %convert_element_type3A_221 {strides = array<i32>} : memref<5x4096xf32, #tpu.memory_space<vmem>>, vector<16xf32>,
      %mul3A_226 = arith.constant 4 : i32
      %mul3A_227 = vector.broadcast %mul3A_226 : i32 to vector<16xi32>
      %mul3A_228 = arith.muli %parallel_loop3A_87#7, %mul3A_227 : vector<16xi32>
      %add3A_229 = arith.constant 0 : i32
      %add3A_230 = vector.broadcast %add3A_229 : i32 to vector<16xi32>
      %add3A_231 = arith.addi %mul3A_228, %add3A_230 : vector<16xi32>
      %gather3A_232 = tpu.vector_load_idx %arg4[%add3A_231] : memref<8192xf32, #tpu.memory_space<vmem>>[vector<16xi32>], vector<16xf32>,
      %swap3A_233 = arith.constant 0 : i32
      %swap3A_234 = arith.index_cast %swap3A_233 : i32 to index
      %swap3A_235 = arith.index_cast %add3A_220 : i32 to index
      %swap3A_236 = tpu.vector_load %arg11[%swap3A_234, %swap3A_235] {strides = array<i32>} : memref<5x4096xf32, #tpu.memory_space<vmem>>, vector<16xf32>,
      tpu.vector_store %arg11[%swap3A_234, %swap3A_235], %gather3A_232 {strides = array<i32>} : memref<5x4096xf32, #tpu.memory_space<vmem>>, vector<16xf32>,
      %add3A_237 = arith.constant 1 : i32
      %add3A_238 = vector.broadcast %add3A_237 : i32 to vector<16xi32>
      %add3A_239 = arith.addi %mul3A_228, %add3A_238 : vector<16xi32>
      %gather3A_240 = tpu.vector_load_idx %arg4[%add3A_239] : memref<8192xf32, #tpu.memory_space<vmem>>[vector<16xi32>], vector<16xf32>,
      %swap3A_241 = arith.constant 1 : i32
      %swap3A_242 = arith.index_cast %swap3A_241 : i32 to index
      %swap3A_243 = arith.index_cast %add3A_220 : i32 to index
      %swap3A_244 = tpu.vector_load %arg11[%swap3A_242, %swap3A_243] {strides = array<i32>} : memref<5x4096xf32, #tpu.memory_space<vmem>>, vector<16xf32>,
      tpu.vector_store %arg11[%swap3A_242, %swap3A_243], %gather3A_240 {strides = array<i32>} : memref<5x4096xf32, #tpu.memory_space<vmem>>, vector<16xf32>,
      %add3A_245 = arith.constant 2 : i32
      %add3A_246 = vector.broadcast %add3A_245 : i32 to vector<16xi32>
      %add3A_247 = arith.addi %mul3A_228, %add3A_246 : vector<16xi32>
      %gather3A_248 = tpu.vector_load_idx %arg4[%add3A_247] : memref<8192xf32, #tpu.memory_space<vmem>>[vector<16xi32>], vector<16xf32>,
      %swap3A_249 = arith.constant 2 : i32
      %swap3A_250 = arith.index_cast %swap3A_249 : i32 to index
      %swap3A_251 = arith.index_cast %add3A_220 : i32 to index
      %swap3A_252 = tpu.vector_load %arg11[%swap3A_250, %swap3A_251] {strides = array<i32>} : memref<5x4096xf32, #tpu.memory_space<vmem>>, vector<16xf32>,
      tpu.vector_store %arg11[%swap3A_250, %swap3A_251], %gather3A_248 {strides = array<i32>} : memref<5x4096xf32, #tpu.memory_space<vmem>>, vector<16xf32>,
      %add3A_253 = arith.constant 3 : i32
      %add3A_254 = vector.broadcast %add3A_253 : i32 to vector<16xi32>
      %add3A_255 = arith.addi %mul3A_228, %add3A_254 : vector<16xi32>
      %gather3A_256 = tpu.vector_load_idx %arg4[%add3A_255] : memref<8192xf32, #tpu.memory_space<vmem>>[vector<16xi32>], vector<16xf32>,
      %swap3A_257 = arith.constant 3 : i32
      %swap3A_258 = arith.index_cast %swap3A_257 : i32 to index
      %swap3A_259 = arith.index_cast %add3A_220 : i32 to index
      %swap3A_260 = tpu.vector_load %arg11[%swap3A_258, %swap3A_259] {strides = array<i32>} : memref<5x4096xf32, #tpu.memory_space<vmem>>, vector<16xf32>,
      tpu.vector_store %arg11[%swap3A_258, %swap3A_259], %gather3A_256 {strides = array<i32>} : memref<5x4096xf32, #tpu.memory_space<vmem>>, vector<16xf32>,
      %add3A_261 = arith.constant 2 : i32
      %add3A_262 = arith.addi %add3A_23, %add3A_261 : i32
      %lt3A = arith.constant 64 : i32
      %lt3A_263 = arith.cmpi slt, %add3A_262, %lt3A : i32
      %convert_element_type3A_264 = arith.extui %lt3A_263 : i1 to i32
      %cond3A = arith.constant 0 : i32
      %cond3A_265 = arith.cmpi ne, %convert_element_type3A_264, %cond3A : i32
      scf.if %cond3A_265 {
        %add3A_512 = arith.addi %mul3A_2, %add3A_23 : i32
        %add3A_513 = arith.constant 2 : i32
        %add3A_514 = arith.addi %add3A_512, %add3A_513 : i32
        %dma_start3A_515 = arith.constant 0 : i32
        %dma_start3A_516 = tpu.memref_slice %arg2[%add3A_514, %dma_start3A_515] : memref<2048x8192xf32, #tpu.memory_space<hbm>> -> memref<1x8192xf32, #tpu.memory_space<hbm>>
        %dma_start3A_517 = tpu.memref_squeeze %dma_start3A_516 : memref<1x8192xf32, #tpu.memory_space<hbm>> -> memref<8192xf32, #tpu.memory_space<hbm>>
        %dma_start3A_518 = arith.constant 0 : i32
        %dma_start3A_519 = tpu.memref_slice %arg2[%add3A_514, %dma_start3A_518] : memref<2048x8192xf32, #tpu.memory_space<hbm>> -> memref<1x8192xf32, #tpu.memory_space<hbm>>
        %dma_start3A_520 = tpu.memref_squeeze %dma_start3A_519 : memref<1x8192xf32, #tpu.memory_space<hbm>> -> memref<8192xf32, #tpu.memory_space<hbm>>
        tpu.enqueue_dma source(%dma_start3A_520 : memref<8192xf32, #tpu.memory_space<hbm>>) target(%arg4 : memref<8192xf32, #tpu.memory_space<vmem>>) target_semaphore(%arg12 : memref<!tpu.dma_semaphore, #tpu.memory_space<semaphore_mem>>)
      } else {
      }
      %add3A_266 = arith.constant 1 : i32
      %add3A_267 = arith.addi %add3A_23, %add3A_266 : i32
      %add3A_268 = arith.addi %mul3A_2, %add3A_267 : i32
      %dma_wait3A_269 = arith.constant 0 : i32
      %dma_wait3A_270 = tpu.memref_slice %arg2[%add3A_268, %dma_wait3A_269] : memref<2048x8192xf32, #tpu.memory_space<hbm>> -> memref<1x8192xf32, #tpu.memory_space<hbm>>
      %dma_wait3A_271 = tpu.memref_squeeze %dma_wait3A_270 : memref<1x8192xf32, #tpu.memory_space<hbm>> -> memref<8192xf32, #tpu.memory_space<hbm>>
      %dma_wait3A_272 = arith.constant 0 : i32
      %dma_wait3A_273 = tpu.memref_slice %arg2[%add3A_268, %dma_wait3A_272] : memref<2048x8192xf32, #tpu.memory_space<hbm>> -> memref<1x8192xf32, #tpu.memory_space<hbm>>
      %dma_wait3A_274 = tpu.memref_squeeze %dma_wait3A_273 : memref<1x8192xf32, #tpu.memory_space<hbm>> -> memref<8192xf32, #tpu.memory_space<hbm>>
      tpu.wait_dma2 semaphore(%arg13 : memref<!tpu.dma_semaphore, #tpu.memory_space<semaphore_mem>>) src(%dma_wait3A_274 : memref<8192xf32, #tpu.memory_space<hbm>>) dst(%arg5 : memref<8192xf32, #tpu.memory_space<vmem>>)
      %parallel_loop3A_275 = arith.constant 0 : i32
      %parallel_loop3A_276 = arith.constant 128 : i32
      %parallel_loop3A_277 = arith.constant 1 : i32
      %parallel_loop3A_278:4 = scf.for %parallel_loop3A_512 = %parallel_loop3A_275 to %parallel_loop3A_276 step %parallel_loop3A_277 iter_args(%parallel_loop3A_513 = %broadcast_in_dim3A_5, %parallel_loop3A_514 = %broadcast_in_dim3A_5, %parallel_loop3A_515 = %broadcast_in_dim3A_5, %parallel_loop3A_516 = %broadcast_in_dim3A_5) -> (vector<16xf32>, vector<16xf32>, vector<16xf32>, vector<16xf32>)  : i32 {
        %parallel_loop3A_517 = arith.constant 64 : i32
        %parallel_loop3A_518 = arith.muli %parallel_loop3A_512, %parallel_loop3A_517 : i32
        %parallel_loop3A_519 = arith.constant 4 : i32
        %parallel_loop3A_520 = vector.broadcast %parallel_loop3A_519 : i32 to vector<16xi32>
        %parallel_loop3A_521 = arith.muli %parallel_loop3A_520, %iota3A : vector<16xi32>
        %parallel_loop3A_522 = vector.broadcast %parallel_loop3A_518 : i32 to vector<16xi32>
        %parallel_loop3A_523 = arith.addi %parallel_loop3A_522, %parallel_loop3A_521 : vector<16xi32>
        %parallel_loop3A_524 = tpu.vector_load_idx %arg5[%parallel_loop3A_523] : memref<8192xf32, #tpu.memory_space<vmem>>[vector<16xi32>], vector<16xf32>,
        %parallel_loop3A_525 = arith.constant 1 : i32
        %parallel_loop3A_526 = vector.broadcast %parallel_loop3A_525 : i32 to vector<16xi32>
        %parallel_loop3A_527 = arith.addi %parallel_loop3A_523, %parallel_loop3A_526 : vector<16xi32>
        %parallel_loop3A_528 = tpu.vector_load_idx %arg5[%parallel_loop3A_527] : memref<8192xf32, #tpu.memory_space<vmem>>[vector<16xi32>], vector<16xf32>,
        %parallel_loop3A_529 = arith.mulf %parallel_loop3A_524, %parallel_loop3A_524 : vector<16xf32>
        %parallel_loop3A_530 = arith.mulf %parallel_loop3A_528, %parallel_loop3A_528 : vector<16xf32>
        %parallel_loop3A_531 = arith.addf %parallel_loop3A_529, %parallel_loop3A_530 : vector<16xf32>
        %parallel_loop3A_532 = arith.constant 9.99999997E-7 : f32
        %parallel_loop3A_533 = vector.broadcast %parallel_loop3A_532 : f32 to vector<16xf32>
        %parallel_loop3A_534 = arith.addf %parallel_loop3A_531, %parallel_loop3A_533 : vector<16xf32>
        %parallel_loop3A_535 = arith.constant 16 : i32
        %parallel_loop3A_536 = arith.muli %parallel_loop3A_512, %parallel_loop3A_535 : i32
        %parallel_loop3A_537 = arith.index_cast %parallel_loop3A_536 : i32 to index
        %parallel_loop3A_538 = tpu.vector_load %arg6[%parallel_loop3A_537] {strides = array<i32>} : memref<2048xf32, #tpu.memory_space<vmem>>, vector<16xf32>,
        tpu.vector_store %arg6[%parallel_loop3A_537], %parallel_loop3A_534 {strides = array<i32>} : memref<2048xf32, #tpu.memory_space<vmem>>, vector<16xf32>,
        %parallel_loop3A_539 = arith.maximumf %parallel_loop3A_515, %parallel_loop3A_534 : vector<16xf32>
        %parallel_loop3A_540 = arith.minimumf %parallel_loop3A_516, %parallel_loop3A_539 : vector<16xf32>
        %parallel_loop3A_541 = arith.maximumf %parallel_loop3A_514, %parallel_loop3A_534 : vector<16xf32>
        %parallel_loop3A_542 = arith.minimumf %parallel_loop3A_515, %parallel_loop3A_541 : vector<16xf32>
        %parallel_loop3A_543 = arith.maximumf %parallel_loop3A_513, %parallel_loop3A_534 : vector<16xf32>
        %parallel_loop3A_544 = arith.minimumf %parallel_loop3A_514, %parallel_loop3A_543 : vector<16xf32>
        %parallel_loop3A_545 = arith.minimumf %parallel_loop3A_513, %parallel_loop3A_534 : vector<16xf32>
        scf.yield %parallel_loop3A_545, %parallel_loop3A_544, %parallel_loop3A_542, %parallel_loop3A_540 : vector<16xf32>, vector<16xf32>, vector<16xf32>, vector<16xf32>
      } {sc.loop_unroll_factor = 4 : i64, sc.parallel_access}
      %reduce_max3A_279 = arith.constant true
      %reduce_max3A_280 = vector.broadcast %reduce_max3A_279 : i1 to vector<16xi1>
      %reduce_max3A_281 = tpu.scan <max>, %parallel_loop3A_278#3 masked %reduce_max3A_280 : vector<16xf32>, vector<16xi1> -> vector<16xf32>
      %reduce_max3A_282 = vector.extract %reduce_max3A_281[15] : f32 from vector<16xf32>
      %parallel_loop3A_283 = arith.constant 0 : i32
      %parallel_loop3A_284 = arith.constant 128 : i32
      %parallel_loop3A_285 = arith.constant 1 : i32
      %parallel_loop3A_286 = scf.for %parallel_loop3A_512 = %parallel_loop3A_283 to %parallel_loop3A_284 step %parallel_loop3A_285 iter_args(%parallel_loop3A_513 = %broadcast_in_dim3A_7) -> (vector<16xi32>)  : i32 {
        %parallel_loop3A_514 = arith.constant 16 : i32
        %parallel_loop3A_515 = arith.muli %parallel_loop3A_512, %parallel_loop3A_514 : i32
        %parallel_loop3A_516 = arith.index_cast %parallel_loop3A_515 : i32 to index
        %parallel_loop3A_517 = tpu.vector_load %arg6[%parallel_loop3A_516] {strides = array<i32>} : memref<2048xf32, #tpu.memory_space<vmem>>, vector<16xf32>,
        %parallel_loop3A_518 = vector.broadcast %reduce_max3A_282 : f32 to vector<16xf32>
        %parallel_loop3A_519 = arith.cmpf ole, %parallel_loop3A_517, %parallel_loop3A_518 : vector<16xf32>
        %parallel_loop3A_520 = arith.constant 16 : i32
        %parallel_loop3A_521 = vector.broadcast %parallel_loop3A_520 : i32 to vector<16xi32>
        %parallel_loop3A_522 = arith.muli %parallel_loop3A_513, %parallel_loop3A_521 : vector<16xi32>
        %parallel_loop3A_523 = arith.addi %parallel_loop3A_522, %iota3A : vector<16xi32>
        tpu.vector_store_idx %arg7[%parallel_loop3A_523], %parallel_loop3A_517 masked %parallel_loop3A_519 : memref<2048xf32, #tpu.memory_space<vmem>>[vector<16xi32>], vector<16xf32>, vector<16xi1>
        %parallel_loop3A_524 = arith.constant 16 : i32
        %parallel_loop3A_525 = arith.muli %parallel_loop3A_512, %parallel_loop3A_524 : i32
        %parallel_loop3A_526 = vector.broadcast %parallel_loop3A_525 : i32 to vector<16xi32>
        %parallel_loop3A_527 = arith.addi %iota3A, %parallel_loop3A_526 : vector<16xi32>
        tpu.vector_store_idx %arg8[%parallel_loop3A_523], %parallel_loop3A_527 masked %parallel_loop3A_519 : memref<2048xi32, #tpu.memory_space<vmem>>[vector<16xi32>], vector<16xi32>, vector<16xi1>
        %parallel_loop3A_528 = arith.constant 1 : i32
        %parallel_loop3A_529 = arith.constant 0 : i32
        %parallel_loop3A_530 = vector.broadcast %parallel_loop3A_528 : i32 to vector<16xi32>
        %parallel_loop3A_531 = vector.broadcast %parallel_loop3A_529 : i32 to vector<16xi32>
        %parallel_loop3A_532 = arith.select %parallel_loop3A_519, %parallel_loop3A_530, %parallel_loop3A_531 : vector<16xi1>, vector<16xi32>
        %parallel_loop3A_533 = arith.addi %parallel_loop3A_513, %parallel_loop3A_532 : vector<16xi32>
        scf.yield %parallel_loop3A_533 : vector<16xi32>
      } {sc.loop_unroll_factor = 4 : i64, sc.parallel_access}
      %reduce_max3A_287 = arith.constant true
      %reduce_max3A_288 = vector.broadcast %reduce_max3A_287 : i1 to vector<16xi1>
      %reduce_max3A_289 = arith.constant -2147483648 : i32
      %reduce_max3A_290 = vector.broadcast %reduce_max3A_289 : i32 to vector<16xi32>
      %reduce_max3A_291 = arith.xori %parallel_loop3A_286, %reduce_max3A_290 : vector<16xi32>
      %reduce_max3A_292 = tpu.scan <max>, %reduce_max3A_291 masked %reduce_max3A_288 : vector<16xi32>, vector<16xi1> -> vector<16xi32>
      %reduce_max3A_293 = arith.xori %reduce_max3A_292, %reduce_max3A_290 : vector<16xi32>
      %reduce_max3A_294 = vector.extract %reduce_max3A_293[15] : i32 from vector<16xi32>
      %broadcast_in_dim3A_295 = arith.constant true
      %broadcast_in_dim3A_296 = vector.broadcast %broadcast_in_dim3A_295 : i1 to vector<16xi1>
      %masked_cumsum3A_297 = tpu.scan <sum>, %parallel_loop3A_286 masked %broadcast_in_dim3A_296 : vector<16xi32>, vector<16xi1> -> vector<16xi32>
      %sub3A_298 = arith.subi %masked_cumsum3A_297, %parallel_loop3A_286 : vector<16xi32>
      %parallel_loop3A_299 = arith.constant 0 : i32
      %parallel_loop3A_300 = arith.constant 1 : i32
      %parallel_loop3A_301 = arith.constant 0 : i32
      %parallel_loop3A_302 = scf.for %parallel_loop3A_512 = %parallel_loop3A_299 to %reduce_max3A_294 step %parallel_loop3A_300 iter_args(%parallel_loop3A_513 = %parallel_loop3A_301) -> (i32)  : i32 {
        %parallel_loop3A_514 = arith.constant 16 : i32
        %parallel_loop3A_515 = arith.muli %parallel_loop3A_512, %parallel_loop3A_514 : i32
        %parallel_loop3A_516 = arith.index_cast %parallel_loop3A_515 : i32 to index
        %parallel_loop3A_517 = tpu.vector_load %arg7[%parallel_loop3A_516] {strides = array<i32>} : memref<2048xf32, #tpu.memory_space<vmem>>, vector<16xf32>,
        %parallel_loop3A_518 = arith.constant 16 : i32
        %parallel_loop3A_519 = arith.muli %parallel_loop3A_512, %parallel_loop3A_518 : i32
        %parallel_loop3A_520 = arith.index_cast %parallel_loop3A_519 : i32 to index
        %parallel_loop3A_521 = tpu.vector_load %arg8[%parallel_loop3A_520] {strides = array<i32>} : memref<2048xi32, #tpu.memory_space<vmem>>, vector<16xi32>,
        %parallel_loop3A_522 = vector.broadcast %parallel_loop3A_512 : i32 to vector<16xi32>
        %parallel_loop3A_523 = arith.cmpi slt, %parallel_loop3A_522, %parallel_loop3A_286 : vector<16xi32>
        %parallel_loop3A_524 = vector.broadcast %parallel_loop3A_512 : i32 to vector<16xi32>
        %parallel_loop3A_525 = arith.addi %sub3A_298, %parallel_loop3A_524 : vector<16xi32>
        tpu.vector_store_idx %arg9[%parallel_loop3A_525], %parallel_loop3A_517 masked %parallel_loop3A_523 : memref<2064xf32, #tpu.memory_space<vmem>>[vector<16xi32>], vector<16xf32>, vector<16xi1>
        tpu.vector_store_idx %arg10[%parallel_loop3A_525], %parallel_loop3A_521 masked %parallel_loop3A_523 : memref<2064xi32, #tpu.memory_space<vmem>>[vector<16xi32>], vector<16xi32>, vector<16xi1>
        %parallel_loop3A_526 = arith.constant 0 : i32
        scf.yield %parallel_loop3A_526 : i32
      } {sc.loop_unroll_factor = 1 : i64, sc.parallel_access}
      %reduce_sum3A_303 = arith.constant true
      %reduce_sum3A_304 = vector.broadcast %reduce_sum3A_303 : i1 to vector<16xi1>
      %reduce_sum3A_305 = tpu.scan <sum>, %parallel_loop3A_286 masked %reduce_sum3A_304 : vector<16xi32>, vector<16xi1> -> vector<16xi32>
      %reduce_sum3A_306 = vector.extract %reduce_sum3A_305[15] : i32 from vector<16xi32>
      %add3A_307 = arith.constant 15 : i32
      %add3A_308 = arith.addi %reduce_sum3A_306, %add3A_307 : i32
      %jit3A_309 = arith.constant 16 : i32
      %div3A_310 = arith.divsi %add3A_308, %jit3A_309 : i32
      %sign3A_311 = arith.constant 0 : i32
      %sign3A_312 = arith.cmpi sgt, %add3A_308, %sign3A_311 : i32
      %sign3A_313 = arith.extui %sign3A_312 : i1 to i32
      %sign3A_314 = arith.constant 0 : i32
      %sign3A_315 = arith.cmpi slt, %add3A_308, %sign3A_314 : i32
      %sign3A_316 = arith.extui %sign3A_315 : i1 to i32
      %sign3A_317 = arith.subi %sign3A_313, %sign3A_316 : i32
      %sign3A_318 = arith.constant 0 : i32
      %sign3A_319 = arith.cmpi sgt, %jit3A_309, %sign3A_318 : i32
      %sign3A_320 = arith.extui %sign3A_319 : i1 to i32
      %sign3A_321 = arith.constant 0 : i32
      %sign3A_322 = arith.cmpi slt, %jit3A_309, %sign3A_321 : i32
      %sign3A_323 = arith.extui %sign3A_322 : i1 to i32
      %sign3A_324 = arith.subi %sign3A_320, %sign3A_323 : i32
      %ne3A_325 = arith.cmpi ne, %sign3A_317, %sign3A_324 : i32
      %rem3A_326 = arith.remsi %add3A_308, %jit3A_309 : i32
      %ne3A_327 = arith.constant 0 : i32
      %ne3A_328 = arith.cmpi ne, %rem3A_326, %ne3A_327 : i32
      %and3A_329 = arith.andi %ne3A_325, %ne3A_328 : i1
      %sub3A_330 = arith.constant 1 : i32
      %sub3A_331 = arith.subi %div3A_310, %sub3A_330 : i32
      %select_n3A_332 = arith.select %and3A_329, %sub3A_331, %div3A_310 : i32
      %parallel_loop3A_333 = arith.constant 0 : i32
      %parallel_loop3A_334 = arith.constant 1 : i32
      %parallel_loop3A_335:8 = scf.for %parallel_loop3A_512 = %parallel_loop3A_333 to %select_n3A_332 step %parallel_loop3A_334 iter_args(%parallel_loop3A_513 = %broadcast_in_dim3A_5, %parallel_loop3A_514 = %broadcast_in_dim3A_7, %parallel_loop3A_515 = %broadcast_in_dim3A_5, %parallel_loop3A_516 = %broadcast_in_dim3A_7, %parallel_loop3A_517 = %broadcast_in_dim3A_5, %parallel_loop3A_518 = %broadcast_in_dim3A_7, %parallel_loop3A_519 = %broadcast_in_dim3A_5, %parallel_loop3A_520 = %broadcast_in_dim3A_7) -> (vector<16xf32>, vector<16xi32>, vector<16xf32>, vector<16xi32>, vector<16xf32>, vector<16xi32>, vector<16xf32>, vector<16xi32>)  : i32 {
        %parallel_loop3A_521 = arith.constant 16 : i32
        %parallel_loop3A_522 = arith.muli %parallel_loop3A_512, %parallel_loop3A_521 : i32
        %parallel_loop3A_523 = arith.index_cast %parallel_loop3A_522 : i32 to index
        %parallel_loop3A_524 = tpu.vector_load %arg9[%parallel_loop3A_523] {strides = array<i32>} : memref<2064xf32, #tpu.memory_space<vmem>>, vector<16xf32>,
        %parallel_loop3A_525 = arith.constant 16 : i32
        %parallel_loop3A_526 = arith.muli %parallel_loop3A_512, %parallel_loop3A_525 : i32
        %parallel_loop3A_527 = arith.index_cast %parallel_loop3A_526 : i32 to index
        %parallel_loop3A_528 = tpu.vector_load %arg10[%parallel_loop3A_527] {strides = array<i32>} : memref<2064xi32, #tpu.memory_space<vmem>>, vector<16xi32>,
        %parallel_loop3A_529 = arith.constant 16 : i32
        %parallel_loop3A_530 = arith.muli %parallel_loop3A_512, %parallel_loop3A_529 : i32
        %parallel_loop3A_531 = vector.broadcast %parallel_loop3A_530 : i32 to vector<16xi32>
        %parallel_loop3A_532 = arith.addi %iota3A, %parallel_loop3A_531 : vector<16xi32>
        %parallel_loop3A_533 = vector.broadcast %reduce_sum3A_306 : i32 to vector<16xi32>
        %parallel_loop3A_534 = arith.cmpi slt, %parallel_loop3A_532, %parallel_loop3A_533 : vector<16xi32>
        %parallel_loop3A_535 = arith.constant 0x7F800000 : f32
        %parallel_loop3A_536 = vector.broadcast %parallel_loop3A_535 : f32 to vector<16xf32>
        %parallel_loop3A_537 = arith.select %parallel_loop3A_534, %parallel_loop3A_524, %parallel_loop3A_536 : vector<16xi1>, vector<16xf32>
        %parallel_loop3A_538 = arith.constant dense<true> : vector<16xi1>
        %parallel_loop3A_539, %parallel_loop3A_540, %parallel_loop3A_541 = tpu.sort %parallel_loop3A_537, %parallel_loop3A_528 masked %parallel_loop3A_538 : (vector<16xf32>, vector<16xi32>, vector<16xi1>) -> (vector<16xi1>, vector<16xf32>, vector<16xi32>)
        %parallel_loop3A_542 = arith.constant 15 : i32
        %parallel_loop3A_543 = vector.broadcast %parallel_loop3A_542 : i32 to vector<16xi32>
        %parallel_loop3A_544 = tpu.iota {dimensions = array<i32: 0>} : vector<16xi32>
        %parallel_loop3A_545 = arith.subi %parallel_loop3A_543, %parallel_loop3A_544 : vector<16xi32>
        %parallel_loop3A_546 = tpu.dynamic_gather %parallel_loop3A_540[%parallel_loop3A_545] in [0] : vector<16xf32>, vector<16xi32> -> vector<16xf32>
        %parallel_loop3A_547 = arith.constant 15 : i32
        %parallel_loop3A_548 = vector.broadcast %parallel_loop3A_547 : i32 to vector<16xi32>
        %parallel_loop3A_549 = tpu.iota {dimensions = array<i32: 0>} : vector<16xi32>
        %parallel_loop3A_550 = arith.subi %parallel_loop3A_548, %parallel_loop3A_549 : vector<16xi32>
        %parallel_loop3A_551 = tpu.dynamic_gather %parallel_loop3A_541[%parallel_loop3A_550] in [0] : vector<16xi32>, vector<16xi32> -> vector<16xi32>
        %parallel_loop3A_552 = arith.cmpf ole, %parallel_loop3A_513, %parallel_loop3A_546 : vector<16xf32>
        %parallel_loop3A_553 = arith.select %parallel_loop3A_552, %parallel_loop3A_513, %parallel_loop3A_546 : vector<16xi1>, vector<16xf32>
        %parallel_loop3A_554 = arith.select %parallel_loop3A_552, %parallel_loop3A_514, %parallel_loop3A_551 : vector<16xi1>, vector<16xi32>
        %parallel_loop3A_555 = arith.select %parallel_loop3A_552, %parallel_loop3A_546, %parallel_loop3A_513 : vector<16xi1>, vector<16xf32>
        %parallel_loop3A_556 = arith.select %parallel_loop3A_552, %parallel_loop3A_551, %parallel_loop3A_514 : vector<16xi1>, vector<16xi32>
        %parallel_loop3A_557 = arith.constant dense<true> : vector<16xi1>
        %parallel_loop3A_558, %parallel_loop3A_559, %parallel_loop3A_560 = tpu.sort %parallel_loop3A_553, %parallel_loop3A_554 masked %parallel_loop3A_557 : (vector<16xf32>, vector<16xi32>, vector<16xi1>) -> (vector<16xi1>, vector<16xf32>, vector<16xi32>)
        %parallel_loop3A_561 = arith.constant dense<true> : vector<16xi1>
        %parallel_loop3A_562, %parallel_loop3A_563, %parallel_loop3A_564 = tpu.sort %parallel_loop3A_555, %parallel_loop3A_556 masked %parallel_loop3A_561 : (vector<16xf32>, vector<16xi32>, vector<16xi1>) -> (vector<16xi1>, vector<16xf32>, vector<16xi32>)
        %parallel_loop3A_565 = arith.constant 15 : i32
        %parallel_loop3A_566 = vector.broadcast %parallel_loop3A_565 : i32 to vector<16xi32>
        %parallel_loop3A_567 = tpu.iota {dimensions = array<i32: 0>} : vector<16xi32>
        %parallel_loop3A_568 = arith.subi %parallel_loop3A_566, %parallel_loop3A_567 : vector<16xi32>
        %parallel_loop3A_569 = tpu.dynamic_gather %parallel_loop3A_563[%parallel_loop3A_568] in [0] : vector<16xf32>, vector<16xi32> -> vector<16xf32>
        %parallel_loop3A_570 = arith.constant 15 : i32
        %parallel_loop3A_571 = vector.broadcast %parallel_loop3A_570 : i32 to vector<16xi32>
        %parallel_loop3A_572 = tpu.iota {dimensions = array<i32: 0>} : vector<16xi32>
        %parallel_loop3A_573 = arith.subi %parallel_loop3A_571, %parallel_loop3A_572 : vector<16xi32>
        %parallel_loop3A_574 = tpu.dynamic_gather %parallel_loop3A_564[%parallel_loop3A_573] in [0] : vector<16xi32>, vector<16xi32> -> vector<16xi32>
        %parallel_loop3A_575 = arith.cmpf ole, %parallel_loop3A_515, %parallel_loop3A_569 : vector<16xf32>
        %parallel_loop3A_576 = arith.select %parallel_loop3A_575, %parallel_loop3A_515, %parallel_loop3A_569 : vector<16xi1>, vector<16xf32>
        %parallel_loop3A_577 = arith.select %parallel_loop3A_575, %parallel_loop3A_516, %parallel_loop3A_574 : vector<16xi1>, vector<16xi32>
        %parallel_loop3A_578 = arith.select %parallel_loop3A_575, %parallel_loop3A_569, %parallel_loop3A_515 : vector<16xi1>, vector<16xf32>
        %parallel_loop3A_579 = arith.select %parallel_loop3A_575, %parallel_loop3A_574, %parallel_loop3A_516 : vector<16xi1>, vector<16xi32>
        %parallel_loop3A_580 = arith.constant dense<true> : vector<16xi1>
        %parallel_loop3A_581, %parallel_loop3A_582, %parallel_loop3A_583 = tpu.sort %parallel_loop3A_576, %parallel_loop3A_577 masked %parallel_loop3A_580 : (vector<16xf32>, vector<16xi32>, vector<16xi1>) -> (vector<16xi1>, vector<16xf32>, vector<16xi32>)
        %parallel_loop3A_584 = arith.constant dense<true> : vector<16xi1>
        %parallel_loop3A_585, %parallel_loop3A_586, %parallel_loop3A_587 = tpu.sort %parallel_loop3A_578, %parallel_loop3A_579 masked %parallel_loop3A_584 : (vector<16xf32>, vector<16xi32>, vector<16xi1>) -> (vector<16xi1>, vector<16xf32>, vector<16xi32>)
        %parallel_loop3A_588 = arith.constant 15 : i32
        %parallel_loop3A_589 = vector.broadcast %parallel_loop3A_588 : i32 to vector<16xi32>
        %parallel_loop3A_590 = tpu.iota {dimensions = array<i32: 0>} : vector<16xi32>
        %parallel_loop3A_591 = arith.subi %parallel_loop3A_589, %parallel_loop3A_590 : vector<16xi32>
        %parallel_loop3A_592 = tpu.dynamic_gather %parallel_loop3A_586[%parallel_loop3A_591] in [0] : vector<16xf32>, vector<16xi32> -> vector<16xf32>
        %parallel_loop3A_593 = arith.constant 15 : i32
        %parallel_loop3A_594 = vector.broadcast %parallel_loop3A_593 : i32 to vector<16xi32>
        %parallel_loop3A_595 = tpu.iota {dimensions = array<i32: 0>} : vector<16xi32>
        %parallel_loop3A_596 = arith.subi %parallel_loop3A_594, %parallel_loop3A_595 : vector<16xi32>
        %parallel_loop3A_597 = tpu.dynamic_gather %parallel_loop3A_587[%parallel_loop3A_596] in [0] : vector<16xi32>, vector<16xi32> -> vector<16xi32>
        %parallel_loop3A_598 = arith.cmpf ole, %parallel_loop3A_517, %parallel_loop3A_592 : vector<16xf32>
        %parallel_loop3A_599 = arith.select %parallel_loop3A_598, %parallel_loop3A_517, %parallel_loop3A_592 : vector<16xi1>, vector<16xf32>
        %parallel_loop3A_600 = arith.select %parallel_loop3A_598, %parallel_loop3A_518, %parallel_loop3A_597 : vector<16xi1>, vector<16xi32>
        %parallel_loop3A_601 = arith.select %parallel_loop3A_598, %parallel_loop3A_592, %parallel_loop3A_517 : vector<16xi1>, vector<16xf32>
        %parallel_loop3A_602 = arith.select %parallel_loop3A_598, %parallel_loop3A_597, %parallel_loop3A_518 : vector<16xi1>, vector<16xi32>
        %parallel_loop3A_603 = arith.constant dense<true> : vector<16xi1>
        %parallel_loop3A_604, %parallel_loop3A_605, %parallel_loop3A_606 = tpu.sort %parallel_loop3A_599, %parallel_loop3A_600 masked %parallel_loop3A_603 : (vector<16xf32>, vector<16xi32>, vector<16xi1>) -> (vector<16xi1>, vector<16xf32>, vector<16xi32>)
        %parallel_loop3A_607 = arith.constant dense<true> : vector<16xi1>
        %parallel_loop3A_608, %parallel_loop3A_609, %parallel_loop3A_610 = tpu.sort %parallel_loop3A_601, %parallel_loop3A_602 masked %parallel_loop3A_607 : (vector<16xf32>, vector<16xi32>, vector<16xi1>) -> (vector<16xi1>, vector<16xf32>, vector<16xi32>)
        %parallel_loop3A_611 = arith.constant 15 : i32
        %parallel_loop3A_612 = vector.broadcast %parallel_loop3A_611 : i32 to vector<16xi32>
        %parallel_loop3A_613 = tpu.iota {dimensions = array<i32: 0>} : vector<16xi32>
        %parallel_loop3A_614 = arith.subi %parallel_loop3A_612, %parallel_loop3A_613 : vector<16xi32>
        %parallel_loop3A_615 = tpu.dynamic_gather %parallel_loop3A_609[%parallel_loop3A_614] in [0] : vector<16xf32>, vector<16xi32> -> vector<16xf32>
        %parallel_loop3A_616 = arith.constant 15 : i32
        %parallel_loop3A_617 = vector.broadcast %parallel_loop3A_616 : i32 to vector<16xi32>
        %parallel_loop3A_618 = tpu.iota {dimensions = array<i32: 0>} : vector<16xi32>
        %parallel_loop3A_619 = arith.subi %parallel_loop3A_617, %parallel_loop3A_618 : vector<16xi32>
        %parallel_loop3A_620 = tpu.dynamic_gather %parallel_loop3A_610[%parallel_loop3A_619] in [0] : vector<16xi32>, vector<16xi32> -> vector<16xi32>
        %parallel_loop3A_621 = arith.cmpf ole, %parallel_loop3A_519, %parallel_loop3A_615 : vector<16xf32>
        %parallel_loop3A_622 = arith.select %parallel_loop3A_621, %parallel_loop3A_519, %parallel_loop3A_615 : vector<16xi1>, vector<16xf32>
        %parallel_loop3A_623 = arith.select %parallel_loop3A_621, %parallel_loop3A_520, %parallel_loop3A_620 : vector<16xi1>, vector<16xi32>
        %parallel_loop3A_624 = arith.select %parallel_loop3A_621, %parallel_loop3A_615, %parallel_loop3A_519 : vector<16xi1>, vector<16xf32>
        %parallel_loop3A_625 = arith.select %parallel_loop3A_621, %parallel_loop3A_620, %parallel_loop3A_520 : vector<16xi1>, vector<16xi32>
        %parallel_loop3A_626 = arith.constant dense<true> : vector<16xi1>
        %parallel_loop3A_627, %parallel_loop3A_628, %parallel_loop3A_629 = tpu.sort %parallel_loop3A_622, %parallel_loop3A_623 masked %parallel_loop3A_626 : (vector<16xf32>, vector<16xi32>, vector<16xi1>) -> (vector<16xi1>, vector<16xf32>, vector<16xi32>)
        scf.yield %parallel_loop3A_559, %parallel_loop3A_560, %parallel_loop3A_582, %parallel_loop3A_583, %parallel_loop3A_605, %parallel_loop3A_606, %parallel_loop3A_628, %parallel_loop3A_629 : vector<16xf32>, vector<16xi32>, vector<16xf32>, vector<16xi32>, vector<16xf32>, vector<16xi32>, vector<16xf32>, vector<16xi32>
      } {sc.loop_unroll_factor = 1 : i64, sc.parallel_access}
      %mul3A_336 = arith.constant 64 : i32
      %mul3A_337 = arith.muli %add3A_267, %mul3A_336 : i32
      %add3A_338 = arith.constant 0 : i32
      %add3A_339 = arith.addi %mul3A_337, %add3A_338 : i32
      %convert_element_type3A_340 = arith.sitofp %parallel_loop3A_335#1 : vector<16xi32> to vector<16xf32>
      %swap3A_341 = arith.constant 4 : i32
      %swap3A_342 = arith.index_cast %swap3A_341 : i32 to index
      %swap3A_343 = arith.index_cast %add3A_339 : i32 to index
      %swap3A_344 = tpu.vector_load %arg11[%swap3A_342, %swap3A_343] {strides = array<i32>} : memref<5x4096xf32, #tpu.memory_space<vmem>>, vector<16xf32>,
      tpu.vector_store %arg11[%swap3A_342, %swap3A_343], %convert_element_type3A_340 {strides = array<i32>} : memref<5x4096xf32, #tpu.memory_space<vmem>>, vector<16xf32>,
      %mul3A_345 = arith.constant 4 : i32
      %mul3A_346 = vector.broadcast %mul3A_345 : i32 to vector<16xi32>
      %mul3A_347 = arith.muli %parallel_loop3A_335#1, %mul3A_346 : vector<16xi32>
      %add3A_348 = arith.constant 0 : i32
      %add3A_349 = vector.broadcast %add3A_348 : i32 to vector<16xi32>
      %add3A_350 = arith.addi %mul3A_347, %add3A_349 : vector<16xi32>
      %gather3A_351 = tpu.vector_load_idx %arg5[%add3A_350] : memref<8192xf32, #tpu.memory_space<vmem>>[vector<16xi32>], vector<16xf32>,
      %swap3A_352 = arith.constant 0 : i32
      %swap3A_353 = arith.index_cast %swap3A_352 : i32 to index
      %swap3A_354 = arith.index_cast %add3A_339 : i32 to index
      %swap3A_355 = tpu.vector_load %arg11[%swap3A_353, %swap3A_354] {strides = array<i32>} : memref<5x4096xf32, #tpu.memory_space<vmem>>, vector<16xf32>,
      tpu.vector_store %arg11[%swap3A_353, %swap3A_354], %gather3A_351 {strides = array<i32>} : memref<5x4096xf32, #tpu.memory_space<vmem>>, vector<16xf32>,
      %add3A_356 = arith.constant 1 : i32
      %add3A_357 = vector.broadcast %add3A_356 : i32 to vector<16xi32>
      %add3A_358 = arith.addi %mul3A_347, %add3A_357 : vector<16xi32>
      %gather3A_359 = tpu.vector_load_idx %arg5[%add3A_358] : memref<8192xf32, #tpu.memory_space<vmem>>[vector<16xi32>], vector<16xf32>,
      %swap3A_360 = arith.constant 1 : i32
      %swap3A_361 = arith.index_cast %swap3A_360 : i32 to index
      %swap3A_362 = arith.index_cast %add3A_339 : i32 to index
      %swap3A_363 = tpu.vector_load %arg11[%swap3A_361, %swap3A_362] {strides = array<i32>} : memref<5x4096xf32, #tpu.memory_space<vmem>>, vector<16xf32>,
      tpu.vector_store %arg11[%swap3A_361, %swap3A_362], %gather3A_359 {strides = array<i32>} : memref<5x4096xf32, #tpu.memory_space<vmem>>, vector<16xf32>,
      %add3A_364 = arith.constant 2 : i32
      %add3A_365 = vector.broadcast %add3A_364 : i32 to vector<16xi32>
      %add3A_366 = arith.addi %mul3A_347, %add3A_365 : vector<16xi32>
      %gather3A_367 = tpu.vector_load_idx %arg5[%add3A_366] : memref<8192xf32, #tpu.memory_space<vmem>>[vector<16xi32>], vector<16xf32>,
      %swap3A_368 = arith.constant 2 : i32
      %swap3A_369 = arith.index_cast %swap3A_368 : i32 to index
      %swap3A_370 = arith.index_cast %add3A_339 : i32 to index
      %swap3A_371 = tpu.vector_load %arg11[%swap3A_369, %swap3A_370] {strides = array<i32>} : memref<5x4096xf32, #tpu.memory_space<vmem>>, vector<16xf32>,
      tpu.vector_store %arg11[%swap3A_369, %swap3A_370], %gather3A_367 {strides = array<i32>} : memref<5x4096xf32, #tpu.memory_space<vmem>>, vector<16xf32>,
      %add3A_372 = arith.constant 3 : i32
      %add3A_373 = vector.broadcast %add3A_372 : i32 to vector<16xi32>
      %add3A_374 = arith.addi %mul3A_347, %add3A_373 : vector<16xi32>
      %gather3A_375 = tpu.vector_load_idx %arg5[%add3A_374] : memref<8192xf32, #tpu.memory_space<vmem>>[vector<16xi32>], vector<16xf32>,
      %swap3A_376 = arith.constant 3 : i32
      %swap3A_377 = arith.index_cast %swap3A_376 : i32 to index
      %swap3A_378 = arith.index_cast %add3A_339 : i32 to index
      %swap3A_379 = tpu.vector_load %arg11[%swap3A_377, %swap3A_378] {strides = array<i32>} : memref<5x4096xf32, #tpu.memory_space<vmem>>, vector<16xf32>,
      tpu.vector_store %arg11[%swap3A_377, %swap3A_378], %gather3A_375 {strides = array<i32>} : memref<5x4096xf32, #tpu.memory_space<vmem>>, vector<16xf32>,
      %mul3A_380 = arith.constant 64 : i32
      %mul3A_381 = arith.muli %add3A_267, %mul3A_380 : i32
      %add3A_382 = arith.constant 16 : i32
      %add3A_383 = arith.addi %mul3A_381, %add3A_382 : i32
      %convert_element_type3A_384 = arith.sitofp %parallel_loop3A_335#3 : vector<16xi32> to vector<16xf32>
      %swap3A_385 = arith.constant 4 : i32
      %swap3A_386 = arith.index_cast %swap3A_385 : i32 to index
      %swap3A_387 = arith.index_cast %add3A_383 : i32 to index
      %swap3A_388 = tpu.vector_load %arg11[%swap3A_386, %swap3A_387] {strides = array<i32>} : memref<5x4096xf32, #tpu.memory_space<vmem>>, vector<16xf32>,
      tpu.vector_store %arg11[%swap3A_386, %swap3A_387], %convert_element_type3A_384 {strides = array<i32>} : memref<5x4096xf32, #tpu.memory_space<vmem>>, vector<16xf32>,
      %mul3A_389 = arith.constant 4 : i32
      %mul3A_390 = vector.broadcast %mul3A_389 : i32 to vector<16xi32>
      %mul3A_391 = arith.muli %parallel_loop3A_335#3, %mul3A_390 : vector<16xi32>
      %add3A_392 = arith.constant 0 : i32
      %add3A_393 = vector.broadcast %add3A_392 : i32 to vector<16xi32>
      %add3A_394 = arith.addi %mul3A_391, %add3A_393 : vector<16xi32>
      %gather3A_395 = tpu.vector_load_idx %arg5[%add3A_394] : memref<8192xf32, #tpu.memory_space<vmem>>[vector<16xi32>], vector<16xf32>,
      %swap3A_396 = arith.constant 0 : i32
      %swap3A_397 = arith.index_cast %swap3A_396 : i32 to index
      %swap3A_398 = arith.index_cast %add3A_383 : i32 to index
      %swap3A_399 = tpu.vector_load %arg11[%swap3A_397, %swap3A_398] {strides = array<i32>} : memref<5x4096xf32, #tpu.memory_space<vmem>>, vector<16xf32>,
      tpu.vector_store %arg11[%swap3A_397, %swap3A_398], %gather3A_395 {strides = array<i32>} : memref<5x4096xf32, #tpu.memory_space<vmem>>, vector<16xf32>,
      %add3A_400 = arith.constant 1 : i32
      %add3A_401 = vector.broadcast %add3A_400 : i32 to vector<16xi32>
      %add3A_402 = arith.addi %mul3A_391, %add3A_401 : vector<16xi32>
      %gather3A_403 = tpu.vector_load_idx %arg5[%add3A_402] : memref<8192xf32, #tpu.memory_space<vmem>>[vector<16xi32>], vector<16xf32>,
      %swap3A_404 = arith.constant 1 : i32
      %swap3A_405 = arith.index_cast %swap3A_404 : i32 to index
      %swap3A_406 = arith.index_cast %add3A_383 : i32 to index
      %swap3A_407 = tpu.vector_load %arg11[%swap3A_405, %swap3A_406] {strides = array<i32>} : memref<5x4096xf32, #tpu.memory_space<vmem>>, vector<16xf32>,
      tpu.vector_store %arg11[%swap3A_405, %swap3A_406], %gather3A_403 {strides = array<i32>} : memref<5x4096xf32, #tpu.memory_space<vmem>>, vector<16xf32>,
      %add3A_408 = arith.constant 2 : i32
      %add3A_409 = vector.broadcast %add3A_408 : i32 to vector<16xi32>
      %add3A_410 = arith.addi %mul3A_391, %add3A_409 : vector<16xi32>
      %gather3A_411 = tpu.vector_load_idx %arg5[%add3A_410] : memref<8192xf32, #tpu.memory_space<vmem>>[vector<16xi32>], vector<16xf32>,
      %swap3A_412 = arith.constant 2 : i32
      %swap3A_413 = arith.index_cast %swap3A_412 : i32 to index
      %swap3A_414 = arith.index_cast %add3A_383 : i32 to index
      %swap3A_415 = tpu.vector_load %arg11[%swap3A_413, %swap3A_414] {strides = array<i32>} : memref<5x4096xf32, #tpu.memory_space<vmem>>, vector<16xf32>,
      tpu.vector_store %arg11[%swap3A_413, %swap3A_414], %gather3A_411 {strides = array<i32>} : memref<5x4096xf32, #tpu.memory_space<vmem>>, vector<16xf32>,
      %add3A_416 = arith.constant 3 : i32
      %add3A_417 = vector.broadcast %add3A_416 : i32 to vector<16xi32>
      %add3A_418 = arith.addi %mul3A_391, %add3A_417 : vector<16xi32>
      %gather3A_419 = tpu.vector_load_idx %arg5[%add3A_418] : memref<8192xf32, #tpu.memory_space<vmem>>[vector<16xi32>], vector<16xf32>,
      %swap3A_420 = arith.constant 3 : i32
      %swap3A_421 = arith.index_cast %swap3A_420 : i32 to index
      %swap3A_422 = arith.index_cast %add3A_383 : i32 to index
      %swap3A_423 = tpu.vector_load %arg11[%swap3A_421, %swap3A_422] {strides = array<i32>} : memref<5x4096xf32, #tpu.memory_space<vmem>>, vector<16xf32>,
      tpu.vector_store %arg11[%swap3A_421, %swap3A_422], %gather3A_419 {strides = array<i32>} : memref<5x4096xf32, #tpu.memory_space<vmem>>, vector<16xf32>,
      %mul3A_424 = arith.constant 64 : i32
      %mul3A_425 = arith.muli %add3A_267, %mul3A_424 : i32
      %add3A_426 = arith.constant 32 : i32
      %add3A_427 = arith.addi %mul3A_425, %add3A_426 : i32
      %convert_element_type3A_428 = arith.sitofp %parallel_loop3A_335#5 : vector<16xi32> to vector<16xf32>
      %swap3A_429 = arith.constant 4 : i32
      %swap3A_430 = arith.index_cast %swap3A_429 : i32 to index
      %swap3A_431 = arith.index_cast %add3A_427 : i32 to index
      %swap3A_432 = tpu.vector_load %arg11[%swap3A_430, %swap3A_431] {strides = array<i32>} : memref<5x4096xf32, #tpu.memory_space<vmem>>, vector<16xf32>,
      tpu.vector_store %arg11[%swap3A_430, %swap3A_431], %convert_element_type3A_428 {strides = array<i32>} : memref<5x4096xf32, #tpu.memory_space<vmem>>, vector<16xf32>,
      %mul3A_433 = arith.constant 4 : i32
      %mul3A_434 = vector.broadcast %mul3A_433 : i32 to vector<16xi32>
      %mul3A_435 = arith.muli %parallel_loop3A_335#5, %mul3A_434 : vector<16xi32>
      %add3A_436 = arith.constant 0 : i32
      %add3A_437 = vector.broadcast %add3A_436 : i32 to vector<16xi32>
      %add3A_438 = arith.addi %mul3A_435, %add3A_437 : vector<16xi32>
      %gather3A_439 = tpu.vector_load_idx %arg5[%add3A_438] : memref<8192xf32, #tpu.memory_space<vmem>>[vector<16xi32>], vector<16xf32>,
      %swap3A_440 = arith.constant 0 : i32
      %swap3A_441 = arith.index_cast %swap3A_440 : i32 to index
      %swap3A_442 = arith.index_cast %add3A_427 : i32 to index
      %swap3A_443 = tpu.vector_load %arg11[%swap3A_441, %swap3A_442] {strides = array<i32>} : memref<5x4096xf32, #tpu.memory_space<vmem>>, vector<16xf32>,
      tpu.vector_store %arg11[%swap3A_441, %swap3A_442], %gather3A_439 {strides = array<i32>} : memref<5x4096xf32, #tpu.memory_space<vmem>>, vector<16xf32>,
      %add3A_444 = arith.constant 1 : i32
      %add3A_445 = vector.broadcast %add3A_444 : i32 to vector<16xi32>
      %add3A_446 = arith.addi %mul3A_435, %add3A_445 : vector<16xi32>
      %gather3A_447 = tpu.vector_load_idx %arg5[%add3A_446] : memref<8192xf32, #tpu.memory_space<vmem>>[vector<16xi32>], vector<16xf32>,
      %swap3A_448 = arith.constant 1 : i32
      %swap3A_449 = arith.index_cast %swap3A_448 : i32 to index
      %swap3A_450 = arith.index_cast %add3A_427 : i32 to index
      %swap3A_451 = tpu.vector_load %arg11[%swap3A_449, %swap3A_450] {strides = array<i32>} : memref<5x4096xf32, #tpu.memory_space<vmem>>, vector<16xf32>,
      tpu.vector_store %arg11[%swap3A_449, %swap3A_450], %gather3A_447 {strides = array<i32>} : memref<5x4096xf32, #tpu.memory_space<vmem>>, vector<16xf32>,
      %add3A_452 = arith.constant 2 : i32
      %add3A_453 = vector.broadcast %add3A_452 : i32 to vector<16xi32>
      %add3A_454 = arith.addi %mul3A_435, %add3A_453 : vector<16xi32>
      %gather3A_455 = tpu.vector_load_idx %arg5[%add3A_454] : memref<8192xf32, #tpu.memory_space<vmem>>[vector<16xi32>], vector<16xf32>,
      %swap3A_456 = arith.constant 2 : i32
      %swap3A_457 = arith.index_cast %swap3A_456 : i32 to index
      %swap3A_458 = arith.index_cast %add3A_427 : i32 to index
      %swap3A_459 = tpu.vector_load %arg11[%swap3A_457, %swap3A_458] {strides = array<i32>} : memref<5x4096xf32, #tpu.memory_space<vmem>>, vector<16xf32>,
      tpu.vector_store %arg11[%swap3A_457, %swap3A_458], %gather3A_455 {strides = array<i32>} : memref<5x4096xf32, #tpu.memory_space<vmem>>, vector<16xf32>,
      %add3A_460 = arith.constant 3 : i32
      %add3A_461 = vector.broadcast %add3A_460 : i32 to vector<16xi32>
      %add3A_462 = arith.addi %mul3A_435, %add3A_461 : vector<16xi32>
      %gather3A_463 = tpu.vector_load_idx %arg5[%add3A_462] : memref<8192xf32, #tpu.memory_space<vmem>>[vector<16xi32>], vector<16xf32>,
      %swap3A_464 = arith.constant 3 : i32
      %swap3A_465 = arith.index_cast %swap3A_464 : i32 to index
      %swap3A_466 = arith.index_cast %add3A_427 : i32 to index
      %swap3A_467 = tpu.vector_load %arg11[%swap3A_465, %swap3A_466] {strides = array<i32>} : memref<5x4096xf32, #tpu.memory_space<vmem>>, vector<16xf32>,
      tpu.vector_store %arg11[%swap3A_465, %swap3A_466], %gather3A_463 {strides = array<i32>} : memref<5x4096xf32, #tpu.memory_space<vmem>>, vector<16xf32>,
      %mul3A_468 = arith.constant 64 : i32
      %mul3A_469 = arith.muli %add3A_267, %mul3A_468 : i32
      %add3A_470 = arith.constant 48 : i32
      %add3A_471 = arith.addi %mul3A_469, %add3A_470 : i32
      %convert_element_type3A_472 = arith.sitofp %parallel_loop3A_335#7 : vector<16xi32> to vector<16xf32>
      %swap3A_473 = arith.constant 4 : i32
      %swap3A_474 = arith.index_cast %swap3A_473 : i32 to index
      %swap3A_475 = arith.index_cast %add3A_471 : i32 to index
      %swap3A_476 = tpu.vector_load %arg11[%swap3A_474, %swap3A_475] {strides = array<i32>} : memref<5x4096xf32, #tpu.memory_space<vmem>>, vector<16xf32>,
      tpu.vector_store %arg11[%swap3A_474, %swap3A_475], %convert_element_type3A_472 {strides = array<i32>} : memref<5x4096xf32, #tpu.memory_space<vmem>>, vector<16xf32>,
      %mul3A_477 = arith.constant 4 : i32
      %mul3A_478 = vector.broadcast %mul3A_477 : i32 to vector<16xi32>
      %mul3A_479 = arith.muli %parallel_loop3A_335#7, %mul3A_478 : vector<16xi32>
      %add3A_480 = arith.constant 0 : i32
      %add3A_481 = vector.broadcast %add3A_480 : i32 to vector<16xi32>
      %add3A_482 = arith.addi %mul3A_479, %add3A_481 : vector<16xi32>
      %gather3A_483 = tpu.vector_load_idx %arg5[%add3A_482] : memref<8192xf32, #tpu.memory_space<vmem>>[vector<16xi32>], vector<16xf32>,
      %swap3A_484 = arith.constant 0 : i32
      %swap3A_485 = arith.index_cast %swap3A_484 : i32 to index
      %swap3A_486 = arith.index_cast %add3A_471 : i32 to index
      %swap3A_487 = tpu.vector_load %arg11[%swap3A_485, %swap3A_486] {strides = array<i32>} : memref<5x4096xf32, #tpu.memory_space<vmem>>, vector<16xf32>,
      tpu.vector_store %arg11[%swap3A_485, %swap3A_486], %gather3A_483 {strides = array<i32>} : memref<5x4096xf32, #tpu.memory_space<vmem>>, vector<16xf32>,
      %add3A_488 = arith.constant 1 : i32
      %add3A_489 = vector.broadcast %add3A_488 : i32 to vector<16xi32>
      %add3A_490 = arith.addi %mul3A_479, %add3A_489 : vector<16xi32>
      %gather3A_491 = tpu.vector_load_idx %arg5[%add3A_490] : memref<8192xf32, #tpu.memory_space<vmem>>[vector<16xi32>], vector<16xf32>,
      %swap3A_492 = arith.constant 1 : i32
      %swap3A_493 = arith.index_cast %swap3A_492 : i32 to index
      %swap3A_494 = arith.index_cast %add3A_471 : i32 to index
      %swap3A_495 = tpu.vector_load %arg11[%swap3A_493, %swap3A_494] {strides = array<i32>} : memref<5x4096xf32, #tpu.memory_space<vmem>>, vector<16xf32>,
      tpu.vector_store %arg11[%swap3A_493, %swap3A_494], %gather3A_491 {strides = array<i32>} : memref<5x4096xf32, #tpu.memory_space<vmem>>, vector<16xf32>,
      %add3A_496 = arith.constant 2 : i32
      %add3A_497 = vector.broadcast %add3A_496 : i32 to vector<16xi32>
      %add3A_498 = arith.addi %mul3A_479, %add3A_497 : vector<16xi32>
      %gather3A_499 = tpu.vector_load_idx %arg5[%add3A_498] : memref<8192xf32, #tpu.memory_space<vmem>>[vector<16xi32>], vector<16xf32>,
      %swap3A_500 = arith.constant 2 : i32
      %swap3A_501 = arith.index_cast %swap3A_500 : i32 to index
      %swap3A_502 = arith.index_cast %add3A_471 : i32 to index
      %swap3A_503 = tpu.vector_load %arg11[%swap3A_501, %swap3A_502] {strides = array<i32>} : memref<5x4096xf32, #tpu.memory_space<vmem>>, vector<16xf32>,
      tpu.vector_store %arg11[%swap3A_501, %swap3A_502], %gather3A_499 {strides = array<i32>} : memref<5x4096xf32, #tpu.memory_space<vmem>>, vector<16xf32>,
      %add3A_504 = arith.constant 3 : i32
      %add3A_505 = vector.broadcast %add3A_504 : i32 to vector<16xi32>
      %add3A_506 = arith.addi %mul3A_479, %add3A_505 : vector<16xi32>
      %gather3A_507 = tpu.vector_load_idx %arg5[%add3A_506] : memref<8192xf32, #tpu.memory_space<vmem>>[vector<16xi32>], vector<16xf32>,
      %swap3A_508 = arith.constant 3 : i32
      %swap3A_509 = arith.index_cast %swap3A_508 : i32 to index
      %swap3A_510 = arith.index_cast %add3A_471 : i32 to index
      %swap3A_511 = tpu.vector_load %arg11[%swap3A_509, %swap3A_510] {strides = array<i32>} : memref<5x4096xf32, #tpu.memory_space<vmem>>, vector<16xf32>,
      tpu.vector_store %arg11[%swap3A_509, %swap3A_510], %gather3A_507 {strides = array<i32>} : memref<5x4096xf32, #tpu.memory_space<vmem>>, vector<16xf32>,
    }
    %scan3A_16 = arith.constant 32 : i32
    %mul3A_17 = arith.constant 64 : i32
    %mul3A_18 = arith.muli %mul3A_2, %mul3A_17 : i32
    "tpu.region"() ({
      %run_scoped3A = tpu.sem_alloc : memref<!tpu.dma_semaphore, #tpu.memory_space<semaphore_mem>>
      %dma_start3A_19 = arith.constant 0 : i32
      %dma_start3A_20 = tpu.memref_slice %arg3[%dma_start3A_19, %mul3A_18] : memref<5x131072xf32, #tpu.memory_space<hbm>> -> memref<5x4096xf32, #tpu.memory_space<hbm>>
      %dma_start3A_21 = arith.constant 0 : i32
      %dma_start3A_22 = tpu.memref_slice %arg3[%dma_start3A_21, %mul3A_18] : memref<5x131072xf32, #tpu.memory_space<hbm>> -> memref<5x4096xf32, #tpu.memory_space<hbm>>
      tpu.enqueue_dma source(%arg11 : memref<5x4096xf32, #tpu.memory_space<vmem>>) target(%dma_start3A_22 : memref<5x4096xf32, #tpu.memory_space<hbm>>) target_semaphore(%run_scoped3A : memref<!tpu.dma_semaphore, #tpu.memory_space<semaphore_mem>>)
      %dma_wait3A = arith.constant 0 : i32
      %dma_wait3A_23 = tpu.memref_slice %arg3[%dma_wait3A, %mul3A_18] : memref<5x131072xf32, #tpu.memory_space<hbm>> -> memref<5x4096xf32, #tpu.memory_space<hbm>>
      %dma_wait3A_24 = arith.constant 0 : i32
      %dma_wait3A_25 = tpu.memref_slice %arg3[%dma_wait3A_24, %mul3A_18] : memref<5x131072xf32, #tpu.memory_space<hbm>> -> memref<5x4096xf32, #tpu.memory_space<hbm>>
      tpu.wait_dma2 semaphore(%run_scoped3A : memref<!tpu.dma_semaphore, #tpu.memory_space<semaphore_mem>>) src(%arg11 : memref<5x4096xf32, #tpu.memory_space<vmem>>) dst(%dma_wait3A_25 : memref<5x4096xf32, #tpu.memory_space<hbm>>)
      tpu.yield
    }) : () -> ()
    return
  }
}

module attributes {stable_mosaic.version = 14 : i64} {
  func.func @_mlp_body(%arg0: i32, %arg1: memref<5x8192xf32, #tpu.memory_space<vmem>>, %arg2: memref<1x1xf32, #tpu.memory_space<vmem>>, %arg3: memref<64x8xf32, #tpu.memory_space<vmem>>, %arg4: memref<64x1xf32, #tpu.memory_space<vmem>>, %arg5: memref<128x64xf32, #tpu.memory_space<vmem>>, %arg6: memref<128x1xf32, #tpu.memory_space<vmem>>, %arg7: memref<64x128xf32, #tpu.memory_space<vmem>>, %arg8: memref<64x1xf32, #tpu.memory_space<vmem>>, %arg9: memref<64x1xf32, #tpu.memory_space<vmem>>, %arg10: memref<1x1xf32, #tpu.memory_space<vmem>>, %arg11: memref<1x8192xf32, #tpu.memory_space<vmem>>, %arg12: memref<1x8192xf32, #tpu.memory_space<vmem>>, %arg13: memref<1x8192xi32, #tpu.memory_space<vmem>>) attributes {dimension_semantics = [#tpu.dimension_semantics<arbitrary>], iteration_bounds = array<i64: 16>, scalar_prefetch = 0 : i64, scratch_operands = 0 : i64, tpu.core_type = #tpu.core_type<tc>, window_params = [{transform_indices = @transform_0, window_bounds = array<i64: 5, 8192>}, {pipeline_mode = #tpu.pipeline_mode<synchronous>, transform_indices = @transform_1, window_bounds = array<i64: 1, 1>}, {pipeline_mode = #tpu.pipeline_mode<synchronous>, transform_indices = @transform_2, window_bounds = array<i64: 64, 8>}, {pipeline_mode = #tpu.pipeline_mode<synchronous>, transform_indices = @transform_3, window_bounds = array<i64: 64, 1>}, {pipeline_mode = #tpu.pipeline_mode<synchronous>, transform_indices = @transform_4, window_bounds = array<i64: 128, 64>}, {pipeline_mode = #tpu.pipeline_mode<synchronous>, transform_indices = @transform_5, window_bounds = array<i64: 128, 1>}, {pipeline_mode = #tpu.pipeline_mode<synchronous>, transform_indices = @transform_6, window_bounds = array<i64: 64, 128>}, {pipeline_mode = #tpu.pipeline_mode<synchronous>, transform_indices = @transform_7, window_bounds = array<i64: 64, 1>}, {pipeline_mode = #tpu.pipeline_mode<synchronous>, transform_indices = @transform_8, window_bounds = array<i64: 64, 1>}, {pipeline_mode = #tpu.pipeline_mode<synchronous>, transform_indices = @transform_9, window_bounds = array<i64: 1, 1>}, {transform_indices = @transform_10, window_bounds = array<i64: 1, 8192>}, {transform_indices = @transform_11, window_bounds = array<i64: 1, 8192>}, {transform_indices = @transform_12, window_bounds = array<i64: 1, 8192>}]} {
    %get3A = arith.constant 0 : index
    %get3A_0 = arith.constant 0 : index
    %get3A_1 = vector.load %arg1[%get3A, %get3A_0] : memref<5x8192xf32, #tpu.memory_space<vmem>>, vector<5x8192xf32>
    %iota3A = tpu.iota {dimensions = array<i32: 1>} : vector<1x8192xi32>
    %and3A = arith.constant 63 : i32
    %and3A_2 = vector.broadcast %and3A : i32 to vector<1x8192xi32>
    %and3A_3 = arith.andi %iota3A, %and3A_2 : vector<1x8192xi32>
    %slice3A = vector.extract_strided_slice %get3A_1 {offsets = [0, 0], sizes = [1, 8192], strides = [1, 1]} : vector<5x8192xf32> to vector<1x8192xf32>
    %slice3A_4 = vector.extract_strided_slice %get3A_1 {offsets = [0, 0], sizes = [1, 8192], strides = [1, 1]} : vector<5x8192xf32> to vector<1x8192xf32>
    %mul3A = arith.mulf %slice3A, %slice3A_4 : vector<1x8192xf32>
    %slice3A_5 = vector.extract_strided_slice %get3A_1 {offsets = [1, 0], sizes = [1, 8192], strides = [1, 1]} : vector<5x8192xf32> to vector<1x8192xf32>
    %slice3A_6 = vector.extract_strided_slice %get3A_1 {offsets = [1, 0], sizes = [1, 8192], strides = [1, 1]} : vector<5x8192xf32> to vector<1x8192xf32>
    %mul3A_7 = arith.mulf %slice3A_5, %slice3A_6 : vector<1x8192xf32>
    %add3A = arith.addf %mul3A, %mul3A_7 : vector<1x8192xf32>
    %add3A_8 = arith.constant 9.99999997E-7 : f32
    %add3A_9 = vector.broadcast %add3A_8 : f32 to vector<1x8192xf32>
    %add3A_10 = arith.addf %add3A, %add3A_9 : vector<1x8192xf32>
    %sqrt3A = math.sqrt %add3A_10 : vector<1x8192xf32>
    %slice3A_11 = vector.extract_strided_slice %sqrt3A {offsets = [0, 1], sizes = [1, 8191], strides = [1, 1]} : vector<1x8192xf32> to vector<1x8191xf32>
    %slice3A_12 = vector.extract_strided_slice %sqrt3A {offsets = [0, 0], sizes = [1, 1], strides = [1, 1]} : vector<1x8192xf32> to vector<1x1xf32>
    %concatenate3A = tpu.concatenate %slice3A_11, %slice3A_12 in 1 : vector<1x8191xf32>, vector<1x1xf32> -> vector<1x8192xf32>
    %slice3A_13 = vector.extract_strided_slice %get3A_1 {offsets = [4, 0], sizes = [1, 8192], strides = [1, 1]} : vector<5x8192xf32> to vector<1x8192xf32>
    %slice3A_14 = vector.extract_strided_slice %slice3A_13 {offsets = [0, 1], sizes = [1, 8191], strides = [1, 1]} : vector<1x8192xf32> to vector<1x8191xf32>
    %slice3A_15 = vector.extract_strided_slice %slice3A_13 {offsets = [0, 0], sizes = [1, 1], strides = [1, 1]} : vector<1x8192xf32> to vector<1x1xf32>
    %concatenate3A_16 = tpu.concatenate %slice3A_14, %slice3A_15 in 1 : vector<1x8191xf32>, vector<1x1xf32> -> vector<1x8192xf32>
    %and3A_17 = arith.constant 1 : i32
    %and3A_18 = vector.broadcast %and3A_17 : i32 to vector<1x8192xi32>
    %and3A_19 = arith.andi %and3A_3, %and3A_18 : vector<1x8192xi32>
    %eq3A = arith.constant 0 : i32
    %eq3A_20 = vector.broadcast %eq3A : i32 to vector<1x8192xi32>
    %eq3A_21 = arith.cmpi eq, %and3A_19, %eq3A_20 : vector<1x8192xi32>
    %ne3A = arith.constant 63 : i32
    %ne3A_22 = vector.broadcast %ne3A : i32 to vector<1x8192xi32>
    %ne3A_23 = arith.cmpi ne, %and3A_3, %ne3A_22 : vector<1x8192xi32>
    %and3A_24 = arith.andi %eq3A_21, %ne3A_23 : vector<1x8192xi1>
    %eq3A_25 = arith.cmpf oeq, %sqrt3A, %concatenate3A : vector<1x8192xf32>
    %and3A_26 = arith.andi %and3A_24, %eq3A_25 : vector<1x8192xi1>
    %gt3A = arith.cmpf ogt, %slice3A_13, %concatenate3A_16 : vector<1x8192xf32>
    %and3A_27 = arith.andi %and3A_26, %gt3A : vector<1x8192xi1>
    %convert_element_type3A = arith.extui %and3A_27 : vector<1x8192xi1> to vector<1x8192xi32>
    %convert_element_type3A_28 = arith.sitofp %convert_element_type3A : vector<1x8192xi32> to vector<1x8192xf32>
    %slice3A_29 = vector.extract_strided_slice %convert_element_type3A_28 {offsets = [0, 8191], sizes = [1, 1], strides = [1, 1]} : vector<1x8192xf32> to vector<1x1xf32>
    %slice3A_30 = vector.extract_strided_slice %convert_element_type3A_28 {offsets = [0, 0], sizes = [1, 8191], strides = [1, 1]} : vector<1x8192xf32> to vector<1x8191xf32>
    %concatenate3A_31 = tpu.concatenate %slice3A_29, %slice3A_30 in 1 : vector<1x1xf32>, vector<1x8191xf32> -> vector<1x8192xf32>
    %slice3A_32 = vector.extract_strided_slice %get3A_1 {offsets = [0, 1], sizes = [5, 8191], strides = [1, 1]} : vector<5x8192xf32> to vector<5x8191xf32>
    %slice3A_33 = vector.extract_strided_slice %get3A_1 {offsets = [0, 0], sizes = [5, 1], strides = [1, 1]} : vector<5x8192xf32> to vector<5x1xf32>
    %concatenate3A_34 = tpu.concatenate %slice3A_32, %slice3A_33 in 1 : vector<5x8191xf32>, vector<5x1xf32> -> vector<5x8192xf32>
    %slice3A_35 = vector.extract_strided_slice %get3A_1 {offsets = [0, 8191], sizes = [5, 1], strides = [1, 1]} : vector<5x8192xf32> to vector<5x1xf32>
    %slice3A_36 = vector.extract_strided_slice %get3A_1 {offsets = [0, 0], sizes = [5, 8191], strides = [1, 1]} : vector<5x8192xf32> to vector<5x8191xf32>
    %concatenate3A_37 = tpu.concatenate %slice3A_35, %slice3A_36 in 1 : vector<5x1xf32>, vector<5x8191xf32> -> vector<5x8192xf32>
    %sub3A = arith.constant 1.000000e+00 : f32
    %sub3A_38 = vector.broadcast %sub3A : f32 to vector<1x8192xf32>
    %sub3A_39 = arith.subf %sub3A_38, %convert_element_type3A_28 : vector<1x8192xf32>
    %sub3A_40 = arith.subf %sub3A_39, %concatenate3A_31 : vector<1x8192xf32>
    %mul3A_41 = vector.broadcast %sub3A_40 : vector<1x8192xf32> to vector<5x8192xf32>
    %mul3A_42 = arith.mulf %get3A_1, %mul3A_41 : vector<5x8192xf32>
    %mul3A_43 = vector.broadcast %convert_element_type3A_28 : vector<1x8192xf32> to vector<5x8192xf32>
    %mul3A_44 = arith.mulf %concatenate3A_34, %mul3A_43 : vector<5x8192xf32>
    %add3A_45 = arith.addf %mul3A_42, %mul3A_44 : vector<5x8192xf32>
    %mul3A_46 = vector.broadcast %concatenate3A_31 : vector<1x8192xf32> to vector<5x8192xf32>
    %mul3A_47 = arith.mulf %concatenate3A_37, %mul3A_46 : vector<5x8192xf32>
    %add3A_48 = arith.addf %add3A_45, %mul3A_47 : vector<5x8192xf32>
    %slice3A_49 = vector.extract_strided_slice %add3A_48 {offsets = [0, 0], sizes = [1, 8192], strides = [1, 1]} : vector<5x8192xf32> to vector<1x8192xf32>
    %slice3A_50 = vector.extract_strided_slice %add3A_48 {offsets = [0, 0], sizes = [1, 8192], strides = [1, 1]} : vector<5x8192xf32> to vector<1x8192xf32>
    %mul3A_51 = arith.mulf %slice3A_49, %slice3A_50 : vector<1x8192xf32>
    %slice3A_52 = vector.extract_strided_slice %add3A_48 {offsets = [1, 0], sizes = [1, 8192], strides = [1, 1]} : vector<5x8192xf32> to vector<1x8192xf32>
    %slice3A_53 = vector.extract_strided_slice %add3A_48 {offsets = [1, 0], sizes = [1, 8192], strides = [1, 1]} : vector<5x8192xf32> to vector<1x8192xf32>
    %mul3A_54 = arith.mulf %slice3A_52, %slice3A_53 : vector<1x8192xf32>
    %add3A_55 = arith.addf %mul3A_51, %mul3A_54 : vector<1x8192xf32>
    %add3A_56 = arith.constant 9.99999997E-7 : f32
    %add3A_57 = vector.broadcast %add3A_56 : f32 to vector<1x8192xf32>
    %add3A_58 = arith.addf %add3A_55, %add3A_57 : vector<1x8192xf32>
    %sqrt3A_59 = math.sqrt %add3A_58 : vector<1x8192xf32>
    %slice3A_60 = vector.extract_strided_slice %sqrt3A_59 {offsets = [0, 1], sizes = [1, 8191], strides = [1, 1]} : vector<1x8192xf32> to vector<1x8191xf32>
    %slice3A_61 = vector.extract_strided_slice %sqrt3A_59 {offsets = [0, 0], sizes = [1, 1], strides = [1, 1]} : vector<1x8192xf32> to vector<1x1xf32>
    %concatenate3A_62 = tpu.concatenate %slice3A_60, %slice3A_61 in 1 : vector<1x8191xf32>, vector<1x1xf32> -> vector<1x8192xf32>
    %slice3A_63 = vector.extract_strided_slice %add3A_48 {offsets = [4, 0], sizes = [1, 8192], strides = [1, 1]} : vector<5x8192xf32> to vector<1x8192xf32>
    %slice3A_64 = vector.extract_strided_slice %slice3A_63 {offsets = [0, 1], sizes = [1, 8191], strides = [1, 1]} : vector<1x8192xf32> to vector<1x8191xf32>
    %slice3A_65 = vector.extract_strided_slice %slice3A_63 {offsets = [0, 0], sizes = [1, 1], strides = [1, 1]} : vector<1x8192xf32> to vector<1x1xf32>
    %concatenate3A_66 = tpu.concatenate %slice3A_64, %slice3A_65 in 1 : vector<1x8191xf32>, vector<1x1xf32> -> vector<1x8192xf32>
    %and3A_67 = arith.constant 1 : i32
    %and3A_68 = vector.broadcast %and3A_67 : i32 to vector<1x8192xi32>
    %and3A_69 = arith.andi %and3A_3, %and3A_68 : vector<1x8192xi32>
    %eq3A_70 = arith.constant 1 : i32
    %eq3A_71 = vector.broadcast %eq3A_70 : i32 to vector<1x8192xi32>
    %eq3A_72 = arith.cmpi eq, %and3A_69, %eq3A_71 : vector<1x8192xi32>
    %ne3A_73 = arith.constant 63 : i32
    %ne3A_74 = vector.broadcast %ne3A_73 : i32 to vector<1x8192xi32>
    %ne3A_75 = arith.cmpi ne, %and3A_3, %ne3A_74 : vector<1x8192xi32>
    %and3A_76 = arith.andi %eq3A_72, %ne3A_75 : vector<1x8192xi1>
    %eq3A_77 = arith.cmpf oeq, %sqrt3A_59, %concatenate3A_62 : vector<1x8192xf32>
    %and3A_78 = arith.andi %and3A_76, %eq3A_77 : vector<1x8192xi1>
    %gt3A_79 = arith.cmpf ogt, %slice3A_63, %concatenate3A_66 : vector<1x8192xf32>
    %and3A_80 = arith.andi %and3A_78, %gt3A_79 : vector<1x8192xi1>
    %convert_element_type3A_81 = arith.extui %and3A_80 : vector<1x8192xi1> to vector<1x8192xi32>
    %convert_element_type3A_82 = arith.sitofp %convert_element_type3A_81 : vector<1x8192xi32> to vector<1x8192xf32>
    %slice3A_83 = vector.extract_strided_slice %convert_element_type3A_82 {offsets = [0, 8191], sizes = [1, 1], strides = [1, 1]} : vector<1x8192xf32> to vector<1x1xf32>
    %slice3A_84 = vector.extract_strided_slice %convert_element_type3A_82 {offsets = [0, 0], sizes = [1, 8191], strides = [1, 1]} : vector<1x8192xf32> to vector<1x8191xf32>
    %concatenate3A_85 = tpu.concatenate %slice3A_83, %slice3A_84 in 1 : vector<1x1xf32>, vector<1x8191xf32> -> vector<1x8192xf32>
    %slice3A_86 = vector.extract_strided_slice %add3A_48 {offsets = [0, 1], sizes = [5, 8191], strides = [1, 1]} : vector<5x8192xf32> to vector<5x8191xf32>
    %slice3A_87 = vector.extract_strided_slice %add3A_48 {offsets = [0, 0], sizes = [5, 1], strides = [1, 1]} : vector<5x8192xf32> to vector<5x1xf32>
    %concatenate3A_88 = tpu.concatenate %slice3A_86, %slice3A_87 in 1 : vector<5x8191xf32>, vector<5x1xf32> -> vector<5x8192xf32>
    %slice3A_89 = vector.extract_strided_slice %add3A_48 {offsets = [0, 8191], sizes = [5, 1], strides = [1, 1]} : vector<5x8192xf32> to vector<5x1xf32>
    %slice3A_90 = vector.extract_strided_slice %add3A_48 {offsets = [0, 0], sizes = [5, 8191], strides = [1, 1]} : vector<5x8192xf32> to vector<5x8191xf32>
    %concatenate3A_91 = tpu.concatenate %slice3A_89, %slice3A_90 in 1 : vector<5x1xf32>, vector<5x8191xf32> -> vector<5x8192xf32>
    %sub3A_92 = arith.constant 1.000000e+00 : f32
    %sub3A_93 = vector.broadcast %sub3A_92 : f32 to vector<1x8192xf32>
    %sub3A_94 = arith.subf %sub3A_93, %convert_element_type3A_82 : vector<1x8192xf32>
    %sub3A_95 = arith.subf %sub3A_94, %concatenate3A_85 : vector<1x8192xf32>
    %mul3A_96 = vector.broadcast %sub3A_95 : vector<1x8192xf32> to vector<5x8192xf32>
    %mul3A_97 = arith.mulf %add3A_48, %mul3A_96 : vector<5x8192xf32>
    %mul3A_98 = vector.broadcast %convert_element_type3A_82 : vector<1x8192xf32> to vector<5x8192xf32>
    %mul3A_99 = arith.mulf %concatenate3A_88, %mul3A_98 : vector<5x8192xf32>
    %add3A_100 = arith.addf %mul3A_97, %mul3A_99 : vector<5x8192xf32>
    %mul3A_101 = vector.broadcast %concatenate3A_85 : vector<1x8192xf32> to vector<5x8192xf32>
    %mul3A_102 = arith.mulf %concatenate3A_91, %mul3A_101 : vector<5x8192xf32>
    %add3A_103 = arith.addf %add3A_100, %mul3A_102 : vector<5x8192xf32>
    %slice3A_104 = vector.extract_strided_slice %add3A_103 {offsets = [0, 0], sizes = [1, 8192], strides = [1, 1]} : vector<5x8192xf32> to vector<1x8192xf32>
    %slice3A_105 = vector.extract_strided_slice %add3A_103 {offsets = [1, 0], sizes = [1, 8192], strides = [1, 1]} : vector<5x8192xf32> to vector<1x8192xf32>
    %mul3A_106 = arith.mulf %slice3A_104, %slice3A_104 : vector<1x8192xf32>
    %mul3A_107 = arith.mulf %slice3A_105, %slice3A_105 : vector<1x8192xf32>
    %add3A_108 = arith.addf %mul3A_106, %mul3A_107 : vector<1x8192xf32>
    %add3A_109 = arith.constant 9.99999974E-5 : f32
    %add3A_110 = vector.broadcast %add3A_109 : f32 to vector<1x8192xf32>
    %add3A_111 = arith.addf %add3A_108, %add3A_110 : vector<1x8192xf32>
    %sqrt3A_112 = math.sqrt %add3A_111 : vector<1x8192xf32>
    %le3A = arith.constant 1.000000e+00 : f32
    %le3A_113 = vector.broadcast %le3A : f32 to vector<1x8192xf32>
    %le3A_114 = arith.cmpf ole, %sqrt3A_112, %le3A_113 : vector<1x8192xf32>
    %convert_element_type3A_115 = arith.extui %le3A_114 : vector<1x8192xi1> to vector<1x8192xi32>
    %convert_element_type3A_116 = arith.sitofp %convert_element_type3A_115 : vector<1x8192xi32> to vector<1x8192xf32>
    %iota3A_117 = tpu.iota {dimensions = array<i32: 1>} : vector<1x8192xi32>
    %mul3A_118 = arith.constant 8192 : i32
    %mul3A_119 = arith.muli %arg0, %mul3A_118 : i32
    %add3A_120 = vector.broadcast %mul3A_119 : i32 to vector<1x8192xi32>
    %add3A_121 = arith.addi %iota3A_117, %add3A_120 : vector<1x8192xi32>
    %jit3A = arith.constant 64 : i32
    %div3A = vector.broadcast %jit3A : i32 to vector<1x8192xi32>
    %div3A_122 = arith.divsi %add3A_121, %div3A : vector<1x8192xi32>
    %sign3A = arith.constant 0 : i32
    %sign3A_123 = vector.broadcast %sign3A : i32 to vector<1x8192xi32>
    %sign3A_124 = arith.cmpi sgt, %add3A_121, %sign3A_123 : vector<1x8192xi32>
    %sign3A_125 = arith.extui %sign3A_124 : vector<1x8192xi1> to vector<1x8192xi32>
    %sign3A_126 = arith.constant 0 : i32
    %sign3A_127 = vector.broadcast %sign3A_126 : i32 to vector<1x8192xi32>
    %sign3A_128 = arith.cmpi slt, %add3A_121, %sign3A_127 : vector<1x8192xi32>
    %sign3A_129 = arith.extui %sign3A_128 : vector<1x8192xi1> to vector<1x8192xi32>
    %sign3A_130 = arith.subi %sign3A_125, %sign3A_129 : vector<1x8192xi32>
    %sign3A_131 = arith.constant 0 : i32
    %sign3A_132 = arith.cmpi sgt, %jit3A, %sign3A_131 : i32
    %sign3A_133 = arith.extui %sign3A_132 : i1 to i32
    %sign3A_134 = arith.constant 0 : i32
    %sign3A_135 = arith.cmpi slt, %jit3A, %sign3A_134 : i32
    %sign3A_136 = arith.extui %sign3A_135 : i1 to i32
    %sign3A_137 = arith.subi %sign3A_133, %sign3A_136 : i32
    %ne3A_138 = vector.broadcast %sign3A_137 : i32 to vector<1x8192xi32>
    %ne3A_139 = arith.cmpi ne, %sign3A_130, %ne3A_138 : vector<1x8192xi32>
    %rem3A = vector.broadcast %jit3A : i32 to vector<1x8192xi32>
    %rem3A_140 = arith.remsi %add3A_121, %rem3A : vector<1x8192xi32>
    %ne3A_141 = arith.constant 0 : i32
    %ne3A_142 = vector.broadcast %ne3A_141 : i32 to vector<1x8192xi32>
    %ne3A_143 = arith.cmpi ne, %rem3A_140, %ne3A_142 : vector<1x8192xi32>
    %and3A_144 = arith.andi %ne3A_139, %ne3A_143 : vector<1x8192xi1>
    %sub3A_145 = arith.constant 1 : i32
    %sub3A_146 = vector.broadcast %sub3A_145 : i32 to vector<1x8192xi32>
    %sub3A_147 = arith.subi %div3A_122, %sub3A_146 : vector<1x8192xi32>
    %select_n3A = arith.select %and3A_144, %sub3A_147, %div3A_122 : vector<1x8192xi1>, vector<1x8192xi32>
    %convert_element_type3A_148 = arith.sitofp %select_n3A : vector<1x8192xi32> to vector<1x8192xf32>
    %slice3A_149 = vector.extract_strided_slice %add3A_103 {offsets = [4, 0], sizes = [1, 8192], strides = [1, 1]} : vector<5x8192xf32> to vector<1x8192xf32>
    %eq3A_150 = arith.cmpf oeq, %slice3A_149, %convert_element_type3A_148 : vector<1x8192xf32>
    %convert_element_type3A_151 = arith.extui %eq3A_150 : vector<1x8192xi1> to vector<1x8192xi32>
    %convert_element_type3A_152 = arith.sitofp %convert_element_type3A_151 : vector<1x8192xi32> to vector<1x8192xf32>
    %get3A_153 = arith.constant 0 : index
    %get3A_154 = arith.constant 0 : index
    %get3A_155 = vector.load %arg2[%get3A_153, %get3A_154] : memref<1x1xf32, #tpu.memory_space<vmem>>, vector<1x1xf32>
    %sub3A_156 = vector.broadcast %get3A_155 : vector<1x1xf32> to vector<1x8192xf32>
    %sub3A_157 = arith.subf %sqrt3A_112, %sub3A_156 : vector<1x8192xf32>
    %broadcast_in_dim3A = arith.constant 0.000000e+00 : f32
    %broadcast_in_dim3A_158 = vector.broadcast %broadcast_in_dim3A : f32 to vector<2x8192xf32>
    %slice3A_159 = vector.extract_strided_slice %add3A_103 {offsets = [0, 0], sizes = [4, 8192], strides = [1, 1]} : vector<5x8192xf32> to vector<4x8192xf32>
    %concatenate3A_160 = tpu.concatenate %slice3A_159, %convert_element_type3A_152, %sub3A_157, %broadcast_in_dim3A_158 in 0 : vector<4x8192xf32>, vector<1x8192xf32>, vector<1x8192xf32>, vector<2x8192xf32> -> vector<8x8192xf32>
    %get3A_161 = arith.constant 0 : index
    %get3A_162 = arith.constant 0 : index
    %get3A_163 = vector.load %arg3[%get3A_161, %get3A_162] : memref<64x8xf32, #tpu.memory_space<vmem>>, vector<64x8xf32>
    %dot_general3A = arith.constant dense<0.000000e+00> : vector<64x8192xf32>
    %dot_general3A_164 = tpu.matmul %get3A_163, %concatenate3A_160, %dot_general3A {dimension_numbers = #tpu.dot_dimension_numbers<[1], [0], [0], [1], [0, 0, 1, 1], [], []>, transpose_lhs_hint = false} : vector<64x8xf32>, vector<8x8192xf32>, vector<64x8192xf32> -> vector<64x8192xf32>
    %get3A_165 = arith.constant 0 : index
    %get3A_166 = arith.constant 0 : index
    %get3A_167 = vector.load %arg4[%get3A_165, %get3A_166] : memref<64x1xf32, #tpu.memory_space<vmem>>, vector<64x1xf32>
    %add3A_168 = vector.broadcast %get3A_167 : vector<64x1xf32> to vector<64x8192xf32>
    %add3A_169 = arith.addf %dot_general3A_164, %add3A_168 : vector<64x8192xf32>
    %max3A = arith.constant 0.000000e+00 : f32
    %max3A_170 = vector.broadcast %max3A : f32 to vector<64x8192xf32>
    %max3A_171 = arith.maximumf %add3A_169, %max3A_170 : vector<64x8192xf32>
    %get3A_172 = arith.constant 0 : index
    %get3A_173 = arith.constant 0 : index
    %get3A_174 = vector.load %arg5[%get3A_172, %get3A_173] : memref<128x64xf32, #tpu.memory_space<vmem>>, vector<128x64xf32>
    %dot_general3A_175 = arith.constant dense<0.000000e+00> : vector<128x8192xf32>
    %dot_general3A_176 = tpu.matmul %get3A_174, %max3A_171, %dot_general3A_175 {dimension_numbers = #tpu.dot_dimension_numbers<[1], [0], [0], [1], [0, 0, 1, 1], [], []>, transpose_lhs_hint = false} : vector<128x64xf32>, vector<64x8192xf32>, vector<128x8192xf32> -> vector<128x8192xf32>
    %get3A_177 = arith.constant 0 : index
    %get3A_178 = arith.constant 0 : index
    %get3A_179 = vector.load %arg6[%get3A_177, %get3A_178] : memref<128x1xf32, #tpu.memory_space<vmem>>, vector<128x1xf32>
    %add3A_180 = vector.broadcast %get3A_179 : vector<128x1xf32> to vector<128x8192xf32>
    %add3A_181 = arith.addf %dot_general3A_176, %add3A_180 : vector<128x8192xf32>
    %max3A_182 = arith.constant 0.000000e+00 : f32
    %max3A_183 = vector.broadcast %max3A_182 : f32 to vector<128x8192xf32>
    %max3A_184 = arith.maximumf %add3A_181, %max3A_183 : vector<128x8192xf32>
    %get3A_185 = arith.constant 0 : index
    %get3A_186 = arith.constant 0 : index
    %get3A_187 = vector.load %arg7[%get3A_185, %get3A_186] : memref<64x128xf32, #tpu.memory_space<vmem>>, vector<64x128xf32>
    %dot_general3A_188 = arith.constant dense<0.000000e+00> : vector<64x8192xf32>
    %dot_general3A_189 = tpu.matmul %get3A_187, %max3A_184, %dot_general3A_188 {dimension_numbers = #tpu.dot_dimension_numbers<[1], [0], [0], [1], [0, 0, 1, 1], [], []>, transpose_lhs_hint = false} : vector<64x128xf32>, vector<128x8192xf32>, vector<64x8192xf32> -> vector<64x8192xf32>
    %get3A_190 = arith.constant 0 : index
    %get3A_191 = arith.constant 0 : index
    %get3A_192 = vector.load %arg8[%get3A_190, %get3A_191] : memref<64x1xf32, #tpu.memory_space<vmem>>, vector<64x1xf32>
    %add3A_193 = vector.broadcast %get3A_192 : vector<64x1xf32> to vector<64x8192xf32>
    %add3A_194 = arith.addf %dot_general3A_189, %add3A_193 : vector<64x8192xf32>
    %max3A_195 = arith.constant 0.000000e+00 : f32
    %max3A_196 = vector.broadcast %max3A_195 : f32 to vector<64x8192xf32>
    %max3A_197 = arith.maximumf %add3A_194, %max3A_196 : vector<64x8192xf32>
    %get3A_198 = arith.constant 0 : index
    %get3A_199 = arith.constant 0 : index
    %get3A_200 = vector.load %arg9[%get3A_198, %get3A_199] : memref<64x1xf32, #tpu.memory_space<vmem>>, vector<64x1xf32>
    %mul3A_201 = vector.broadcast %get3A_200 : vector<64x1xf32> to vector<64x8192xf32>
    %mul3A_202 = arith.mulf %max3A_197, %mul3A_201 : vector<64x8192xf32>
    %reduce_sum3A = arith.constant dense<0.000000e+00> : vector<8192xf32>
    %reduce_sum3A_203 = vector.multi_reduction <add>, %mul3A_202, %reduce_sum3A [0] : vector<64x8192xf32> to vector<8192xf32>
    %broadcast_in_dim3A_204 = vector.shape_cast %reduce_sum3A_203 : vector<8192xf32> to vector<1x8192xf32>
    %get3A_205 = arith.constant 0 : index
    %get3A_206 = arith.constant 0 : index
    %get3A_207 = vector.load %arg10[%get3A_205, %get3A_206] : memref<1x1xf32, #tpu.memory_space<vmem>>, vector<1x1xf32>
    %add3A_208 = vector.broadcast %get3A_207 : vector<1x1xf32> to vector<1x8192xf32>
    %add3A_209 = arith.addf %broadcast_in_dim3A_204, %add3A_208 : vector<1x8192xf32>
    %mul3A_210 = arith.mulf %add3A_209, %convert_element_type3A_116 : vector<1x8192xf32>
    %swap3A = arith.constant 0 : index
    %swap3A_211 = arith.constant 0 : index
    %swap3A_212 = vector.load %arg11[%swap3A, %swap3A_211] : memref<1x8192xf32, #tpu.memory_space<vmem>>, vector<1x8192xf32>
    tpu.vector_store %arg11[%swap3A, %swap3A_211], %mul3A_210 {strides = array<i32>} : memref<1x8192xf32, #tpu.memory_space<vmem>>, vector<1x8192xf32>,
    %swap3A_213 = arith.constant 0 : index
    %swap3A_214 = arith.constant 0 : index
    %swap3A_215 = vector.load %arg12[%swap3A_213, %swap3A_214] : memref<1x8192xf32, #tpu.memory_space<vmem>>, vector<1x8192xf32>
    tpu.vector_store %arg12[%swap3A_213, %swap3A_214], %convert_element_type3A_116 {strides = array<i32>} : memref<1x8192xf32, #tpu.memory_space<vmem>>, vector<1x8192xf32>,
    %slice3A_216 = vector.extract_strided_slice %add3A_103 {offsets = [4, 0], sizes = [1, 8192], strides = [1, 1]} : vector<5x8192xf32> to vector<1x8192xf32>
    %convert_element_type3A_217 = arith.fptosi %slice3A_216 : vector<1x8192xf32> to vector<1x8192xi32>
    %swap3A_218 = arith.constant 0 : index
    %swap3A_219 = arith.constant 0 : index
    %swap3A_220 = vector.load %arg13[%swap3A_218, %swap3A_219] : memref<1x8192xi32, #tpu.memory_space<vmem>>, vector<1x8192xi32>
    tpu.vector_store %arg13[%swap3A_218, %swap3A_219], %convert_element_type3A_217 {strides = array<i32>} : memref<1x8192xi32, #tpu.memory_space<vmem>>, vector<1x8192xi32>,
    return
  }
  func.func @transform_0(%arg0: i32) -> (i32, i32) {
    %c0_i32 = arith.constant 0 : i32
    %c0_i32_0 = arith.constant 0 : i32
    return %c0_i32, %arg0 : i32, i32
  }
  func.func @transform_1(%arg0: i32) -> (i32, i32) {
    %c0_i32 = arith.constant 0 : i32
    %c0_i32_0 = arith.constant 0 : i32
    %c0_i32_1 = arith.constant 0 : i32
    return %c0_i32, %c0_i32_0 : i32, i32
  }
  func.func @transform_2(%arg0: i32) -> (i32, i32) {
    %c0_i32 = arith.constant 0 : i32
    %c0_i32_0 = arith.constant 0 : i32
    %c0_i32_1 = arith.constant 0 : i32
    return %c0_i32, %c0_i32_0 : i32, i32
  }
  func.func @transform_3(%arg0: i32) -> (i32, i32) {
    %c0_i32 = arith.constant 0 : i32
    %c0_i32_0 = arith.constant 0 : i32
    %c0_i32_1 = arith.constant 0 : i32
    return %c0_i32, %c0_i32_0 : i32, i32
  }
  func.func @transform_4(%arg0: i32) -> (i32, i32) {
    %c0_i32 = arith.constant 0 : i32
    %c0_i32_0 = arith.constant 0 : i32
    %c0_i32_1 = arith.constant 0 : i32
    return %c0_i32, %c0_i32_0 : i32, i32
  }
  func.func @transform_5(%arg0: i32) -> (i32, i32) {
    %c0_i32 = arith.constant 0 : i32
    %c0_i32_0 = arith.constant 0 : i32
    %c0_i32_1 = arith.constant 0 : i32
    return %c0_i32, %c0_i32_0 : i32, i32
  }
  func.func @transform_6(%arg0: i32) -> (i32, i32) {
    %c0_i32 = arith.constant 0 : i32
    %c0_i32_0 = arith.constant 0 : i32
    %c0_i32_1 = arith.constant 0 : i32
    return %c0_i32, %c0_i32_0 : i32, i32
  }
  func.func @transform_7(%arg0: i32) -> (i32, i32) {
    %c0_i32 = arith.constant 0 : i32
    %c0_i32_0 = arith.constant 0 : i32
    %c0_i32_1 = arith.constant 0 : i32
    return %c0_i32, %c0_i32_0 : i32, i32
  }
  func.func @transform_8(%arg0: i32) -> (i32, i32) {
    %c0_i32 = arith.constant 0 : i32
    %c0_i32_0 = arith.constant 0 : i32
    %c0_i32_1 = arith.constant 0 : i32
    return %c0_i32, %c0_i32_0 : i32, i32
  }
  func.func @transform_9(%arg0: i32) -> (i32, i32) {
    %c0_i32 = arith.constant 0 : i32
    %c0_i32_0 = arith.constant 0 : i32
    %c0_i32_1 = arith.constant 0 : i32
    return %c0_i32, %c0_i32_0 : i32, i32
  }
  func.func @transform_10(%arg0: i32) -> (i32, i32) {
    %c0_i32 = arith.constant 0 : i32
    %c0_i32_0 = arith.constant 0 : i32
    return %c0_i32, %arg0 : i32, i32
  }
  func.func @transform_11(%arg0: i32) -> (i32, i32) {
    %c0_i32 = arith.constant 0 : i32
    %c0_i32_0 = arith.constant 0 : i32
    return %c0_i32, %arg0 : i32, i32
  }
  func.func @transform_12(%arg0: i32) -> (i32, i32) {
    %c0_i32 = arith.constant 0 : i32
    %c0_i32_0 = arith.constant 0 : i32
    return %c0_i32, %arg0 : i32, i32
  }
}

</mosaic_0001>

<sc_bundles>
// kernel: kernel.4.cloned.1.call-start
scs
__scs_entry_jumppad:
0x0: {  	(pc) =	sbr.rel $0x88, $3  }
0x1: {  	(tag) =	ssettag $0x0;
	lr =	simm.s32 $0x1  }
0x2: {  	[smem:$0x3F97] =	sst lr;
	_ =	strace $0xD0000000  }
0x3: {  	_ = 	snop  }
0x4: {  	_ = 	snop  }
0x5: {  	_ = 	snop  }
0x6: {  	_ = 	snop  }
0x7: {  	_ = 	snop  }
__scs_overlays_trampoline_lowered:
0x8: {  	[smem:$0x3FA6] =	sst s0  }
0x9: {  	[smem:$0x3FA7] =	sst s1  }
0xa: {  	[smem:$0x3FA8] =	sst s2  }
0xb: {  	[smem:$0x3FA9] =	sst s3  }
0xc: {  	[smem:$0x3FAA] =	sst s4  }
0xd: {  	[smem:$0x3FAB] =	sst s5  }
0xe: {  	[smem:$0x3FAC] =	sst s6  }
0xf: {  	[smem:$0x3FAD] =	sst s7  }
0x10: {  	[smem:$0x3FAE] =	sst s8  }
0x11: {  	[smem:$0x3FAF] =	sst s9;
	s0 =	simm.s32 @!p0 $0x0  }
0x12: {  	s1 =	sld [smem:$0x3F95];
	s0 =	simm.s32 @p0 $0x1  }
0x13: {  	[smem:$0x3FB0] =	sst s0;
	s0 =	simm.s32 @!p1 $0x0  }
0x14: {  	s2 =	sld [smem:$0x3F94];
	s0 =	simm.s32 @p1 $0x1  }
0x15: {  	[smem:$0x3FB1] =	sst s0;
	s0 =	simm.s32 @!p2 $0x0  }
0x16: {  	s3 =	sld [smem:$0x3FDB];
	s0 =	simm.s32 @p2 $0x1  }
0x17: {  	s4 =	simm.s32 $0x1BF5;
	[smem:$0x3FB3] =	sst s0  }
0x18: {  	s0 =	sld [smem:$0x3F96];
	_ =	swait.ge [sflag:s4], $0x0  }
0x19: {  	s7 =	sld [smem:$0x3F97]  }
0x1a: {  	s8 =	sadd.s32 $0xFFFFE003, lr  }
0x1b: {  	s9 =	sadd.s32 $0xFFFFFEF7, lr;
	s5 =	simm.s32 $0xFFFFFFFF;
	p2 =	slt.u32 s8, $0xFFFFF086  }
0x1c: {  	p1 =	slt.u32 s9, $0xF7A;
	s5 =	simm.s32 @!p2 $0x0  }
0x1d: {  	s5 =	simm.s32 @p1 $0x1;
	p0 =	seq.s32 s7, s2  }
0x1e: {  	s7 =	smul.u32 @!p0 $0xF7A, s2;
	p2 =	seq.s32 @!p0 s5, $0x0  }
0x1f: {  	s9 =	smul.u32 $0xF7A, s1;
	s8 =	simm.s32 @!p0 $0x1BF5;
	p2 =	por !p2, p0  }
0x20: {  	[sflag:s8] =	ssyncset.s32 @!p0 $0xFFFFF086;
	s6 =	sadd.s32 @!p0 s3, s7;
	s7 =	simm.s32 @!p0 $0x108  }
0x21: {  	s3 =	sadd.s32 s3, s9;
	s6 =	sadd.s32 @!p0 $0x88, s6;
	s7 =	simm.s32 @p2 $0x1082  }
0x22: {  	[simem:s7], [sflag:s8] =	dma.local @!p0 [hbm:s6], $0xF7A  }
0x23: {  	s9 =	sor.u32 $0xD0000000, s2;
	s6 =	simm.s32 $0x108;
	_ =	swait.ge @!p0 [sflag:s8], $0x0  }
0x24: {  	s3 =	sadd.s32 $0x88, s3;
	s6 =	simm.s32 @!p1 $0x1082;
	[sflag:s4] =	ssyncset.s32 $0xFFFFF086  }
0x25: {  	[simem:s6], [sflag:s4] =	dma.local [hbm:s3], $0xF7A  }
0x26: {  	[smem:$0x3F97] =	sst s1;
	(tag) =	ssettag s2;
	_ =	strace s9  }
0x27: {  	s1 =	sld [smem:$0x3FA7]  }
0x28: {  	s2 =	sld [smem:$0x3FA8]  }
0x29: {  	s4 =	sld [smem:$0x3FAA]  }
0x2a: {  	p0 =	seq.s32 s5, $0x0;
	s5 =	sld [smem:$0x3FAB]  }
0x2b: {  	s6 =	sld [smem:$0x3FAC]  }
0x2c: {  	s7 =	sld [smem:$0x3FAD]  }
0x2d: {  	s3 =	simm.s32 $0x108;
	s8 =	sld [smem:$0x3FAE]  }
0x2e: {  	s3 =	simm.s32 @!p0 $0x1082;
	s9 =	sld [smem:$0x3FAF]  }
0x2f: {  	lr =	sadd.s32 s0, s3;
	s0 =	sld [smem:$0x3FA6]  }
0x30: {  	s3 =	sld [smem:$0x3FA9]  }
0x31: {  	[smem:$0x3FB2] =	sst s10  }
0x32: {  	s10 =	sld [smem:$0x3FB0];
	_ =	sdelay $0x3  }
0x33: {  	p0 =	seq.s32 s10, $0x1;
	s10 =	sld [smem:$0x3FB2];
	_ =	sdelay $0x3  }
0x34: {  	[smem:$0x3FB2] =	sst s10  }
0x35: {  	s10 =	sld [smem:$0x3FB1];
	_ =	sdelay $0x3  }
0x36: {  	p1 =	seq.s32 s10, $0x1;
	s10 =	sld [smem:$0x3FB2];
	_ =	sdelay $0x3  }
0x37: {  	[smem:$0x3FB2] =	sst s10  }
0x38: {  	s10 =	sld [smem:$0x3FB3]  }
0x39: {  	_ = 	snop;
	(pc) =	sbr.ind lr, $3  }
0x3a: {  	_ = 	snop  }
0x3b: {  	_ = 	snop  }
0x3c: {  	p2 =	seq.s32 s10, $0x1;
	s10 =	sld [smem:$0x3FB2]  }
0x3d: {  	_ =	shalt  }
0x3e: {  	_ =	shalt  }
0x3f: {  	_ =	shalt  }
0x40: {  	_ =	shalt  }
0x41: {  	_ =	shalt  }
0x42: {  	_ =	shalt  }
0x43: {  	_ =	shalt  }
0x44: {  	_ =	shalt  }
0x45: {  	_ =	shalt  }
0x46: {  	_ =	shalt  }
0x47: {  	_ =	shalt  }
0x48: {  	_ =	shalt  }
0x49: {  	_ =	shalt  }
0x4a: {  	_ =	shalt  }
0x4b: {  	_ =	shalt  }
0x4c: {  	_ =	shalt  }
0x4d: {  	_ =	shalt  }
0x4e: {  	_ =	shalt  }
0x4f: {  	_ =	shalt  }
0x50: {  	_ =	shalt  }
0x51: {  	_ =	shalt  }
0x52: {  	_ =	shalt  }
0x53: {  	_ =	shalt  }
0x54: {  	_ =	shalt  }
0x55: {  	_ =	shalt  }
0x56: {  	_ =	shalt  }
0x57: {  	_ =	shalt  }
0x58: {  	_ =	shalt  }
0x59: {  	_ =	shalt  }
0x5a: {  	_ =	shalt  }
0x5b: {  	_ =	shalt  }
0x5c: {  	_ =	shalt  }
0x5d: {  	_ =	shalt  }
0x5e: {  	_ =	shalt  }
0x5f: {  	_ =	shalt  }
0x60: {  	_ =	shalt  }
0x61: {  	_ =	shalt  }
0x62: {  	_ =	shalt  }
0x63: {  	_ =	shalt  }
0x64: {  	_ =	shalt  }
0x65: {  	_ =	shalt  }
0x66: {  	_ =	shalt  }
0x67: {  	_ =	shalt  }
0x68: {  	_ =	shalt  }
0x69: {  	_ =	shalt  }
0x6a: {  	_ =	shalt  }
0x6b: {  	_ =	shalt  }
0x6c: {  	_ =	shalt  }
0x6d: {  	_ =	shalt  }
0x6e: {  	_ =	shalt  }
0x6f: {  	_ =	shalt  }
0x70: {  	_ =	shalt  }
0x71: {  	_ =	shalt  }
0x72: {  	_ =	shalt  }
0x73: {  	_ =	shalt  }
0x74: {  	_ =	shalt  }
0x75: {  	_ =	shalt  }
0x76: {  	_ =	shalt  }
0x77: {  	_ =	shalt  }
0x78: {  	_ =	shalt  }
0x79: {  	_ =	shalt  }
0x7a: {  	_ =	shalt  }
0x7b: {  	_ =	shalt  }
0x7c: {  	_ =	shalt  }
0x7d: {  	_ =	shalt  }
0x7e: {  	_ =	shalt  }
0x7f: {  	_ =	shalt  }
0x80: {  	_ =	shalt  }
0x81: {  	_ =	shalt  }
0x82: {  	_ =	shalt  }
0x83: {  	_ =	shalt  }
0x84: {  	_ =	shalt  }
0x85: {  	_ =	shalt  }
0x86: {  	_ =	shalt  }
0x87: {  	_ =	shalt  }
.Lfunc_end0:
.L_simem_size_0:
called_computation_lowered:
.L_overlay_start_0:
0x88: {  	s2 =	sld [smem:$0x3FD9]  }
0x89: {  	s3 =	sld [smem:$0x3FFE];
	_ =	sdelay $0x1  }
0x8a: {  	s1 =	srdreg.scid  }
0x8b: {  	s0 =	sand.u32 $0x1, s1  }
0x8c: {  	s16 =	sshll.u32 s0, $0xA;
	s2 =	sadd.s32 s3, s2  }
0x8d: {  	s2 =	sadd.s32 s2, s16  }
0x8e: {  	[smem:$0x3FBE] =	sst s2  }
0x8f: {  	_ = 	snop  }
0x90: {  	(tm) =	ssettm $0x1  }
0x91: {  	s17 =	sld [smem:$0x3FFB];
	_ =	sdelay $0x3  }
0x92: {  	_ =	strace s17  }
0x93: {  	s2 =	sld [smem:$0x3FFC];
	_ =	sdelay $0x3  }
0x94: {  	_ =	strace s2  }
0x95: {  	s2 =	sld [smem:$0x3FFD];
	_ =	sdelay $0x3  }
0x96: {  	_ =	strace s2  }
0x97: {  	_ =	strace $0x8FFFFFFF  }
0x98: {  	s18 =	sld [smem:$0x3FDB];
	_ =	sdelay $0x1  }
0x99: {  	s19 =	simm.s32 $_scs_section_size  }
0x9a: {  	s4 =	simm.s32 $_size__tile_overlayer_lowered;
	s5 =	simm.s32 $_tile_overlayer_lowered  }
0x9b: {  	s22 =	simm.s32 $0x1BFF;
	s21 =	sshll.u32 s5, $0x1;
	s2 =	sadd.s32 s19, s18  }
0x9c: {  	s6 =	simm.s32 $0x0;
	s20 =	sshll.u32 s4, $0x1;
	s4 =	sadd.s32 s21, s2  }
0x9d: {  	[timem:s6], [sflag:s22] =	dma.local [hbm:s4], s20  }
0x9e: {  	_ =	swait.ge [sflag:s22], s20  }
0x9f: {  	s3 =	ssub.s32 $0x0, s20;
	[sflag:s22] =	ssyncset.done $0x0  }
0xa0: {  	[sflag:s22] =	ssyncadd.s32 s3;
	_ =	sdelay $0x1  }
0xa1: {  	s23 =	simm.s32 $0x1B8B  }
0xa2: {  	_ =	swait.ge [sflag:s23], $0x1  }
0xa3: {  	[sflag:s23] =	ssyncset.done $0x0  }
0xa4: {  	s25 =	simm.s32 $0x1B8E;
	s24 =	sld [smem:$0x3FFE];
	[sflag:s23] =	ssyncadd.s32 $0xFFFFFFFF  }
0xa5: {  	s26 =	simm.s32 $execute0_lowered;
	[smem:$0x3FD2] =	sst s25  }
0xa6: {  	s4 =	sshll.u32 s26, $0x1;
	_ =	strace $0x80000046;
	[dreg:$0x1] =	wrdreg $0xFFFFFFFF  }
0xa7: {  	s28 =	simm.s32 $_size_execute0_lowered;
	s2 =	sadd.s32 s2, s4;
	[dreg:$0x0] =	wrdreg $0x0  }
0xa8: {  	s4 =	sshll.u32 s28, $0x1;
	[dreg:$0x2] =	wrdreg s2  }
0xa9: {  	[dreg:$0x3] =	wrdreg s4  }
0xaa: {  	[dreg:$0x4] =	wrdreg $0xC0  }
0xab: {  	_ =	task [dreg:s6], $0x5FFFF  }
0xac: {  	[dreg:$0x1] =	wrdreg $0xFFFFFFFF  }
0xad: {  	[dreg:$0x0] =	wrdreg $0x60  }
0xae: {  	[dreg:$0x2] =	wrdreg s24  }
0xaf: {  	[dreg:$0x3] =	wrdreg $0x9  }
0xb0: {  	_ =	task.clear_ibuf [dreg:s6], $0x4FFFF;
	_ =	strace $0x90000046  }
0xb1: {  	s29 =	simm.s32 $0x9;
	_ =	strace $0x80000048  }
0xb2: {  	_ =	swait.ge [sflag:s29], $0x1  }
0xb3: {  	[sflag:s29] =	ssyncadd.s32 $0xFFFFFFFF  }
0xb4: {  	_ =	strace $0x90000048  }
0xb5: {  	_ =	sfence  }
0xb6: {  	s30 =	sld [smem:$0x0];
	_ =	sdelay $0x2  }
0xb7: {  	s31 =	sshll.u32 s1, $0xD;
	s1 =	sshrl.u32 s1, $0x2  }
0xb8: {  	s3 =	sand.u32 $0x4000, s31;
	s1 =	sadd.s32 s1, s30  }
0xb9: {  	s0 =	sor.u32 s3, s0;
	s1 =	sshll.u32 s1, $0x11  }
0xba: {  	s0 =	sor.u32 s1, s0  }
0xbb: {  	s0 =	sadd.s32 $0x8F2B, s0  }
0xbc: {  	[sflag:s0] =	ssyncadd.remote.s32 $0x1  }
0xbd: {  	_ =	sfence.sel $0xFFFF  }
0xbe: {  	[dreg:$0x0] =	wrdreg $0xFFFFFFFF;
	(pc) =	sbr.abs _section_cstart, $3  }
0xbf: {  	[dreg:$0x1] =	wrdreg $0xFFFFFFFF  }
0xc0: {  	_ =	task.clear_ibuf [dreg:s6], $0x2FFFF;
	_ =	strace $0x9FFFFFFF  }
0xc1: {  	(tm) =	ssettm $0x7FFFFFFF  }
tec
execute0_lowered:
.L_overlay_start_1:
0x0: {  	(tag) =	ssettag $0x1  }
0x1: {  	s1 =	srdreg.scid  }
0x2: {  	s0 =	stileid.u32;
	s2 =	rddreg [dreg:$0x0]  }
0x3: {  	s3 =	simm.s32 $0x0;
	s8 =	simm.s32 $0x80;
	s9 =	simm.s32 $0x400  }
0x4: {  	s10 =	simm.s32 $0x2000;
	s11 =	simm.s32 $0x1;
	s12 =	simm.s32 $0x4800  }
0x5: {  	s13 =	simm.s32 $0x5000;
	s14 =	simm.s32 $0x5800;
	s15 =	simm.s32 $0x6080  }
0x6: {  	s16 =	simm.s32 $0x2;
	s17 =	simm.s32 $0x6900;
	s18 =	simm.s32 $0x3  }
0x7: {  	s19 =	simm.s32 $0x0;
	s4 =	sand.u32 $0x1, s1;
	s5 =	sshll.u32 s0, $0x1  }
.Ltmp0:
0x8: {  	s1 =	rddreg [dreg:$0x1];
	s5 =	sor.u32 s4, s5;
	(pc) =	sbr.rel .LBB2_1-.Ltmp0, $4  }
0x9: {  	v0 =	vlaneseq.u32;
	[smem:$0x7FF] =	sst s3;
	s4 =	ssub.s32 $0x2, s4;
	s6 =	sshll.u32 s5, $0xC  }
0xa: {  	v1 =	vmul.u32 $0x4, v0;
	v5 =	vmul.u32 $0xFFFFFFFF, v0;
	_ =	strace $0x80000047;
	s7 =	sshrl.u32 s4, $0x1;
	s6 =	sadd.s32 s6, s2  }
0xb: {  	v4 =	vimm.s32 $0x0;
	s7 =	ssub.s32 s4, s7;
	s4 =	sshll.u32 s5, $0x6;
	s5 =	sshll.u32 s5, $0x10  }
0xc: {  	v2 =	vor.u32 $0x1, v1;
	v3 =	vor.u32 $0x41, v1;
	v5 =	vadd.s32 $0xF, v5;
	s5 =	sadd.s32 s2, s5;
	s6 =	sadd.s32 $0x200000, s6;
	s7 =	smax.u32 s7, $0x1  }
.LBB2_39:
0xd: {  	s19 =	sadd.s32 $0x1, s19  }
0xe: {  	p0 =	sne.s32 s19, s7  }
.Ltmp1:
0xf: {  	_ = 	snop;
	(pc) =	sbr.rel @!p0 .LBB2_40-.Ltmp1, $4  }
0x10: {  	[hbm4b:s6+s3] =	stream.linear.scatter [tilespmem:s17], [sflag:$0x3], $0x8000, $0x38;
	[tilespmem:$0xE900] =	vst v63  }
0x11: {  	_ =	swait.ge [sflag:s18], $0x8000  }
0x12: {  	[sflag:s18] =	ssyncset.done $0x0  }
0x13: {  	[sflag:s18] =	ssyncadd.s32 $0xFFFF8000  }
.LBB2_1:
.Ltmp2:
0x14: {  	(pc) =	sbr.rel .LBB2_2-.Ltmp2, $3  }
0x15: {  	_ =	sdelay $0x1  }
0x16: {  	[tilespmem:s3], [sflag:$0x1] =	stream.strided.gather [hbm4b:s5+s8], $0x2000, s9, s8, $0x38;
	[tilespmem:$0xE900] =	vst v63  }
0x17: {  	s20 =	simm.s32 $0x0  }
.LBB2_37:
0x18: {  	v10 =	vimm.s32 $0x0  }
0x19: {  	v8 =	vimm.s32 $0x0;
	v9 =	vimm.s32 $0x0;
	v6 =	vimm.s32 $0x0  }
.LBB2_38:
0x1a: {  	v7 =	vshll.u32 v10, $0x2;
	_ =	sdelay $0x1  }
0x1b: {  	v52 =	vcvt.s32.f32 v10;
	_ =	sdelay $0x1  }
0x1c: {  	[tilespmem:s21+$0x6B40] =	vst v52  }
0x1d: {  	v10 =	vld.idx.msk [tilespmem:v7+s10+$0x0], $0xffff  }
0x1e: {  	v11 =	vor.u32 $0x1, v7;
	_ =	sdelay $0x3  }
0x1f: {  	[tilespmem:s21+$0x6940] =	vst v10  }
0x20: {  	v10 =	vld.idx.msk [tilespmem:v11+s10+$0x0], $0xffff  }
0x21: {  	v53 =	vor.u32 $0x2, v7;
	_ =	sdelay $0x3  }
0x22: {  	[tilespmem:s21+$0x69C0] =	vst v10  }
0x23: {  	v10 =	vld.idx.msk [tilespmem:v53+s10+$0x0], $0xffff  }
0x24: {  	v7 =	vor.u32 $0x3, v7;
	_ =	sdelay $0x3  }
0x25: {  	[tilespmem:s21+$0x6A40] =	vst v10  }
0x26: {  	v7 =	vld.idx.msk [tilespmem:v7+s10+$0x0], $0xffff  }
0x27: {  	v54 =	vshll.u32 v8, $0x2  }
0x28: {  	v55 =	vcvt.s32.f32 v8;
	_ =	sdelay $0x1  }
0x29: {  	[tilespmem:s21+$0x6B50] =	vst v55  }
0x2a: {  	[tilespmem:s21+$0x6AC0] =	vst v7  }
0x2b: {  	v7 =	vld.idx.msk [tilespmem:v54+s10+$0x0], $0xffff  }
0x2c: {  	v56 =	vor.u32 $0x1, v54;
	_ =	sdelay $0x3  }
0x2d: {  	[tilespmem:s21+$0x6950] =	vst v7  }
0x2e: {  	v7 =	vld.idx.msk [tilespmem:v56+s10+$0x0], $0xffff  }
0x2f: {  	v57 =	vor.u32 $0x2, v54;
	_ =	sdelay $0x3  }
0x30: {  	[tilespmem:s21+$0x69D0] =	vst v7  }
0x31: {  	v7 =	vld.idx.msk [tilespmem:v57+s10+$0x0], $0xffff  }
0x32: {  	v58 =	vor.u32 $0x3, v54;
	_ =	sdelay $0x3  }
0x33: {  	[tilespmem:s21+$0x6A50] =	vst v7  }
0x34: {  	v7 =	vld.idx.msk [tilespmem:v58+s10+$0x0], $0xffff  }
0x35: {  	v59 =	vshll.u32 v9, $0x2  }
0x36: {  	v60 =	vcvt.s32.f32 v9;
	_ =	sdelay $0x1  }
0x37: {  	[tilespmem:s21+$0x6B60] =	vst v60  }
0x38: {  	[tilespmem:s21+$0x6AD0] =	vst v7  }
0x39: {  	v7 =	vld.idx.msk [tilespmem:v59+s10+$0x0], $0xffff  }
0x3a: {  	v61 =	vor.u32 $0x1, v59;
	_ =	sdelay $0x3  }
0x3b: {  	[tilespmem:s21+$0x6960] =	vst v7  }
0x3c: {  	v7 =	vld.idx.msk [tilespmem:v61+s10+$0x0], $0xffff  }
0x3d: {  	v62 =	vor.u32 $0x2, v59;
	_ =	sdelay $0x3  }
0x3e: {  	[tilespmem:s21+$0x69E0] =	vst v7  }
0x3f: {  	v7 =	vld.idx.msk [tilespmem:v62+s10+$0x0], $0xffff  }
0x40: {  	v8 =	vor.u32 $0x3, v59;
	_ =	sdelay $0x3  }
0x41: {  	[tilespmem:s21+$0x6A60] =	vst v7  }
0x42: {  	v7 =	vld.idx.msk [tilespmem:v8+s10+$0x0], $0xffff  }
0x43: {  	v63 =	vshll.u32 v6, $0x2  }
0x44: {  	v6 =	vcvt.s32.f32 v6;
	_ =	sdelay $0x1  }
0x45: {  	[tilespmem:s21+$0x6B70] =	vst v6  }
0x46: {  	[tilespmem:s21+$0x6AE0] =	vst v7  }
0x47: {  	v6 =	vld.idx.msk [tilespmem:v63+s10+$0x0], $0xffff  }
0x48: {  	v7 =	vor.u32 $0x1, v63;
	_ =	sdelay $0x3  }
0x49: {  	[tilespmem:s21+$0x6970] =	vst v6  }
0x4a: {  	v6 =	vld.idx.msk [tilespmem:v7+s10+$0x0], $0xffff  }
0x4b: {  	v7 =	vor.u32 $0x2, v63;
	_ =	sdelay $0x3  }
0x4c: {  	[tilespmem:s21+$0x69F0] =	vst v6  }
0x4d: {  	v6 =	vld.idx.msk [tilespmem:v7+s10+$0x0], $0xffff  }
0x4e: {  	v7 =	vor.u32 $0x3, v63;
	_ =	sdelay $0x3  }
0x4f: {  	s20 =	sadd.s32 $0x1, s20;
	[tilespmem:s21+$0x6A70] =	vst v6  }
0x50: {  	p0 =	seq.s32 s20, $0x20;
	v6 =	vld.idx.msk [tilespmem:v7+s10+$0x0], $0xffff  }
.Ltmp3:
0x51: {  	_ = 	snop;
	(pc) =	sbr.rel @p0 .LBB2_39-.Ltmp3, $2  }
0x52: {  	_ =	sdelay $0x2  }
0x53: {  	[tilespmem:s21+$0x6AF0] =	vst v6  }
.LBB2_2:
0x54: {  	s21 =	sshll.u32 s20, $0x1  }
0x55: {  	s30 =	sshll.u32 s20, $0x5;
	s22 =	sadd.s32 s4, s21  }
0x56: {  	s21 =	sand.u32 $0x60, s30;
	s23 =	sshll.u32 s22, $0xA  }
0x57: {  	s21 =	sadd.s32 s21, s2;
	s23 =	sand.u32 $0xFFFE000, s23  }
0x58: {  	s31 =	simm.s32 $0x0;
	s21 =	sadd.s32 s23, s21  }
0x59: {  	s24 =	simm.s32 $0x80;
	s25 =	simm.s32 $0x40;
	v6 =	vor.u32 s31, v1;
	s21 =	sadd.s32 $0x10, s21  }
0x5a: {  	v7 =	vor.u32 s25, v1;
	[tilespmem:s10], [sflag:$0x2] =	stream.strided.gather [hbm4b:s21+s24], $0x2000, s9, s24, $0x38;
	[tilespmem:$0xE900] =	vst v63  }
0x5b: {  	v8 =	vor.u32 s31, v2;
	_ =	swait.ge [sflag:s11], $0x2000  }
0x5c: {  	s26 =	simm.s32 $0xC0;
	v9 =	vor.u32 s25, v3;
	[sflag:s11] =	ssyncset.done $0x0  }
0x5d: {  	v10 =	vor.u32 s26, v1;
	[sflag:s11] =	ssyncadd.s32 $0xFFFFE000  }
0x5e: {  	v11 =	vor.u32 s24, v2;
	v6 =	vld.idx.msk [tilespmem:v6+s3+$0x0], $0xffff  }
0x5f: {  	v12 =	vor.u32 s24, v1;
	v7 =	vld.idx.msk [tilespmem:v7+s3+$0x0], $0xffff  }
0x60: {  	s29 =	simm.s32 $0x140;
	v13 =	vor.u32 s26, v3;
	v8 =	vld.idx.msk [tilespmem:v8+s3+$0x0], $0xffff  }
0x61: {  	v17 =	vor.u32 s29, v3;
	v9 =	vld.idx.msk [tilespmem:v9+s3+$0x0], $0xffff  }
0x62: {  	v10 =	vld.idx.msk [tilespmem:v10+s3+$0x0], $0xffff  }
0x63: {  	s28 =	simm.s32 $0x100;
	v11 =	vld.idx.msk [tilespmem:v11+s3+$0x0], $0xffff  }
0x64: {  	v14 =	vor.u32 s28, v1;
	v12 =	vld.idx.msk [tilespmem:v12+s3+$0x0], $0xffff  }
0x65: {  	v15 =	vor.u32 s29, v1;
	v18 =	vld.idx.msk [tilespmem:v13+s3+$0x0], $0xffff  }
0x66: {  	v16 =	vor.u32 s28, v2;
	v17 =	vld.idx.msk [tilespmem:v17+s3+$0x0], $0xffff  }
0x67: {  	v6 =	vmul.f32 v6, v6;
	v8 =	vmul.f32 v8, v8  }
0x68: {  	v13 =	vmul.f32 v7, v7;
	v9 =	vmul.f32 v9, v9  }
0x69: {  	v19 =	vld.idx.msk [tilespmem:v14+s3+$0x0], $0xffff;
	v12 =	vmul.f32 v12, v12;
	v10 =	vmul.f32 v10, v10  }
0x6a: {  	v6 =	vadd.f32 v8, v6;
	v8 =	vld.idx.msk [tilespmem:v15+s3+$0x0], $0xffff;
	v14 =	vadd.f32 v9, v13;
	v15 =	vmul.f32 v11, v11  }
0x6b: {  	s30 =	simm.s32 $0x1C0;
	v16 =	vld.idx.msk [tilespmem:v16+s3+$0x0], $0xffff;
	v7 =	vimm.f32 $+Inf;
	v18 =	vmul.f32 v18, v18;
	v22 =	vmul.f32 v17, v17  }
0x6c: {  	v13 =	vor.u32 s30, v1;
	v11 =	vadd.f32 $9.999999970e-07, v14;
	v12 =	vadd.f32 v15, v12  }
0x6d: {  	s21 =	simm.s32 $0x180;
	v9 =	vor.u32 s30, v3;
	v21 =	vadd.f32 $9.999999970e-07, v6;
	v6 =	vadd.f32 v18, v10  }
0x6e: {  	s31 =	simm.s32 $0x20;
	v14 =	vor.u32 s21, v1;
	v15 =	vor.u32 s21, v2;
	v10 =	vmul.f32 v19, v19  }
0x6f: {  	v12 =	vadd.f32 $9.999999970e-07, v12;
	v6 =	vadd.f32 $9.999999970e-07, v6;
	[tilespmem:s31+$0x3FE0] =	vst v21;
	v20 =	vmax.f32 v7, v21  }
0x70: {  	v21 =	vmin.f32 v7, v21;
	[tilespmem:s31+$0x3FF0] =	vst v11;
	v19 =	vmul.f32 v8, v8;
	v8 =	vmul.f32 v16, v16  }
0x71: {  	v16 =	vmin.f32 v7, v20;
	v18 =	vmin.f32 v21, v11;
	v17 =	vmax.f32 v21, v11;
	[tilespmem:s31+$0x4000] =	vst v12  }
0x72: {  	s23 =	simm.s32 $0x4;
	s24 =	simm.s32 $0x280;
	[tilespmem:s31+$0x4010] =	vst v6;
	v8 =	vadd.f32 v8, v10;
	v10 =	vadd.f32 v22, v19;
	v19 =	vmin.f32 v7, v20  }
.LBB2_3:
0x73: {  	s25 =	sadd.s32 $0xFFFFFF80, s24;
	s26 =	sadd.s32 $0xFFFFFFC0, s24;
	s23 =	sadd.s32 $0x4, s23;
	v21 =	vld.idx.msk [tilespmem:v13+s3+$0x0], $0xffff;
	v7 =	vmin.f32 v7, v20;
	v13 =	vmax.f32 v19, v11;
	v20 =	vmax.f32 v18, v12  }
0x74: {  	v18 =	vmin.f32 v18, v12;
	v22 =	vor.u32 s25, v1;
	v23 =	vor.u32 s25, v2;
	p0 =	slt.u32 s23, $0x7C;
	v15 =	vld.idx.msk [tilespmem:v15+s3+$0x0], $0xffff  }
0x75: {  	v24 =	vor.u32 s26, v1;
	v25 =	vor.u32 s26, v3;
	v26 =	vmax.f32 v18, v6;
	v14 =	vld.idx.msk [tilespmem:v14+s3+$0x0], $0xffff  }
0x76: {  	v27 =	vld.idx.msk [tilespmem:v9+s3+$0x0], $0xffff;
	v9 =	vmax.f32 v7, v11;
	v7 =	vmin.f32 v7, v13;
	v11 =	vmin.f32 v19, v17  }
0x77: {  	v9 =	vmin.f32 v16, v9;
	v13 =	vmax.f32 v11, v12;
	v11 =	vmin.f32 v11, v20  }
0x78: {  	v12 =	vmax.f32 v7, v12;
	v7 =	vmin.f32 v7, v13;
	v13 =	vmax.f32 v11, v6  }
0x79: {  	v9 =	vmin.f32 v9, v12;
	v16 =	vld.idx.msk [tilespmem:v22+s3+$0x0], $0xffff;
	v12 =	vmax.f32 v7, v6;
	v7 =	vmin.f32 v7, v13  }
0x7a: {  	s25 =	sadd.s32 $0x40, s24;
	v20 =	vmin.f32 v18, v6;
	v22 =	vmin.f32 v11, v26;
	v17 =	vld.idx.msk [tilespmem:v24+s3+$0x0], $0xffff;
	v19 =	vmin.f32 v9, v12  }
0x7b: {  	v13 =	vor.u32 s25, v1;
	v6 =	vmul.f32 v14, v14;
	v12 =	vmul.f32 v15, v15;
	v18 =	vld.idx.msk [tilespmem:v23+s3+$0x0], $0xffff  }
0x7c: {  	v9 =	vor.u32 s25, v3;
	v14 =	vmul.f32 v21, v21;
	v15 =	vmul.f32 v27, v27;
	v23 =	vld.idx.msk [tilespmem:v25+s3+$0x0], $0xffff  }
0x7d: {  	v11 =	vadd.f32 $9.999999970e-07, v10;
	v6 =	vadd.f32 v12, v6  }
0x7e: {  	v21 =	vadd.f32 $9.999999970e-07, v8;
	v8 =	vadd.f32 v15, v14  }
0x7f: {  	v14 =	vor.u32 s24, v1;
	v15 =	vor.u32 s24, v2;
	v12 =	vadd.f32 $9.999999970e-07, v6  }
.Ltmp4:
0x80: {  	s25 =	sshra.s32 s21, $0x2;
	s21 =	smov.u32 s24;
	v10 =	vmul.f32 v16, v16;
	v24 =	vmul.f32 v17, v17;
	v6 =	vadd.f32 $9.999999970e-07, v8;
	(pc) =	sbr.rel @p0 .LBB2_3-.Ltmp4, $4  }
0x81: {  	v16 =	vmax.f32 v7, v21;
	v17 =	vmin.f32 v20, v21;
	v8 =	vmul.f32 v18, v18;
	[tilespmem:s25+$0x3FE0] =	vst v21  }
0x82: {  	v16 =	vmin.f32 v19, v16;
	v18 =	vmin.f32 v17, v11;
	v23 =	vmul.f32 v23, v23;
	[tilespmem:s25+$0x3FF0] =	vst v11  }
0x83: {  	v19 =	vmax.f32 v20, v21;
	v17 =	vmax.f32 v17, v11;
	v8 =	vadd.f32 v8, v10;
	[tilespmem:s25+$0x4000] =	vst v12  }
0x84: {  	s24 =	sadd.s32 $0x100, s24;
	v20 =	vmax.f32 v22, v21;
	v19 =	vmin.f32 v22, v19;
	v10 =	vadd.f32 v23, v24;
	[tilespmem:s25+$0x4010] =	vst v6  }
0x85: {  	_ =	sdelay $0x3  }
0x86: {  	v13 =	vld.idx.msk [tilespmem:v13+s3+$0x0], $0xffff  }
0x87: {  	v15 =	vld.idx.msk [tilespmem:v15+s3+$0x0], $0xffff  }
0x88: {  	v7 =	vmin.f32 v7, v20;
	v14 =	vld.idx.msk [tilespmem:v14+s3+$0x0], $0xffff  }
0x89: {  	v20 =	vmax.f32 v19, v11;
	v21 =	vmax.f32 v18, v12;
	v18 =	vmin.f32 v18, v12;
	v9 =	vld.idx.msk [tilespmem:v9+s3+$0x0], $0xffff  }
0x8a: {  	v17 =	vmin.f32 v19, v17;
	v8 =	vadd.f32 $9.999999970e-07, v8;
	v11 =	vmax.f32 v7, v11  }
0x8b: {  	v22 =	vmax.f32 v18, v6;
	v7 =	vmin.f32 v7, v20;
	v11 =	vmin.f32 v16, v11  }
0x8c: {  	v16 =	vmax.f32 v17, v12;
	v17 =	vmin.f32 v17, v21;
	v12 =	vmax.f32 v7, v12  }
0x8d: {  	v7 =	vmin.f32 v7, v16;
	v14 =	vmul.f32 v14, v14;
	v15 =	vmul.f32 v15, v15  }
0x8e: {  	v11 =	vmin.f32 v11, v12;
	v12 =	vmul.f32 v13, v13;
	v9 =	vmul.f32 v9, v9  }
0x8f: {  	v10 =	vadd.f32 $9.999999970e-07, v10;
	v16 =	vmax.f32 v17, v6;
	v13 =	vmax.f32 v7, v6  }
0x90: {  	v6 =	vmin.f32 v18, v6;
	v14 =	vadd.f32 v15, v14;
	v9 =	vadd.f32 v9, v12  }
0x91: {  	v12 =	vmin.f32 v17, v22;
	v15 =	vmin.f32 v6, v8;
	v6 =	vmax.f32 v6, v8  }
0x92: {  	v7 =	vmin.f32 v7, v16;
	v11 =	vmin.f32 v11, v13;
	v6 =	vmin.f32 v12, v6  }
0x93: {  	v13 =	vadd.f32 $9.999999970e-07, v14;
	v9 =	vadd.f32 $9.999999970e-07, v9;
	v14 =	vmax.f32 v7, v8  }
0x94: {  	v11 =	vmin.f32 v11, v14;
	v14 =	vmax.f32 v15, v10;
	v15 =	vmax.f32 v12, v8  }
0x95: {  	v12 =	vmax.f32 v6, v10;
	v7 =	vmin.f32 v7, v15;
	v6 =	vmin.f32 v6, v14  }
0x96: {  	v14 =	vmax.f32 v7, v10;
	v7 =	vmin.f32 v7, v12;
	v6 =	vmax.f32 v6, v13  }
0x97: {  	v11 =	vmin.f32 v11, v14;
	v12 =	vmax.f32 v7, v13;
	v6 =	vmin.f32 v7, v6  }
0x98: {  	v7 =	vmin.f32 v11, v12;
	v6 =	vmax.f32 v6, v9  }
0x99: {  	s21 =	sshra.s32 s21, $0x2;
	v6 =	vmin.f32 v7, v6  }
0x9a: {  	[tilespmem:s21+$0x3FE0] =	vst v8;
	(xrf0) =	vmax.scan.msk.f32 $0xffff, v6  }
0x9b: {  	[tilespmem:s21+$0x3FF0] =	vst v10  }
0x9c: {  	[tilespmem:s21+$0x4000] =	vst v13  }
0x9d: {  	s29 =	simm.s32 $0x4020;
	[tilespmem:s21+$0x4010] =	vst v9  }
0x9e: {  	v11 =	vld [tilespmem:s29+$0xFFFFFFE0]  }
0x9f: {  	v22 =	vld [tilespmem:s29+$0xFFFFFFF0]  }
0xa0: {  	v14 =	vld [tilespmem:s29+$0x0];
	v6, _, _ =	vpop (xrf0)  }
0xa1: {  	v15 =	vld [tilespmem:s29+$0x10];
	v6 =	vbroadcast v6, $0xF  }
0xa2: {  	v7 =	vimm.s32 $0x0  }
0xa3: {  	v8 =	vshll.u32 v7, $0x4;
	vm2 =	vle.f32 v11, v6  }
0xa4: {  	v17 =	vor.u32 v0, v8;
	vm0 =	vle.f32 v22, v6;
	v9 =	vsel vm2, $0x1, v4  }
0xa5: {  	s23 =	simm.s32 $0x4060;
	vm1 =	vle.f32 v14, v6;
	v7 =	vadd.s32 v9, v7;
	v9 =	vsel vm0, $0x1, v4  }
0xa6: {  	v8 =	vld [tilespmem:s23+$0xFFFFFFF0];
	vm5 =	vle.f32 v15, v6;
	v12 =	vsel vm1, $0x1, v4;
	v10 =	vadd.s32 v9, v7  }
0xa7: {  	v13 =	vsel vm5, $0x1, v4;
	vm6 =	vmmov vm1;
	v9 =	vld [tilespmem:s23+$0xFFFFFFE0];
	v12 =	vadd.s32 v12, v10  }
0xa8: {  	v10 =	vshll.u32 v10, $0x4;
	v16 =	vshll.u32 v12, $0x4;
	v18 =	vadd.s32 v13, v12  }
0xa9: {  	v12 =	vshll.u32 v7, $0x4;
	v7 =	vld [tilespmem:s23+$0x0];
	v21 =	vor.u32 v0, v10;
	v13 =	vshll.u32 v18, $0x4  }
0xaa: {  	s21 =	simm.s32 $0x0;
	v19 =	vor.u32 v0, v16;
	v10 =	vor.u32 v0, v13;
	v13 =	vld [tilespmem:s23+$0x10]  }
0xab: {  	s30 =	simm.s32 $0x10;
	v20 =	vor.u32 s21, v0;
	vm3 =	vle.f32 v8, v6;
	vm1 =	vmmov vm0  }
0xac: {  	s24 =	simm.s32 $0x20;
	s31 =	simm.s32 $0x30;
	v12 =	vor.u32 v0, v12;
	[tilespmem:v17+s12+$0x0] =	vst.idx.msk vm2, v11;
	v16 =	vor.u32 s30, v0;
	vm0 =	vle.f32 v9, v6  }
0xad: {  	v11 =	vor.u32 s24, v0;
	[tilespmem:v17+s13+$0x0] =	vst.idx.msk vm2, v20;
	v20 =	vor.u32 s31, v0;
	v17 =	vsel vm0, $0x1, v4  }
0xae: {  	v17 =	vadd.s32 v17, v18;
	v18 =	vsel vm3, $0x1, v4;
	vm4 =	vle.f32 v7, v6;
	[tilespmem:v21+s12+$0x0] =	vst.idx.msk vm6, v14  }
0xaf: {  	s23 =	simm.s32 $0x40A0;
	[tilespmem:v19+s12+$0x0] =	vst.idx.msk vm5, v15;
	v18 =	vadd.s32 v18, v17;
	v23 =	vsel vm4, $0x1, v4;
	vm2 =	vle.f32 v13, v6  }
0xb0: {  	v14 =	vld [tilespmem:s23+$0xFFFFFFF0];
	[tilespmem:v19+s13+$0x0] =	vst.idx.msk vm5, v20;
	v24 =	vshll.u32 v18, $0x4;
	v18 =	vadd.s32 v23, v18;
	v19 =	vsel vm2, $0x1, v4  }
0xb1: {  	v15 =	vld [tilespmem:s23+$0xFFFFFFE0];
	[tilespmem:v21+s13+$0x0] =	vst.idx.msk vm6, v11;
	v20 =	vshll.u32 v17, $0x4;
	v23 =	vshll.u32 v18, $0x4;
	v19 =	vadd.s32 v19, v18  }
0xb2: {  	s24 =	simm.s32 $0x8;
	v11 =	vld [tilespmem:s23+$0x0];
	[tilespmem:v12+s12+$0x0] =	vst.idx.msk vm1, v22;
	v17 =	vor.u32 v0, v24;
	v18 =	vor.u32 v0, v23;
	v21 =	vshll.u32 v19, $0x4  }
.LBB2_5:
0xb3: {  	v21 =	vor.u32 v0, v21  }
0xb4: {  	s24 =	sadd.s32 $0x4, s24;
	v22 =	vld [tilespmem:s23+$0x10];
	[tilespmem:v12+s13+$0x0] =	vst.idx.msk vm1, v16;
	v12 =	vor.u32 v0, v20;
	s21 =	sadd.s32 $0x40, s21;
	v23 =	vmovc v8;
	vm1 =	vmmov vm3;
	vm5 =	vmmov vm4  }
0xb5: {  	p0 =	slt.u32 s24, $0x7C;
	[tilespmem:v10+s12+$0x0] =	vst.idx.msk vm0, v9;
	v25 =	vor.u32 s21, v0;
	s25 =	sadd.s32 $0x10, s21;
	s26 =	sadd.s32 $0x20, s21  }
0xb6: {  	[tilespmem:v10+s13+$0x0] =	vst.idx.msk vm0, v25;
	vm0 =	vle.f32 v15, v6;
	v16 =	vor.u32 s25, v0;
	v24 =	vor.u32 s26, v0;
	s25 =	sadd.s32 $0x30, s21;
	v10 =	vmovc v21  }
0xb7: {  	v9 =	vmovc v15;
	v20 =	vsel vm0, $0x1, v4;
	vm3 =	vle.f32 v14, v6;
	v21 =	vor.u32 s25, v0;
	v8 =	vmovc v14  }
.Ltmp5:
0xb8: {  	v19 =	vadd.s32 v20, v19;
	v14 =	vsel vm3, $0x1, v4;
	vm4 =	vle.f32 v11, v6;
	[tilespmem:v18+s12+$0x0] =	vst.idx.msk vm2, v13;
	(pc) =	sbr.rel @p0 .LBB2_5-.Ltmp5, $4  }
0xb9: {  	s23 =	sadd.s32 $0x40, s23;
	v20 =	vadd.s32 v14, v19;
	v14 =	vsel vm4, $0x1, v4;
	[tilespmem:v18+s13+$0x0] =	vst.idx.msk vm2, v21;
	vm2 =	vle.f32 v22, v6  }
0xba: {  	v13 =	vmovc v22;
	v15 =	vld [tilespmem:s23+$0xFFFFFFE0];
	v18 =	vshll.u32 v20, $0x4;
	v21 =	vadd.s32 v14, v20;
	v25 =	vsel vm2, $0x1, v4;
	[tilespmem:v17+s12+$0x0] =	vst.idx.msk vm5, v7  }
0xbb: {  	v20 =	vshll.u32 v19, $0x4;
	v7 =	vmovc v11;
	v14 =	vld [tilespmem:s23+$0xFFFFFFF0];
	v22 =	vshll.u32 v21, $0x4;
	v19 =	vadd.s32 v25, v21;
	[tilespmem:v17+s13+$0x0] =	vst.idx.msk vm5, v24  }
0xbc: {  	v17 =	vor.u32 v0, v18;
	v21 =	vshll.u32 v19, $0x4;
	v11 =	vld [tilespmem:s23+$0x0];
	v18 =	vor.u32 v0, v22;
	[tilespmem:v12+s12+$0x0] =	vst.idx.msk vm1, v23  }
0xbd: {  	v22 =	vld [tilespmem:s23+$0x10];
	_ =	sdelay $0x1  }
0xbe: {  	vm5 =	vle.f32 v15, v6  }
0xbf: {  	v23 =	vsel vm5, $0x1, v4;
	vm7 =	vle.f32 v14, v6  }
0xc0: {  	v19 =	vadd.s32 v23, v19;
	v53 =	vsel vm7, $0x1, v4;
	vm8 =	vle.f32 v11, v6  }
0xc1: {  	v23 =	vadd.s32 v53, v19;
	v24 =	vsel vm8, $0x1, v4;
	vm6 =	vle.f32 v22, v6  }
0xc2: {  	v24 =	vadd.s32 v24, v23;
	v6 =	vsel vm6, $0x1, v4  }
0xc3: {  	v6 =	vadd.s32 v6, v24  }
0xc4: {  	v25 =	vxor.u32 $0x80000000, v6  }
0xc5: {  	(xrf0) =	vmax.scan.msk.u32 $0xffff, v25;
	_ =	sdelay $0x5  }
0xc6: {  	v25, _, _ =	vpop (xrf0)  }
0xc7: {  	(v2sf) =	vpush v25, $0xF;
	_ =	sdelay $0x4  }
0xc8: {  	vm4 =	vmmov vm4;
	v55 =	vor.u32 v0, v20  }
0xc9: {  	[tilespmem:v12+s13+$0x0] =	vst.idx.msk vm1, v16  }
0xca: {  	s21 =	sadd.s32 $0x40, s21;
	[tilespmem:v10+s12+$0x0] =	vst.idx.msk vm0, v9  }
0xcb: {  	[tilespmem:v18+s12+$0x0] =	vst.idx.msk vm2, v13;
	v54 =	vor.u32 s21, v0  }
0xcc: {  	[tilespmem:v10+s13+$0x0] =	vst.idx.msk vm0, v54  }
0xcd: {  	v57 =	vor.u32 v0, v21;
	s25 =	sadd.s32 $0x30, s21;
	[tilespmem:v55+s12+$0x0] =	vst.idx.msk vm3, v8;
	v60 =	vshll.u32 v23, $0x4  }
0xce: {  	s28 =	sadd.s32 $0x10, s21;
	v56 =	vor.u32 s25, v0;
	[tilespmem:v17+s12+$0x0] =	vst.idx.msk vm4, v7;
	v7 =	vshll.u32 v24, $0x4;
	v8 =	vor.u32 v0, v60  }
0xcf: {  	s26 =	sadd.s32 $0x20, s21;
	v59 =	vor.u32 s28, v0;
	[tilespmem:v18+s13+$0x0] =	vst.idx.msk vm2, v56;
	v7 =	vor.u32 v0, v7  }
0xd0: {  	v58 =	vor.u32 s26, v0;
	[tilespmem:v55+s13+$0x0] =	vst.idx.msk vm3, v59  }
0xd1: {  	[tilespmem:v17+s13+$0x0] =	vst.idx.msk vm4, v58  }
0xd2: {  	s21 =	sadd.s32 $0x40, s21;
	v61 =	vshll.u32 v19, $0x4;
	[tilespmem:v57+s12+$0x0] =	vst.idx.msk vm5, v15;
	s31 =	spop (v2sf)  }
0xd3: {  	s29 =	sadd.s32 $0x30, s21;
	v9 =	vor.u32 v0, v61;
	[tilespmem:v8+s12+$0x0] =	vst.idx.msk vm8, v11;
	(xrf0) =	vadd.scan.msk.s32 $0xffff, v6;
	s23 =	sxor.u32 $0x80000000, s31  }
0xd4: {  	s30 =	sadd.s32 $0x20, s21;
	v63 =	vor.u32 s29, v0;
	[tilespmem:v7+s12+$0x0] =	vst.idx.msk vm6, v22;
	p0 =	slt.s32 s23, $0x1  }
.Ltmp6:
0xd5: {  	v62 =	vor.u32 s21, v0;
	s21 =	sadd.s32 $0x10, s21;
	[tilespmem:v7+s13+$0x0] =	vst.idx.msk vm6, v63;
	v7 =	vor.u32 s30, v0;
	(pc) =	sbr.rel @p0 .LBB2_9-.Ltmp6, $4  }
0xd6: {  	[tilespmem:v8+s13+$0x0] =	vst.idx.msk vm8, v7;
	v7 =	vor.u32 s21, v0  }
0xd7: {  	[tilespmem:v57+s13+$0x0] =	vst.idx.msk vm5, v62  }
0xd8: {  	[tilespmem:v9+s12+$0x0] =	vst.idx.msk vm7, v14  }
0xd9: {  	vm14 =	vmmov vm3;
	vm1 =	vmmov vm7;
	vm15 =	vmmov vm8;
	[tilespmem:v9+s13+$0x0] =	vst.idx.msk vm7, v7;
	v7, _, _ =	vpop (xrf0)  }
0xda: {  	v9 =	vsub.s32 v7, v6;
	s24 =	simm.s32 $0x0;
	p1 =	seq.s32 s23, $0x1  }
.Ltmp7:
0xdb: {  	v8 =	vadd.s32 s24, v9;
	(pc) =	sbr.rel @p1 .LBB2_8-.Ltmp7, $3  }
0xdc: {  	_ =	sdelay $0x1  }
0xdd: {  	s25 =	simm.s32 $0x4800;
	s21 =	simm.s32 $0x5000;
	v10 =	vmov s24  }
0xde: {  	s26 =	simm.s32 $0x4810;
	p0 =	por $0x0, $0x0;
	v13 =	vld [tilespmem:s25+$0x0];
	s24 =	simm.s32 $0x1;
	vm2 =	vlt.s32 v10, v6  }
0xdf: {  	p1 =	seq.s32 s23, $0x2;
	vm0 =	vmmov vm2  }
.Ltmp8:
0xe0: {  	v10 =	vld [tilespmem:s21+$0x0];
	(pc) =	sbr.rel @p1 .LBB2_19-.Ltmp8, $3  }
0xe1: {  	_ =	sdelay $0x1  }
0xe2: {  	s25 =	simm.s32 $0x2;
	v14 =	vmov s24  }
0xe3: {  	v11 =	vld [tilespmem:s26+$0x0];
	v12 =	vadd.s32 s24, v9;
	s26 =	simm.s32 $0x4820;
	p0 =	por $0x1, $0x1;
	s24 =	simm.s32 $0x5000;
	vm1 =	vlt.s32 v14, v6;
	[tilespmem:v8+s14+$0x0] =	vst.idx.msk vm2, v13  }
.LBB2_20:
0xe4: {  	v13 =	vld [tilespmem:s26+$0x0];
	[tilespmem:v8+s15+$0x0] =	vst.idx.msk vm0, v10;
	v8 =	vmov v12;
	v12 =	vadd.s32 s25, v9;
	s28 =	smov.u32 s25;
	s25 =	sadd.s32 $0x1, s25  }
0xe5: {  	s24 =	sadd.s32 $0x10, s24;
	vm0 =	vmmov vm1;
	p1 =	seq.s32 s23, s25  }
.Ltmp9:
0xe6: {  	v10 =	vld [tilespmem:s24+$0x0];
	(pc) =	sbr.rel @!p1 .LBB2_20-.Ltmp9, $3  }
0xe7: {  	_ =	sdelay $0x1  }
0xe8: {  	v14 =	vmov s28  }
0xe9: {  	s26 =	sadd.s32 $0x10, s26;
	[tilespmem:v8+s14+$0x0] =	vst.idx.msk vm1, v11;
	vm1 =	vlt.s32 v14, v6;
	v11 =	vmov v13  }
0xea: {  	v6 =	vmovc v8;
	v8 =	vmov v12;
	vm2 =	vmmov vm1;
	v13 =	vmov v11  }
.LBB2_22:
0xeb: {  	s23 =	sadd.s32 @p0 $0x10, s24  }
0xec: {  	s21 =	smov.u32 @p0 s23  }
0xed: {  	v9 =	vld [tilespmem:s21+$0x0];
	_ =	sdelay $0x2  }
0xee: {  	[tilespmem:v6+s15+$0x0] =	vst.idx.msk @p0 vm0, v10  }
0xef: {  	[tilespmem:v8+s14+$0x0] =	vst.idx.msk vm2, v13  }
0xf0: {  	vm1 =	vmmov vm2;
	[tilespmem:v8+s15+$0x0] =	vst.idx.msk vm2, v9  }
.LBB2_9:
0xf1: {  	(v2sf) =	vpush v7, $0xF;
	_ =	sdelay $0xe  }
0xf2: {  	s21 =	spop (v2sf)  }
0xf3: {  	s21 =	sadd.s32 $0xF, s21  }
0xf4: {  	s23 =	sand.u32 $0xF, s21  }
0xf5: {  	s31 =	sshra.s32 s21, $0x1F;
	p1 =	slt.s32 s21, $0x1;
	p0 =	sne.s32 s23, $0x0  }
0xf6: {  	s23 =	sshrl.u32 s31, $0x1C;
	p0 =	por !p1, !p0  }
0xf7: {  	s21 =	sadd.s32 s23, s21;
	s23 =	simm.s32 $0x1;
	p0 =	por !p0, !p0  }
0xf8: {  	s21 =	sshra.s32 s21, $0x4;
	s23 =	simm.s32 @!p0 $0x0  }
0xf9: {  	s21 =	ssub.s32 s21, s23  }
0xfa: {  	p0 =	sgt.s32 s21, $0x0  }
.Ltmp10:
0xfb: {  	_ = 	snop;
	(pc) =	sbr.rel @!p0 .LBB2_10-.Ltmp10, $1  }
0xfc: {  	_ =	sdelay $0x3  }
0xfd: {  	s25 =	simm.s32 $0x5800  }
0xfe: {  	s24 =	simm.s32 $0x6080;
	v8 =	vld [tilespmem:s25+$0x0]  }
0xff: {  	p5 =	seq.s32 s21, $0x1;
	v9 =	vld [tilespmem:s24+$0x0]  }
.Ltmp11:
0x100: {  	v10 =	vbroadcast v7, $0xF;
	s23 =	simm.s32 $0x0;
	(pc) =	sbr.rel @p5 .LBB2_24-.Ltmp11, $4  }
0x101: {  	v11 =	vor.u32 s23, v0  }
0x102: {  	vm0 =	vlt.s32 v11, v10  }
0x103: {  	s21 =	sadd.s32 $0xFFFFFFFF, s21;
	p0 =	por $0x0, $0x0;
	p1 =	por $0x0, $0x0;
	v8 =	vnsel vm0, $0x7F800000, v8  }
0x104: {  	v7 =	vimm.f32 $+Inf;
	v6 =	vimm.s32 $0x0;
	p2 =	por $0x0, $0x0;
	p3 =	por $0x0, $0x0;
	p4 =	por $0x0, $0x0;
	(xrf1) =	vsort.ascd.msk.f32 $0xffff, v8, v9  }
0x105: {  	_ =	sdelay $0x9  }
0x106: {  	s23 =	simm.s32 $0x5810  }
0x107: {  	s30 =	simm.s32 $0x6090;
	v8 =	vld [tilespmem:s23+$0x0]  }
0x108: {  	v9 =	vld [tilespmem:s30+$0x0]  }
0x109: {  	s31 =	simm.s32 $0x10;
	v11, v12, _ =	vpop (xrf1)  }
0x10a: {  	p5 =	seq.s32 s21, $0x1;
	v13 =	vor.u32 s31, v0;
	v11 =	vperm.xlane v11, v5  }
.Ltmp12:
0x10b: {  	vm0 =	vlt.s32 v13, v10;
	v12 =	vperm.xlane v12, v5;
	(pc) =	sbr.rel @p5 .LBB2_26-.Ltmp12, $4  }
0x10c: {  	v8 =	vnsel vm0, $0x7F800000, v8;
	vm15 =	vle.f32 v7, v11  }
0x10d: {  	(xrf1) =	vsort.ascd.msk.f32 $0xffff, v8, v9;
	v8 =	vsel vm15, v7, v11;
	v9 =	vsel vm15, v6, v12  }
0x10e: {  	v11 =	vsel vm15, v11, v7;
	v12 =	vsel vm15, v12, v6;
	(xrf1) =	vsort.ascd.msk.f32 $0xffff, v8, v9  }
0x10f: {  	s21 =	sadd.s32 $0xFFFFFFFF, s21;
	p0 =	por $0x1, $0x1;
	(xrf1) =	vsort.ascd.msk.f32 $0xffff, v11, v12  }
0x110: {  	_ =	sdelay $0x7  }
0x111: {  	s23 =	simm.s32 $0x5820  }
0x112: {  	s30 =	simm.s32 $0x60A0;
	s31 =	simm.s32 $0x20;
	v8 =	vld [tilespmem:s23+$0x0]  }
0x113: {  	v9 =	vld [tilespmem:s30+$0x0];
	v13 =	vor.u32 s31, v0  }
0x114: {  	v11, v12, _ =	vpop (xrf1)  }
0x115: {  	v11 =	vperm.xlane v11, v5  }
0x116: {  	vm0 =	vlt.s32 v13, v10;
	v13, v14, _ =	vpop (xrf1)  }
0x117: {  	p5 =	seq.s32 s21, $0x1;
	v8 =	vnsel vm0, $0x7F800000, v8;
	v12 =	vperm.xlane v12, v5;
	v15, v16, _ =	vpop (xrf1);
	vm14 =	vle.f32 v13, v11  }
.Ltmp13:
0x118: {  	(xrf1) =	vsort.ascd.msk.f32 $0xffff, v8, v9;
	v9 =	vperm.xlane v15, v5;
	v8 =	vsel vm14, v13, v11;
	(pc) =	sbr.rel @p5 .LBB2_28-.Ltmp13, $4  }
0x119: {  	v15 =	vsel vm14, v14, v12;
	v11 =	vsel vm14, v11, v13;
	v13 =	vperm.xlane v16, v5  }
0x11a: {  	v12 =	vsel vm14, v12, v14;
	(xrf1) =	vsort.ascd.msk.f32 $0xffff, v8, v15;
	vm15 =	vle.f32 v7, v9  }
0x11b: {  	(xrf1) =	vsort.ascd.msk.f32 $0xffff, v11, v12;
	v8 =	vsel vm15, v7, v9;
	v11 =	vsel vm15, v6, v13  }
0x11c: {  	s21 =	sadd.s32 $0xFFFFFFFF, s21;
	p1 =	por $0x1, $0x1;
	v15 =	vsel vm15, v9, v7;
	v16 =	vsel vm15, v13, v6;
	(xrf1) =	vsort.ascd.msk.f32 $0xffff, v8, v11  }
0x11d: {  	_ =	sdelay $0x4  }
0x11e: {  	(xrf1) =	vsort.ascd.msk.f32 $0xffff, v15, v16;
	s23 =	simm.s32 $0x5830  }
0x11f: {  	s30 =	simm.s32 $0x60B0;
	v8 =	vld [tilespmem:s23+$0x0]  }
0x120: {  	s31 =	simm.s32 $0x30;
	v9 =	vld [tilespmem:s30+$0x0]  }
0x121: {  	v13 =	vor.u32 s31, v0;
	_ =	sdelay $0x1  }
0x122: {  	vm0 =	vlt.s32 v13, v10;
	v11, v12, _ =	vpop (xrf1)  }
0x123: {  	v8 =	vnsel vm0, $0x7F800000, v8;
	v11 =	vperm.xlane v11, v5;
	v13, v14, _ =	vpop (xrf1)  }
0x124: {  	(xrf1) =	vsort.ascd.msk.f32 $0xffff, v8, v9;
	v15, v16, _ =	vpop (xrf1)  }
0x125: {  	v12 =	vperm.xlane v12, v5;
	vm14 =	vle.f32 v13, v11;
	v9 =	vperm.xlane v15, v5  }
0x126: {  	p5 =	seq.s32 s21, $0x1;
	v8 =	vsel vm14, v13, v11;
	v11 =	vsel vm14, v11, v13;
	v13 =	vperm.xlane v16, v5;
	v16, v17, _ =	vpop (xrf1)  }
.Ltmp14:
0x127: {  	v15 =	vsel vm14, v14, v12;
	vm15 =	vle.f32 v16, v9;
	(pc) =	sbr.rel @p5 .LBB2_30-.Ltmp14, $4  }
0x128: {  	(xrf1) =	vsort.ascd.msk.f32 $0xffff, v8, v15;
	v8 =	vsel vm15, v16, v9  }
0x129: {  	v12 =	vsel vm14, v12, v14  }
0x12a: {  	(xrf1) =	vsort.ascd.msk.f32 $0xffff, v11, v12;
	v11 =	vsel vm15, v17, v13  }
0x12b: {  	s21 =	sadd.s32 $0xFFFFFFFF, s21;
	p2 =	por $0x1, $0x1;
	v15 =	vsel vm15, v9, v16;
	v16 =	vsel vm15, v13, v17;
	(xrf1) =	vsort.ascd.msk.f32 $0xffff, v8, v11;
	v8, v9, _ =	vpop (xrf1)  }
0x12c: {  	_ =	sdelay $0x4  }
0x12d: {  	v11 =	vperm.xlane v8, v5  }
0x12e: {  	(xrf1) =	vsort.ascd.msk.f32 $0xffff, v15, v16;
	s23 =	simm.s32 $0x5840  }
0x12f: {  	s30 =	simm.s32 $0x60C0;
	v13 =	vld [tilespmem:s23+$0x0];
	vm0 =	vle.f32 v7, v11  }
0x130: {  	v12 =	vperm.xlane v9, v5;
	s31 =	simm.s32 $0x40;
	v14 =	vld [tilespmem:s30+$0x0];
	v15 =	vsel vm0, v7, v11  }
0x131: {  	v19 =	vor.u32 s31, v0;
	v17, v18, _ =	vpop (xrf1)  }
0x132: {  	vm13 =	vlt.s32 v19, v10;
	v59 =	vsel vm0, v6, v12;
	v17 =	vperm.xlane v17, v5  }
0x133: {  	v11 =	vsel vm0, v11, v7;
	v12 =	vsel vm0, v12, v6;
	(xrf1) =	vsort.ascd.msk.f32 $0xffff, v15, v59;
	v15, v16, _ =	vpop (xrf1)  }
0x134: {  	(xrf1) =	vsort.ascd.msk.f32 $0xffff, v11, v12;
	v11 =	vnsel vm13, $0x7F800000, v13;
	v12 =	vperm.xlane v18, v5;
	vm14 =	vle.f32 v15, v17;
	v13, v60, _ =	vpop (xrf1)  }
0x135: {  	(xrf1) =	vsort.ascd.msk.f32 $0xffff, v11, v14;
	v11 =	vsel vm14, v15, v17;
	v13 =	vperm.xlane v13, v5  }
0x136: {  	v14 =	vsel vm14, v16, v12;
	v15 =	vsel vm14, v17, v15;
	v61 =	vperm.xlane v60, v5;
	v63, v62, _ =	vpop (xrf1)  }
0x137: {  	p5 =	seq.s32 s21, $0x1;
	v12 =	vsel vm14, v12, v16;
	(xrf1) =	vsort.ascd.msk.f32 $0xffff, v11, v14;
	vm15 =	vle.f32 v63, v13  }
.Ltmp15:
0x138: {  	(xrf1) =	vsort.ascd.msk.f32 $0xffff, v15, v12;
	v12 =	vsel vm15, v62, v61;
	(pc) =	sbr.rel @p5 .LBB2_32-.Ltmp15, $2  }
0x139: {  	v11 =	vsel vm15, v63, v13;
	_ =	sdelay $0x2  }
0x13a: {  	s25 =	sadd.s32 $0xFFFFFFFF, s21;
	p3 =	por $0x1, $0x1;
	v13 =	vsel vm15, v13, v63;
	v14 =	vsel vm15, v61, v62;
	(xrf1) =	vsort.ascd.msk.f32 $0xffff, v11, v12;
	v11, v12, _ =	vpop (xrf1)  }
0x13b: {  	_ =	sdelay $0x2  }
0x13c: {  	v15 =	vperm.xlane v11, v5  }
0x13d: {  	v16 =	vperm.xlane v12, v5;
	v17, v18, _ =	vpop (xrf1)  }
0x13e: {  	vm0 =	vle.f32 v17, v15  }
0x13f: {  	s21 =	simm.s32 $0x5850;
	v24 =	vsel vm0, v18, v16  }
0x140: {  	v19 =	vld [tilespmem:s21+$0x0];
	v23 =	vsel vm0, v17, v15;
	_ =	sdelay $0x1  }
0x141: {  	(xrf1) =	vsort.ascd.msk.f32 $0xffff, v13, v14;
	s23 =	simm.s32 $0x60D0;
	s24 =	simm.s32 $0x50;
	v21, v22, _ =	vpop (xrf1)  }
0x142: {  	v20 =	vld [tilespmem:s23+$0x0];
	v15 =	vsel vm0, v15, v17;
	v17 =	vor.u32 s24, v0;
	(xrf1) =	vsort.ascd.msk.f32 $0xffff, v23, v24;
	v23, v24, _ =	vpop (xrf1)  }
0x143: {  	v16 =	vsel vm0, v16, v18;
	vm12 =	vlt.s32 v17, v10;
	v17 =	vperm.xlane v23, v5  }
0x144: {  	(xrf1) =	vsort.ascd.msk.f32 $0xffff, v15, v16;
	v15 =	vnsel vm12, $0x7F800000, v19;
	v19, v63, _ =	vpop (xrf1)  }
0x145: {  	v21 =	vperm.xlane v21, v5;
	v16 =	vperm.xlane v24, v5;
	vm13 =	vle.f32 v19, v17  }
0x146: {  	v18 =	vperm.xlane v22, v5;
	v23 =	vsel vm13, v19, v17;
	v17 =	vsel vm13, v17, v19  }
0x147: {  	vm14 =	vle.f32 v7, v21;
	(xrf1) =	vsort.ascd.msk.f32 $0xffff, v15, v20;
	v15, v20, _ =	vpop (xrf1);
	v24 =	vsel vm13, v63, v16  }
0x148: {  	v15 =	vperm.xlane v15, v5;
	v16 =	vsel vm13, v16, v63;
	(xrf1) =	vsort.ascd.msk.f32 $0xffff, v23, v24  }
0x149: {  	v18 =	vsel vm14, v6, v18;
	(xrf1) =	vsort.ascd.msk.f32 $0xffff, v17, v16;
	v17, v19, _ =	vpop (xrf1)  }
0x14a: {  	p5 =	seq.s32 s25, $0x1;
	v16 =	vperm.xlane v20, v5;
	v20 =	vsel vm14, v7, v21;
	vm15 =	vle.f32 v17, v15  }
.Ltmp16:
0x14b: {  	(xrf1) =	vsort.ascd.msk.f32 $0xffff, v20, v18;
	v18 =	vsel vm15, v17, v15;
	(pc) =	sbr.rel @p5 .LBB2_35-.Ltmp16, $3  }
0x14c: {  	_ =	sdelay $0x1  }
0x14d: {  	v20 =	vsel vm15, v19, v16  }
0x14e: {  	s25 =	sadd.s32 $0xFFFFFFFF, s25;
	p4 =	por $0x1, $0x1;
	v15 =	vsel vm15, v15, v17;
	v16 =	vsel vm15, v16, v19;
	(xrf1) =	vsort.ascd.msk.f32 $0xffff, v18, v20;
	v17, v18, _ =	vpop (xrf1)  }
.LBB2_34:
0x14f: {  	p5 =	seq.s32 s25, $0x1;
	s25 =	sadd.s32 $0xFFFFFFFF, s25;
	v17 =	vperm.xlane v17, v5  }
0x150: {  	v18 =	vperm.xlane v18, v5;
	v19, v20, _ =	vpop (xrf1)  }
0x151: {  	s21 =	sadd.s32 $0x10, s21;
	(xrf1) =	vsort.ascd.msk.f32 $0xffff, v15, v16;
	vm0 =	vle.f32 v19, v17;
	v15, v16, _ =	vpop (xrf1)  }
0x152: {  	s23 =	sadd.s32 $0x10, s23;
	v21 =	vld [tilespmem:s21+$0x0];
	v22 =	vsel vm0, v19, v17;
	v23 =	vsel vm0, v20, v18;
	v16 =	vperm.xlane v16, v5  }
0x153: {  	v17 =	vsel vm0, v17, v19;
	v20 =	vsel vm0, v18, v20;
	v24 =	vld [tilespmem:s23+$0x0];
	(xrf1) =	vsort.ascd.msk.f32 $0xffff, v22, v23  }
0x154: {  	s24 =	sadd.s32 $0x10, s24;
	v15 =	vperm.xlane v15, v5;
	(xrf1) =	vsort.ascd.msk.f32 $0xffff, v17, v20  }
0x155: {  	v17 =	vor.u32 s24, v0;
	v18, v19, _ =	vpop (xrf1)  }
0x156: {  	vm0 =	vlt.s32 v17, v10;
	v17 =	vperm.xlane v18, v5  }
0x157: {  	v19 =	vperm.xlane v19, v5;
	v23 =	vnsel vm0, $0x7F800000, v21;
	v20, v21, _ =	vpop (xrf1)  }
0x158: {  	(xrf1) =	vsort.ascd.msk.f32 $0xffff, v23, v24;
	vm0 =	vle.f32 v20, v17;
	v18, v22, _ =	vpop (xrf1)  }
0x159: {  	v23 =	vsel vm0, v20, v17;
	v24 =	vsel vm0, v21, v19;
	v17 =	vsel vm0, v17, v20  }
0x15a: {  	v25 =	vsel vm0, v19, v21;
	(xrf1) =	vsort.ascd.msk.f32 $0xffff, v23, v24;
	v20, v21, _ =	vpop (xrf1)  }
.Ltmp17:
0x15b: {  	(xrf1) =	vsort.ascd.msk.f32 $0xffff, v17, v25;
	v17 =	vperm.xlane v18, v5;
	vm0 =	vle.f32 v20, v15;
	(pc) =	sbr.rel @!p5 .LBB2_34-.Ltmp17, $4  }
0x15c: {  	v23 =	vperm.xlane v22, v5;
	v19, v22, _ =	vpop (xrf1);
	v15 =	vsel vm0, v20, v15;
	v16 =	vsel vm0, v21, v16  }
0x15d: {  	vm0 =	vle.f32 v19, v17;
	(xrf1) =	vsort.ascd.msk.f32 $0xffff, v15, v16  }
0x15e: {  	v20 =	vsel vm0, v19, v17;
	v21 =	vsel vm0, v22, v23;
	v15 =	vsel vm0, v17, v19  }
0x15f: {  	v16 =	vsel vm0, v23, v22;
	(xrf1) =	vsort.ascd.msk.f32 $0xffff, v20, v21;
	v17, v18, _ =	vpop (xrf1)  }
.LBB2_35:
0x160: {  	_ = 	snop  }
0x161: {  	v10 =	vperm.xlane @p2 v17, v5;
	v17, v19, _ =	vpop @p3 (xrf1)  }
0x162: {  	v17 =	vpsel p3, v17, v7  }
0x163: {  	vm0 =	vle.f32 @p2 v17, v10  }
0x164: {  	v18 =	vperm.xlane @p2 v18, v5;
	v20 =	vsel @p2 vm0, v17, v10  }
0x165: {  	v19 =	vpsel p3, v19, v6  }
0x166: {  	(xrf1) =	vsort.ascd.msk.f32 @p1 $0xffff, v15, v16;
	v15, v16, _ =	vpop @p3 (xrf1);
	v21 =	vsel @p2 vm0, v19, v18  }
0x167: {  	v10 =	vsel @p2 vm0, v10, v17;
	v52, v22, _ =	vpop (xrf1)  }
0x168: {  	v18 =	vsel @p2 vm0, v18, v19;
	(xrf1) =	vsort.ascd.msk.f32 @p2 $0xffff, v20, v21;
	v17 =	vperm.xlane v52, v5;
	v19, v20, _ =	vpop @p0 (xrf1)  }
0x169: {  	(xrf1) =	vsort.ascd.msk.f32 @p2 $0xffff, v10, v18;
	v10 =	vperm.xlane v22, v5;
	v53 =	vpsel p0, v19, v7  }
0x16a: {  	v15 =	vperm.xlane @p3 v15, v5;
	v19, v21, _ =	vpop @p0 (xrf1);
	v20 =	vpsel p0, v20, v6;
	vm12 =	vle.f32 v53, v17  }
0x16b: {  	v16 =	vperm.xlane @p3 v16, v5;
	v54 =	vsel vm12, v53, v17;
	v23 =	vsel vm12, v20, v10;
	v18, v24, _ =	vpop @p4 (xrf1)  }
0x16c: {  	v17 =	vsel vm12, v17, v53;
	v10 =	vsel vm12, v10, v20;
	v18 =	vpsel p4, v18, v7  }
0x16d: {  	(xrf1) =	vsort.ascd.msk.f32 $0xffff, v54, v23;
	v20 =	vpsel p4, v24, v6;
	vm0 =	vle.f32 @p3 v18, v15  }
0x16e: {  	(xrf1) =	vsort.ascd.msk.f32 $0xffff, v17, v10;
	v10 =	vsel @p3 vm0, v18, v15;
	v15 =	vsel @p3 vm0, v20, v16;
	_ =	sdelay $0x1  }
0x16f: {  	(xrf1) =	vsort.ascd.msk.f32 @p3 $0xffff, v10, v15  }
0x170: {  	v15, v16, _ =	vpop @p1 (xrf1)  }
0x171: {  	v10 =	vperm.xlane @p0 v19, v5;
	v15 =	vpsel p1, v15, v7  }
0x172: {  	v17 =	vperm.xlane @p0 v21, v5  }
0x173: {  	v16 =	vpsel p1, v16, v6;
	vm0 =	vle.f32 @p0 v15, v10  }
0x174: {  	v18 =	vsel @p0 vm0, v15, v10;
	v19 =	vsel @p0 vm0, v16, v17;
	v10 =	vsel @p0 vm0, v10, v15;
	v15, v20, _ =	vpop @p1 (xrf1)  }
0x175: {  	v16 =	vsel @p0 vm0, v17, v16;
	(xrf1) =	vsort.ascd.msk.f32 @p0 $0xffff, v18, v19;
	v11 =	vpsel p1, v15, v11  }
0x176: {  	v10 =	vpsel p0, v10, v13;
	v12 =	vpsel p1, v20, v12;
	v11 =	vperm.xlane @p1 v11, v5;
	v13, v15, _ =	vpop @p2 (xrf1)  }
0x177: {  	v14 =	vpsel p0, v16, v14;
	v12 =	vperm.xlane @p1 v12, v5;
	v13 =	vpsel p2, v13, v7  }
0x178: {  	(xrf1) =	vsort.ascd.msk.f32 @p0 $0xffff, v10, v14;
	v14 =	vpsel p2, v15, v6;
	vm0 =	vle.f32 @p1 v13, v11  }
0x179: {  	v16, v17, _ =	vpop @p2 (xrf1);
	v15 =	vsel @p1 vm0, v13, v11;
	v18 =	vsel @p1 vm0, v14, v12  }
0x17a: {  	v55, v10, _ =	vpop (xrf1);
	(xrf1) =	vsort.ascd.msk.f32 @p1 $0xffff, v15, v18;
	_ =	sdelay $0x1  }
0x17b: {  	v56, v57, _ =	vpop (xrf1)  }
0x17c: {  	v15 =	vperm.xlane @p2 v16, v5;
	v16, v18, _ =	vpop @p3 (xrf1)  }
0x17d: {  	v17 =	vperm.xlane @p2 v17, v5;
	v11 =	vsel @p1 vm0, v11, v13;
	v13 =	vpsel p3, v16, v7  }
0x17e: {  	v12 =	vsel @p1 vm0, v12, v14;
	v14 =	vpsel p3, v18, v6;
	vm0 =	vle.f32 @p2 v13, v15  }
0x17f: {  	(xrf1) =	vsort.ascd.msk.f32 @p1 $0xffff, v11, v12;
	v11 =	vsel @p2 vm0, v13, v15;
	v12 =	vsel @p2 vm0, v14, v17  }
0x180: {  	(xrf1) =	vsort.ascd.msk.f32 @p2 $0xffff, v11, v12;
	_ =	sdelay $0x2  }
0x181: {  	v12, v13, _ =	vpop @p0 (xrf1)  }
0x182: {  	v11 =	vperm.xlane v56, v5;
	v12 =	vpsel p0, v12, v7  }
0x183: {  	v58 =	vperm.xlane v57, v5;
	v13 =	vpsel p0, v13, v6;
	v15, v16, _ =	vpop @p0 (xrf1)  }
0x184: {  	vm13 =	vle.f32 v12, v11;
	v8 =	vpsel p0, v15, v8;
	v9 =	vpsel p0, v16, v9  }
0x185: {  	v59 =	vsel vm13, v12, v11;
	v11 =	vsel vm13, v11, v12;
	v8 =	vperm.xlane @p0 v8, v5;
	v12, v15, _ =	vpop @p1 (xrf1)  }
0x186: {  	v60 =	vsel vm13, v13, v58;
	v9 =	vperm.xlane @p0 v9, v5;
	v12 =	vpsel p1, v12, v7  }
0x187: {  	v13 =	vsel vm13, v58, v13;
	v14 =	vpsel p1, v15, v6;
	vm0 =	vle.f32 @p0 v12, v8  }
0x188: {  	v16 =	vsel @p0 vm0, v14, v9  }
0x189: {  	v15 =	vsel @p0 vm0, v12, v8  }
0x18a: {  	(xrf1) =	vsort.ascd.msk.f32 $0xffff, v59, v60  }
0x18b: {  	(xrf1) =	vsort.ascd.msk.f32 $0xffff, v11, v13;
	v11, v13, _ =	vpop @p1 (xrf1)  }
0x18c: {  	v11 =	vperm.xlane @p1 v11, v5;
	v13 =	vperm.xlane @p1 v13, v5;
	(xrf1) =	vsort.ascd.msk.f32 @p0 $0xffff, v15, v16;
	v15, v16, _ =	vpop @p2 (xrf1)  }
0x18d: {  	v8 =	vsel @p0 vm0, v8, v12;
	v9 =	vsel @p0 vm0, v9, v14;
	v12 =	vpsel p2, v15, v7  }
0x18e: {  	(xrf1) =	vsort.ascd.msk.f32 @p0 $0xffff, v8, v9;
	v14 =	vpsel p2, v16, v6;
	vm0 =	vle.f32 @p1 v12, v11  }
0x18f: {  	v8 =	vsel @p1 vm0, v12, v11;
	v9 =	vsel @p1 vm0, v14, v13  }
0x190: {  	(xrf1) =	vsort.ascd.msk.f32 @p1 $0xffff, v8, v9;
	_ =	sdelay $0x8  }
0x191: {  	v9, v8, _ =	vpop (xrf1)  }
0x192: {  	v9, v11, _ =	vpop (xrf1)  }
0x193: {  	v9 =	vperm.xlane v9, v5;
	v12, v13, _ =	vpop @p0 (xrf1)  }
0x194: {  	v11 =	vperm.xlane v11, v5;
	v12 =	vpsel p0, v12, v7;
	v14, v15, _ =	vpop @p0 (xrf1)  }
0x195: {  	v13 =	vpsel p0, v13, v6;
	vm14 =	vle.f32 v12, v9;
	v15 =	vperm.xlane @p0 v15, v5  }
0x196: {  	v14 =	vperm.xlane @p0 v14, v5;
	v61 =	vsel vm14, v12, v9;
	v62 =	vsel vm14, v13, v11;
	v18, v19, _ =	vpop @p1 (xrf1)  }
0x197: {  	v9 =	vsel vm14, v9, v12;
	v11 =	vsel vm14, v11, v13;
	v12 =	vpsel p1, v18, v7  }
0x198: {  	(xrf1) =	vsort.ascd.msk.f32 $0xffff, v61, v62;
	v13 =	vpsel p1, v19, v6;
	vm0 =	vle.f32 @p0 v12, v14  }
0x199: {  	(xrf1) =	vsort.ascd.msk.f32 $0xffff, v9, v11;
	v9 =	vsel @p0 vm0, v12, v14;
	v11 =	vsel @p0 vm0, v13, v15  }
0x19a: {  	(xrf1) =	vsort.ascd.msk.f32 @p0 $0xffff, v9, v11;
	_ =	sdelay $0xb  }
0x19b: {  	v11, v9, _ =	vpop (xrf1)  }
0x19c: {  	v11, v63, _ =	vpop (xrf1)  }
0x19d: {  	v11 =	vperm.xlane v11, v5;
	v13, v14, _ =	vpop @p0 (xrf1)  }
0x19e: {  	v12 =	vperm.xlane v63, v5;
	v7 =	vpsel p0, v13, v7  }
0x19f: {  	v6 =	vpsel p0, v14, v6;
	vm15 =	vle.f32 v7, v11  }
0x1a0: {  	v7 =	vsel vm15, v7, v11;
	v6 =	vsel vm15, v6, v12  }
0x1a1: {  	(xrf1) =	vsort.ascd.msk.f32 $0xffff, v7, v6;
	_ =	sdelay $0x9  }
.Ltmp18:
0x1a2: {  	_ = 	snop;
	(pc) =	sbr.rel .LBB2_11-.Ltmp18, $2  }
0x1a3: {  	_ =	sdelay $0x2  }
0x1a4: {  	v7, v6, _ =	vpop (xrf1)  }
.LBB2_10:
0x1a5: {  	v10 =	vimm.s32 $0x0  }
0x1a6: {  	v8 =	vimm.s32 $0x0;
	v9 =	vimm.s32 $0x0;
	v6 =	vimm.s32 $0x0  }
.LBB2_11:
0x1a7: {  	v7 =	vshll.u32 v10, $0x2;
	_ =	sdelay $0x1  }
0x1a8: {  	v10 =	vcvt.s32.f32 v10;
	s21 =	sshll.u32 s20, $0xA  }
0x1a9: {  	s21 =	sand.u32 $0x3FFFFC00, s21  }
0x1aa: {  	[tilespmem:s21+$0x6B00] =	vst v10  }
0x1ab: {  	v10 =	vld.idx.msk [tilespmem:v7+s3+$0x0], $0xffff  }
0x1ac: {  	v11 =	vor.u32 $0x1, v7;
	_ =	sdelay $0x3  }
0x1ad: {  	[tilespmem:s21+$0x6900] =	vst v10  }
0x1ae: {  	v10 =	vld.idx.msk [tilespmem:v11+s3+$0x0], $0xffff  }
0x1af: {  	v11 =	vor.u32 $0x2, v7;
	_ =	sdelay $0x3  }
0x1b0: {  	[tilespmem:s21+$0x6980] =	vst v10  }
0x1b1: {  	v10 =	vld.idx.msk [tilespmem:v11+s3+$0x0], $0xffff  }
0x1b2: {  	v7 =	vor.u32 $0x3, v7;
	_ =	sdelay $0x3  }
0x1b3: {  	[tilespmem:s21+$0x6A00] =	vst v10  }
0x1b4: {  	v7 =	vld.idx.msk [tilespmem:v7+s3+$0x0], $0xffff  }
0x1b5: {  	v10 =	vshll.u32 v8, $0x2  }
0x1b6: {  	v8 =	vcvt.s32.f32 v8;
	_ =	sdelay $0x1  }
0x1b7: {  	[tilespmem:s21+$0x6B10] =	vst v8  }
0x1b8: {  	[tilespmem:s21+$0x6A80] =	vst v7  }
0x1b9: {  	v7 =	vld.idx.msk [tilespmem:v10+s3+$0x0], $0xffff  }
0x1ba: {  	v8 =	vor.u32 $0x1, v10;
	_ =	sdelay $0x3  }
0x1bb: {  	[tilespmem:s21+$0x6910] =	vst v7  }
0x1bc: {  	v7 =	vld.idx.msk [tilespmem:v8+s3+$0x0], $0xffff  }
0x1bd: {  	v8 =	vor.u32 $0x2, v10;
	_ =	sdelay $0x3  }
0x1be: {  	[tilespmem:s21+$0x6990] =	vst v7  }
0x1bf: {  	v7 =	vld.idx.msk [tilespmem:v8+s3+$0x0], $0xffff  }
0x1c0: {  	v8 =	vor.u32 $0x3, v10;
	_ =	sdelay $0x3  }
0x1c1: {  	[tilespmem:s21+$0x6A10] =	vst v7  }
0x1c2: {  	v7 =	vld.idx.msk [tilespmem:v8+s3+$0x0], $0xffff  }
0x1c3: {  	v8 =	vshll.u32 v9, $0x2  }
0x1c4: {  	v9 =	vcvt.s32.f32 v9;
	_ =	sdelay $0x1  }
0x1c5: {  	[tilespmem:s21+$0x6B20] =	vst v9  }
0x1c6: {  	[tilespmem:s21+$0x6A90] =	vst v7  }
0x1c7: {  	v7 =	vld.idx.msk [tilespmem:v8+s3+$0x0], $0xffff  }
0x1c8: {  	v9 =	vor.u32 $0x1, v8;
	_ =	sdelay $0x3  }
0x1c9: {  	[tilespmem:s21+$0x6920] =	vst v7  }
0x1ca: {  	v7 =	vld.idx.msk [tilespmem:v9+s3+$0x0], $0xffff  }
0x1cb: {  	v9 =	vor.u32 $0x2, v8;
	_ =	sdelay $0x3  }
0x1cc: {  	[tilespmem:s21+$0x69A0] =	vst v7  }
0x1cd: {  	v7 =	vld.idx.msk [tilespmem:v9+s3+$0x0], $0xffff  }
0x1ce: {  	v8 =	vor.u32 $0x3, v8;
	_ =	sdelay $0x3  }
0x1cf: {  	[tilespmem:s21+$0x6A20] =	vst v7  }
0x1d0: {  	v7 =	vld.idx.msk [tilespmem:v8+s3+$0x0], $0xffff  }
0x1d1: {  	v8 =	vshll.u32 v6, $0x2  }
0x1d2: {  	v6 =	vcvt.s32.f32 v6;
	_ =	sdelay $0x1  }
0x1d3: {  	[tilespmem:s21+$0x6B30] =	vst v6  }
0x1d4: {  	[tilespmem:s21+$0x6AA0] =	vst v7  }
0x1d5: {  	v6 =	vld.idx.msk [tilespmem:v8+s3+$0x0], $0xffff  }
0x1d6: {  	v7 =	vor.u32 $0x1, v8;
	_ =	sdelay $0x3  }
0x1d7: {  	[tilespmem:s21+$0x6930] =	vst v6  }
0x1d8: {  	v6 =	vld.idx.msk [tilespmem:v7+s3+$0x0], $0xffff  }
0x1d9: {  	v7 =	vor.u32 $0x2, v8;
	_ =	sdelay $0x3  }
0x1da: {  	[tilespmem:s21+$0x69B0] =	vst v6  }
0x1db: {  	v6 =	vld.idx.msk [tilespmem:v7+s3+$0x0], $0xffff  }
0x1dc: {  	v7 =	vor.u32 $0x3, v8;
	_ =	sdelay $0x3  }
0x1dd: {  	[tilespmem:s21+$0x6A30] =	vst v6  }
0x1de: {  	p0 =	seq.s32 s20, $0x1F;
	v6 =	vld.idx.msk [tilespmem:v7+s3+$0x0], $0xffff  }
0x1df: {  	s22 =	sadd.s32 @!p0 $0x2, s22  }
0x1e0: {  	s23 =	sshll.u32 @!p0 s22, $0x4  }
0x1e1: {  	s26 =	simm.s32 $0x80;
	s22 =	sshll.u32 @!p0 s22, $0xA;
	s23 =	sand.u32 @!p0 $0x60, s23  }
0x1e2: {  	s24 =	simm.s32 @!p0 $0x400;
	s22 =	sand.u32 @!p0 $0xFFFE000, s22;
	s23 =	sadd.s32 @!p0 s2, s23  }
0x1e3: {  	s25 =	simm.s32 @!p0 $0x0;
	s22 =	sadd.s32 @!p0 s22, s23;
	s23 =	simm.s32 @!p0 $0x80;
	[tilespmem:s21+$0x6AB0] =	vst v6  }
0x1e4: {  	v11 =	vor.u32 s26, v2;
	[tilespmem:s25], [sflag:$0x1] =	stream.strided.gather @!p0 [hbm4b:s22+s23], $0x2000, s24, s23, $0x38;
	[tilespmem:$0xE900] =	vst v63  }
0x1e5: {  	v12 =	vor.u32 s26, v1;
	s23 =	simm.s32 $0x0  }
0x1e6: {  	s24 =	simm.s32 $0x40;
	v6 =	vor.u32 s23, v1;
	_ =	swait.ge [sflag:s16], $0x2000  }
0x1e7: {  	v7 =	vor.u32 s24, v1;
	[sflag:s16] =	ssyncset.done $0x0  }
0x1e8: {  	v8 =	vor.u32 s23, v2;
	[sflag:s16] =	ssyncadd.s32 $0xFFFFE000  }
0x1e9: {  	s29 =	simm.s32 $0x140;
	v9 =	vor.u32 s24, v3;
	v11 =	vld.idx.msk [tilespmem:v11+s10+$0x0], $0xffff  }
0x1ea: {  	v17 =	vor.u32 s29, v3;
	s25 =	simm.s32 $0xC0;
	v12 =	vld.idx.msk [tilespmem:v12+s10+$0x0], $0xffff  }
0x1eb: {  	v10 =	vor.u32 s25, v1;
	v6 =	vld.idx.msk [tilespmem:v6+s10+$0x0], $0xffff  }
0x1ec: {  	v13 =	vor.u32 s25, v3;
	v7 =	vld.idx.msk [tilespmem:v7+s10+$0x0], $0xffff  }
0x1ed: {  	v8 =	vld.idx.msk [tilespmem:v8+s10+$0x0], $0xffff  }
0x1ee: {  	s28 =	simm.s32 $0x100;
	v9 =	vld.idx.msk [tilespmem:v9+s10+$0x0], $0xffff  }
0x1ef: {  	v14 =	vor.u32 s28, v1;
	v17 =	vld.idx.msk [tilespmem:v17+s10+$0x0], $0xffff  }
0x1f0: {  	v15 =	vor.u32 s29, v1;
	v10 =	vld.idx.msk [tilespmem:v10+s10+$0x0], $0xffff  }
0x1f1: {  	v16 =	vor.u32 s28, v2;
	v18 =	vld.idx.msk [tilespmem:v13+s10+$0x0], $0xffff  }
0x1f2: {  	v6 =	vmul.f32 v6, v6;
	v8 =	vmul.f32 v8, v8  }
0x1f3: {  	v13 =	vmul.f32 v7, v7;
	v9 =	vmul.f32 v9, v9  }
0x1f4: {  	v19 =	vld.idx.msk [tilespmem:v14+s10+$0x0], $0xffff;
	v12 =	vmul.f32 v12, v12;
	v22 =	vmul.f32 v17, v17  }
0x1f5: {  	v6 =	vadd.f32 v8, v6;
	v8 =	vld.idx.msk [tilespmem:v15+s10+$0x0], $0xffff;
	v14 =	vadd.f32 v9, v13;
	v15 =	vmul.f32 v11, v11  }
0x1f6: {  	s30 =	simm.s32 $0x1C0;
	v16 =	vld.idx.msk [tilespmem:v16+s10+$0x0], $0xffff;
	v7 =	vimm.f32 $+Inf;
	v10 =	vmul.f32 v10, v10;
	v18 =	vmul.f32 v18, v18  }
0x1f7: {  	v13 =	vor.u32 s30, v1;
	v11 =	vadd.f32 $9.999999970e-07, v14;
	v12 =	vadd.f32 v15, v12  }
0x1f8: {  	s22 =	simm.s32 $0x180;
	v9 =	vor.u32 s30, v3;
	v21 =	vadd.f32 $9.999999970e-07, v6;
	v6 =	vadd.f32 v18, v10  }
0x1f9: {  	s31 =	simm.s32 $0x20;
	v14 =	vor.u32 s22, v1;
	v15 =	vor.u32 s22, v2;
	v10 =	vmul.f32 v19, v19  }
0x1fa: {  	v12 =	vadd.f32 $9.999999970e-07, v12;
	v6 =	vadd.f32 $9.999999970e-07, v6;
	[tilespmem:s31+$0x3FE0] =	vst v21;
	v20 =	vmax.f32 v7, v21  }
0x1fb: {  	v21 =	vmin.f32 v7, v21;
	[tilespmem:s31+$0x3FF0] =	vst v11;
	v19 =	vmul.f32 v8, v8;
	v8 =	vmul.f32 v16, v16  }
0x1fc: {  	v16 =	vmin.f32 v7, v20;
	v18 =	vmin.f32 v21, v11;
	v17 =	vmax.f32 v21, v11;
	[tilespmem:s31+$0x4000] =	vst v12  }
0x1fd: {  	s23 =	simm.s32 $0x4;
	s24 =	simm.s32 $0x280;
	[tilespmem:s31+$0x4010] =	vst v6;
	v8 =	vadd.f32 v8, v10;
	v10 =	vadd.f32 v22, v19;
	v19 =	vmin.f32 v7, v20  }
.LBB2_12:
0x1fe: {  	s25 =	sadd.s32 $0xFFFFFF80, s24;
	s26 =	sadd.s32 $0xFFFFFFC0, s24;
	s23 =	sadd.s32 $0x4, s23;
	v21 =	vld.idx.msk [tilespmem:v13+s10+$0x0], $0xffff;
	v7 =	vmin.f32 v7, v20;
	v13 =	vmax.f32 v19, v11;
	v20 =	vmax.f32 v18, v12  }
0x1ff: {  	v18 =	vmin.f32 v18, v12;
	v22 =	vor.u32 s25, v1;
	v23 =	vor.u32 s25, v2;
	p0 =	slt.u32 s23, $0x7C;
	v15 =	vld.idx.msk [tilespmem:v15+s10+$0x0], $0xffff  }
0x200: {  	v24 =	vor.u32 s26, v1;
	v25 =	vor.u32 s26, v3;
	v26 =	vmax.f32 v18, v6;
	v14 =	vld.idx.msk [tilespmem:v14+s10+$0x0], $0xffff  }
0x201: {  	v27 =	vld.idx.msk [tilespmem:v9+s10+$0x0], $0xffff;
	v9 =	vmax.f32 v7, v11;
	v7 =	vmin.f32 v7, v13;
	v11 =	vmin.f32 v19, v17  }
0x202: {  	v9 =	vmin.f32 v16, v9;
	v13 =	vmax.f32 v11, v12;
	v11 =	vmin.f32 v11, v20  }
0x203: {  	v12 =	vmax.f32 v7, v12;
	v7 =	vmin.f32 v7, v13;
	v13 =	vmax.f32 v11, v6  }
0x204: {  	v9 =	vmin.f32 v9, v12;
	v16 =	vld.idx.msk [tilespmem:v22+s10+$0x0], $0xffff;
	v12 =	vmax.f32 v7, v6;
	v7 =	vmin.f32 v7, v13  }
0x205: {  	s25 =	sadd.s32 $0x40, s24;
	v20 =	vmin.f32 v18, v6;
	v22 =	vmin.f32 v11, v26;
	v17 =	vld.idx.msk [tilespmem:v24+s10+$0x0], $0xffff;
	v19 =	vmin.f32 v9, v12  }
0x206: {  	v13 =	vor.u32 s25, v1;
	v6 =	vmul.f32 v14, v14;
	v12 =	vmul.f32 v15, v15;
	v18 =	vld.idx.msk [tilespmem:v23+s10+$0x0], $0xffff  }
0x207: {  	v9 =	vor.u32 s25, v3;
	v14 =	vmul.f32 v21, v21;
	v15 =	vmul.f32 v27, v27;
	v23 =	vld.idx.msk [tilespmem:v25+s10+$0x0], $0xffff  }
0x208: {  	v11 =	vadd.f32 $9.999999970e-07, v10;
	v6 =	vadd.f32 v12, v6  }
0x209: {  	v21 =	vadd.f32 $9.999999970e-07, v8;
	v8 =	vadd.f32 v15, v14  }
0x20a: {  	v14 =	vor.u32 s24, v1;
	v15 =	vor.u32 s24, v2;
	v12 =	vadd.f32 $9.999999970e-07, v6  }
.Ltmp19:
0x20b: {  	s25 =	sshra.s32 s22, $0x2;
	s22 =	smov.u32 s24;
	v10 =	vmul.f32 v16, v16;
	v24 =	vmul.f32 v17, v17;
	v6 =	vadd.f32 $9.999999970e-07, v8;
	(pc) =	sbr.rel @p0 .LBB2_12-.Ltmp19, $4  }
0x20c: {  	v16 =	vmax.f32 v7, v21;
	v17 =	vmin.f32 v20, v21;
	v8 =	vmul.f32 v18, v18;
	[tilespmem:s25+$0x3FE0] =	vst v21  }
0x20d: {  	v16 =	vmin.f32 v19, v16;
	v18 =	vmin.f32 v17, v11;
	v23 =	vmul.f32 v23, v23;
	[tilespmem:s25+$0x3FF0] =	vst v11  }
0x20e: {  	v19 =	vmax.f32 v20, v21;
	v17 =	vmax.f32 v17, v11;
	v8 =	vadd.f32 v8, v10;
	[tilespmem:s25+$0x4000] =	vst v12  }
0x20f: {  	s24 =	sadd.s32 $0x100, s24;
	v20 =	vmax.f32 v22, v21;
	v19 =	vmin.f32 v22, v19;
	v10 =	vadd.f32 v23, v24;
	[tilespmem:s25+$0x4010] =	vst v6  }
0x210: {  	_ =	sdelay $0x3  }
0x211: {  	v13 =	vld.idx.msk [tilespmem:v13+s10+$0x0], $0xffff  }
0x212: {  	v15 =	vld.idx.msk [tilespmem:v15+s10+$0x0], $0xffff  }
0x213: {  	v7 =	vmin.f32 v7, v20;
	v14 =	vld.idx.msk [tilespmem:v14+s10+$0x0], $0xffff  }
0x214: {  	v20 =	vmax.f32 v19, v11;
	v21 =	vmax.f32 v18, v12;
	v18 =	vmin.f32 v18, v12;
	v9 =	vld.idx.msk [tilespmem:v9+s10+$0x0], $0xffff  }
0x215: {  	v17 =	vmin.f32 v19, v17;
	v8 =	vadd.f32 $9.999999970e-07, v8;
	v11 =	vmax.f32 v7, v11  }
0x216: {  	v22 =	vmax.f32 v18, v6;
	v7 =	vmin.f32 v7, v20;
	v11 =	vmin.f32 v16, v11  }
0x217: {  	v16 =	vmax.f32 v17, v12;
	v17 =	vmin.f32 v17, v21;
	v12 =	vmax.f32 v7, v12  }
0x218: {  	v7 =	vmin.f32 v7, v16;
	v14 =	vmul.f32 v14, v14;
	v15 =	vmul.f32 v15, v15  }
0x219: {  	v11 =	vmin.f32 v11, v12;
	v12 =	vmul.f32 v13, v13;
	v9 =	vmul.f32 v9, v9  }
0x21a: {  	v10 =	vadd.f32 $9.999999970e-07, v10;
	v16 =	vmax.f32 v17, v6;
	v13 =	vmax.f32 v7, v6  }
0x21b: {  	v6 =	vmin.f32 v18, v6;
	v14 =	vadd.f32 v15, v14;
	v9 =	vadd.f32 v9, v12  }
0x21c: {  	v12 =	vmin.f32 v17, v22;
	v15 =	vmin.f32 v6, v8;
	v6 =	vmax.f32 v6, v8  }
0x21d: {  	v7 =	vmin.f32 v7, v16;
	v11 =	vmin.f32 v11, v13;
	v6 =	vmin.f32 v12, v6  }
0x21e: {  	v13 =	vadd.f32 $9.999999970e-07, v14;
	v9 =	vadd.f32 $9.999999970e-07, v9;
	v14 =	vmax.f32 v7, v8  }
0x21f: {  	v11 =	vmin.f32 v11, v14;
	v14 =	vmax.f32 v15, v10;
	v15 =	vmax.f32 v12, v8  }
0x220: {  	v12 =	vmax.f32 v6, v10;
	v7 =	vmin.f32 v7, v15;
	v6 =	vmin.f32 v6, v14  }
0x221: {  	v14 =	vmax.f32 v7, v10;
	v7 =	vmin.f32 v7, v12;
	v6 =	vmax.f32 v6, v13  }
0x222: {  	v11 =	vmin.f32 v11, v14;
	v12 =	vmax.f32 v7, v13;
	v6 =	vmin.f32 v7, v6  }
0x223: {  	v7 =	vmin.f32 v11, v12;
	v6 =	vmax.f32 v6, v9  }
0x224: {  	s22 =	sshra.s32 s22, $0x2;
	v6 =	vmin.f32 v7, v6  }
0x225: {  	[tilespmem:s22+$0x3FE0] =	vst v8;
	(xrf0) =	vmax.scan.msk.f32 $0xffff, v6  }
0x226: {  	[tilespmem:s22+$0x3FF0] =	vst v10  }
0x227: {  	[tilespmem:s22+$0x4000] =	vst v13  }
0x228: {  	s29 =	simm.s32 $0x4020;
	[tilespmem:s22+$0x4010] =	vst v9  }
0x229: {  	v11 =	vld [tilespmem:s29+$0xFFFFFFE0]  }
0x22a: {  	v22 =	vld [tilespmem:s29+$0xFFFFFFF0]  }
0x22b: {  	v14 =	vld [tilespmem:s29+$0x0];
	v6, _, _ =	vpop (xrf0)  }
0x22c: {  	v15 =	vld [tilespmem:s29+$0x10];
	v6 =	vbroadcast v6, $0xF  }
0x22d: {  	v7 =	vimm.s32 $0x0  }
0x22e: {  	v8 =	vshll.u32 v7, $0x4;
	vm2 =	vle.f32 v11, v6  }
0x22f: {  	v17 =	vor.u32 v0, v8;
	vm0 =	vle.f32 v22, v6;
	v9 =	vsel vm2, $0x1, v4  }
0x230: {  	s23 =	simm.s32 $0x4060;
	vm1 =	vle.f32 v14, v6;
	v7 =	vadd.s32 v9, v7;
	v9 =	vsel vm0, $0x1, v4  }
0x231: {  	v8 =	vld [tilespmem:s23+$0xFFFFFFF0];
	vm5 =	vle.f32 v15, v6;
	v12 =	vsel vm1, $0x1, v4;
	v10 =	vadd.s32 v9, v7  }
0x232: {  	v13 =	vsel vm5, $0x1, v4;
	vm6 =	vmmov vm1;
	v9 =	vld [tilespmem:s23+$0xFFFFFFE0];
	v12 =	vadd.s32 v12, v10  }
0x233: {  	v10 =	vshll.u32 v10, $0x4;
	v16 =	vshll.u32 v12, $0x4;
	v18 =	vadd.s32 v13, v12  }
0x234: {  	v12 =	vshll.u32 v7, $0x4;
	v7 =	vld [tilespmem:s23+$0x0];
	v21 =	vor.u32 v0, v10;
	v13 =	vshll.u32 v18, $0x4  }
0x235: {  	s22 =	simm.s32 $0x0;
	v19 =	vor.u32 v0, v16;
	v10 =	vor.u32 v0, v13;
	v13 =	vld [tilespmem:s23+$0x10]  }
0x236: {  	s30 =	simm.s32 $0x10;
	v20 =	vor.u32 s22, v0;
	vm3 =	vle.f32 v8, v6;
	vm1 =	vmmov vm0  }
0x237: {  	s24 =	simm.s32 $0x20;
	s31 =	simm.s32 $0x30;
	v12 =	vor.u32 v0, v12;
	[tilespmem:v17+s12+$0x0] =	vst.idx.msk vm2, v11;
	v16 =	vor.u32 s30, v0;
	vm0 =	vle.f32 v9, v6  }
0x238: {  	v11 =	vor.u32 s24, v0;
	[tilespmem:v17+s13+$0x0] =	vst.idx.msk vm2, v20;
	v20 =	vor.u32 s31, v0;
	v17 =	vsel vm0, $0x1, v4  }
0x239: {  	v17 =	vadd.s32 v17, v18;
	v18 =	vsel vm3, $0x1, v4;
	vm4 =	vle.f32 v7, v6;
	[tilespmem:v21+s12+$0x0] =	vst.idx.msk vm6, v14  }
0x23a: {  	s23 =	simm.s32 $0x40A0;
	[tilespmem:v19+s12+$0x0] =	vst.idx.msk vm5, v15;
	v18 =	vadd.s32 v18, v17;
	v23 =	vsel vm4, $0x1, v4;
	vm2 =	vle.f32 v13, v6  }
0x23b: {  	v14 =	vld [tilespmem:s23+$0xFFFFFFF0];
	[tilespmem:v19+s13+$0x0] =	vst.idx.msk vm5, v20;
	v24 =	vshll.u32 v18, $0x4;
	v18 =	vadd.s32 v23, v18;
	v19 =	vsel vm2, $0x1, v4  }
0x23c: {  	v15 =	vld [tilespmem:s23+$0xFFFFFFE0];
	[tilespmem:v21+s13+$0x0] =	vst.idx.msk vm6, v11;
	v20 =	vshll.u32 v17, $0x4;
	v23 =	vshll.u32 v18, $0x4;
	v19 =	vadd.s32 v19, v18  }
0x23d: {  	s24 =	simm.s32 $0x8;
	v11 =	vld [tilespmem:s23+$0x0];
	[tilespmem:v12+s12+$0x0] =	vst.idx.msk vm1, v22;
	v17 =	vor.u32 v0, v24;
	v18 =	vor.u32 v0, v23;
	v21 =	vshll.u32 v19, $0x4  }
.LBB2_14:
0x23e: {  	v21 =	vor.u32 v0, v21  }
0x23f: {  	s24 =	sadd.s32 $0x4, s24;
	v22 =	vld [tilespmem:s23+$0x10];
	[tilespmem:v12+s13+$0x0] =	vst.idx.msk vm1, v16;
	v12 =	vor.u32 v0, v20;
	s22 =	sadd.s32 $0x40, s22;
	v23 =	vmovc v8;
	vm1 =	vmmov vm3;
	vm5 =	vmmov vm4  }
0x240: {  	p0 =	slt.u32 s24, $0x7C;
	[tilespmem:v10+s12+$0x0] =	vst.idx.msk vm0, v9;
	v25 =	vor.u32 s22, v0;
	s25 =	sadd.s32 $0x10, s22;
	s26 =	sadd.s32 $0x20, s22  }
0x241: {  	[tilespmem:v10+s13+$0x0] =	vst.idx.msk vm0, v25;
	vm0 =	vle.f32 v15, v6;
	v16 =	vor.u32 s25, v0;
	v24 =	vor.u32 s26, v0;
	s25 =	sadd.s32 $0x30, s22;
	v10 =	vmovc v21  }
0x242: {  	v9 =	vmovc v15;
	v20 =	vsel vm0, $0x1, v4;
	vm3 =	vle.f32 v14, v6;
	v21 =	vor.u32 s25, v0;
	v8 =	vmovc v14  }
.Ltmp20:
0x243: {  	v19 =	vadd.s32 v20, v19;
	v14 =	vsel vm3, $0x1, v4;
	vm4 =	vle.f32 v11, v6;
	[tilespmem:v18+s12+$0x0] =	vst.idx.msk vm2, v13;
	(pc) =	sbr.rel @p0 .LBB2_14-.Ltmp20, $4  }
0x244: {  	s23 =	sadd.s32 $0x40, s23;
	v20 =	vadd.s32 v14, v19;
	v14 =	vsel vm4, $0x1, v4;
	[tilespmem:v18+s13+$0x0] =	vst.idx.msk vm2, v21;
	vm2 =	vle.f32 v22, v6  }
0x245: {  	v13 =	vmovc v22;
	v15 =	vld [tilespmem:s23+$0xFFFFFFE0];
	v18 =	vshll.u32 v20, $0x4;
	v21 =	vadd.s32 v14, v20;
	v25 =	vsel vm2, $0x1, v4;
	[tilespmem:v17+s12+$0x0] =	vst.idx.msk vm5, v7  }
0x246: {  	v20 =	vshll.u32 v19, $0x4;
	v7 =	vmovc v11;
	v14 =	vld [tilespmem:s23+$0xFFFFFFF0];
	v22 =	vshll.u32 v21, $0x4;
	v19 =	vadd.s32 v25, v21;
	[tilespmem:v17+s13+$0x0] =	vst.idx.msk vm5, v24  }
0x247: {  	v17 =	vor.u32 v0, v18;
	v21 =	vshll.u32 v19, $0x4;
	v11 =	vld [tilespmem:s23+$0x0];
	v18 =	vor.u32 v0, v22;
	[tilespmem:v12+s12+$0x0] =	vst.idx.msk vm1, v23  }
0x248: {  	v22 =	vld [tilespmem:s23+$0x10];
	_ =	sdelay $0x1  }
0x249: {  	vm5 =	vle.f32 v15, v6  }
0x24a: {  	v23 =	vsel vm5, $0x1, v4;
	vm7 =	vle.f32 v14, v6  }
0x24b: {  	v19 =	vadd.s32 v23, v19;
	v53 =	vsel vm7, $0x1, v4;
	vm8 =	vle.f32 v11, v6  }
0x24c: {  	v23 =	vadd.s32 v53, v19;
	v24 =	vsel vm8, $0x1, v4;
	vm6 =	vle.f32 v22, v6  }
0x24d: {  	v24 =	vadd.s32 v24, v23;
	v6 =	vsel vm6, $0x1, v4  }
0x24e: {  	v6 =	vadd.s32 v6, v24  }
0x24f: {  	v25 =	vxor.u32 $0x80000000, v6  }
0x250: {  	(xrf0) =	vmax.scan.msk.u32 $0xffff, v25;
	_ =	sdelay $0x5  }
0x251: {  	v25, _, _ =	vpop (xrf0)  }
0x252: {  	(v2sf) =	vpush v25, $0xF;
	_ =	sdelay $0x4  }
0x253: {  	vm4 =	vmmov vm4;
	v55 =	vor.u32 v0, v20  }
0x254: {  	[tilespmem:v12+s13+$0x0] =	vst.idx.msk vm1, v16  }
0x255: {  	s22 =	sadd.s32 $0x40, s22;
	[tilespmem:v10+s12+$0x0] =	vst.idx.msk vm0, v9  }
0x256: {  	[tilespmem:v18+s12+$0x0] =	vst.idx.msk vm2, v13;
	v54 =	vor.u32 s22, v0  }
0x257: {  	[tilespmem:v10+s13+$0x0] =	vst.idx.msk vm0, v54  }
0x258: {  	v57 =	vor.u32 v0, v21;
	s25 =	sadd.s32 $0x30, s22;
	[tilespmem:v55+s12+$0x0] =	vst.idx.msk vm3, v8;
	v60 =	vshll.u32 v23, $0x4  }
0x259: {  	s28 =	sadd.s32 $0x10, s22;
	v56 =	vor.u32 s25, v0;
	[tilespmem:v17+s12+$0x0] =	vst.idx.msk vm4, v7;
	v7 =	vshll.u32 v24, $0x4;
	v8 =	vor.u32 v0, v60  }
0x25a: {  	s26 =	sadd.s32 $0x20, s22;
	v59 =	vor.u32 s28, v0;
	[tilespmem:v18+s13+$0x0] =	vst.idx.msk vm2, v56;
	v7 =	vor.u32 v0, v7  }
0x25b: {  	v58 =	vor.u32 s26, v0;
	[tilespmem:v55+s13+$0x0] =	vst.idx.msk vm3, v59  }
0x25c: {  	[tilespmem:v17+s13+$0x0] =	vst.idx.msk vm4, v58  }
0x25d: {  	s22 =	sadd.s32 $0x40, s22;
	v61 =	vshll.u32 v19, $0x4;
	[tilespmem:v57+s12+$0x0] =	vst.idx.msk vm5, v15;
	s31 =	spop (v2sf)  }
0x25e: {  	s29 =	sadd.s32 $0x30, s22;
	v9 =	vor.u32 v0, v61;
	[tilespmem:v8+s12+$0x0] =	vst.idx.msk vm8, v11;
	(xrf0) =	vadd.scan.msk.s32 $0xffff, v6;
	s23 =	sxor.u32 $0x80000000, s31  }
0x25f: {  	s30 =	sadd.s32 $0x20, s22;
	v63 =	vor.u32 s29, v0;
	[tilespmem:v7+s12+$0x0] =	vst.idx.msk vm6, v22;
	p0 =	slt.s32 s23, $0x1  }
.Ltmp21:
0x260: {  	v62 =	vor.u32 s22, v0;
	s22 =	sadd.s32 $0x10, s22;
	[tilespmem:v7+s13+$0x0] =	vst.idx.msk vm6, v63;
	v7 =	vor.u32 s30, v0;
	(pc) =	sbr.rel @p0 .LBB2_36-.Ltmp21, $4  }
0x261: {  	[tilespmem:v8+s13+$0x0] =	vst.idx.msk vm8, v7;
	v7 =	vor.u32 s22, v0  }
0x262: {  	[tilespmem:v57+s13+$0x0] =	vst.idx.msk vm5, v62  }
0x263: {  	[tilespmem:v9+s12+$0x0] =	vst.idx.msk vm7, v14  }
0x264: {  	vm14 =	vmmov vm3;
	vm1 =	vmmov vm7;
	vm15 =	vmmov vm8;
	[tilespmem:v9+s13+$0x0] =	vst.idx.msk vm7, v7;
	v7, _, _ =	vpop (xrf0)  }
0x265: {  	v9 =	vsub.s32 v7, v6;
	s24 =	simm.s32 $0x0;
	p1 =	seq.s32 s23, $0x1  }
.Ltmp22:
0x266: {  	v8 =	vadd.s32 s24, v9;
	(pc) =	sbr.rel @p1 .LBB2_17-.Ltmp22, $3  }
0x267: {  	_ =	sdelay $0x1  }
0x268: {  	s25 =	simm.s32 $0x4800;
	s22 =	simm.s32 $0x5000;
	v10 =	vmov s24  }
0x269: {  	s26 =	simm.s32 $0x4810;
	p0 =	por $0x0, $0x0;
	v13 =	vld [tilespmem:s25+$0x0];
	s24 =	simm.s32 $0x1;
	vm2 =	vlt.s32 v10, v6  }
0x26a: {  	p1 =	seq.s32 s23, $0x2;
	vm0 =	vmmov vm2  }
.Ltmp23:
0x26b: {  	v10 =	vld [tilespmem:s22+$0x0];
	(pc) =	sbr.rel @p1 .LBB2_42-.Ltmp23, $3  }
0x26c: {  	_ =	sdelay $0x1  }
0x26d: {  	s25 =	simm.s32 $0x2;
	v14 =	vmov s24  }
0x26e: {  	v11 =	vld [tilespmem:s26+$0x0];
	v12 =	vadd.s32 s24, v9;
	s26 =	simm.s32 $0x4820;
	p0 =	por $0x1, $0x1;
	s24 =	simm.s32 $0x5000;
	vm1 =	vlt.s32 v14, v6;
	[tilespmem:v8+s14+$0x0] =	vst.idx.msk vm2, v13  }
.LBB2_43:
0x26f: {  	v13 =	vld [tilespmem:s26+$0x0];
	[tilespmem:v8+s15+$0x0] =	vst.idx.msk vm0, v10;
	v8 =	vmov v12;
	v12 =	vadd.s32 s25, v9;
	s28 =	smov.u32 s25;
	s25 =	sadd.s32 $0x1, s25  }
0x270: {  	s24 =	sadd.s32 $0x10, s24;
	vm0 =	vmmov vm1;
	p1 =	seq.s32 s23, s25  }
.Ltmp24:
0x271: {  	v10 =	vld [tilespmem:s24+$0x0];
	(pc) =	sbr.rel @!p1 .LBB2_43-.Ltmp24, $3  }
0x272: {  	_ =	sdelay $0x1  }
0x273: {  	v14 =	vmov s28  }
0x274: {  	s26 =	sadd.s32 $0x10, s26;
	[tilespmem:v8+s14+$0x0] =	vst.idx.msk vm1, v11;
	vm1 =	vlt.s32 v14, v6;
	v11 =	vmov v13  }
0x275: {  	v6 =	vmovc v8;
	v8 =	vmov v12;
	vm2 =	vmmov vm1;
	v13 =	vmov v11  }
.LBB2_45:
0x276: {  	s23 =	sadd.s32 @p0 $0x10, s24  }
0x277: {  	s22 =	smov.u32 @p0 s23  }
0x278: {  	v9 =	vld [tilespmem:s22+$0x0];
	_ =	sdelay $0x2  }
0x279: {  	[tilespmem:v6+s15+$0x0] =	vst.idx.msk @p0 vm0, v10  }
0x27a: {  	[tilespmem:v8+s14+$0x0] =	vst.idx.msk vm2, v13  }
0x27b: {  	vm1 =	vmmov vm2;
	[tilespmem:v8+s15+$0x0] =	vst.idx.msk vm2, v9  }
.LBB2_36:
0x27c: {  	(v2sf) =	vpush v7, $0xF;
	_ =	sdelay $0xe  }
0x27d: {  	s22 =	spop (v2sf)  }
0x27e: {  	s22 =	sadd.s32 $0xF, s22  }
0x27f: {  	s23 =	sand.u32 $0xF, s22  }
0x280: {  	s31 =	sshra.s32 s22, $0x1F;
	p1 =	slt.s32 s22, $0x1;
	p0 =	sne.s32 s23, $0x0  }
0x281: {  	s23 =	sshrl.u32 s31, $0x1C;
	p0 =	por !p1, !p0  }
0x282: {  	s22 =	sadd.s32 s23, s22;
	s23 =	simm.s32 $0x1;
	p0 =	por !p0, !p0  }
0x283: {  	s22 =	sshra.s32 s22, $0x4;
	s23 =	simm.s32 @!p0 $0x0  }
0x284: {  	s22 =	ssub.s32 s22, s23  }
0x285: {  	p0 =	sgt.s32 s22, $0x0  }
.Ltmp25:
0x286: {  	_ = 	snop;
	(pc) =	sbr.rel @!p0 .LBB2_37-.Ltmp25, $1  }
0x287: {  	_ =	sdelay $0x3  }
0x288: {  	s25 =	simm.s32 $0x5800  }
0x289: {  	s24 =	simm.s32 $0x6080;
	v8 =	vld [tilespmem:s25+$0x0]  }
0x28a: {  	p5 =	seq.s32 s22, $0x1;
	v9 =	vld [tilespmem:s24+$0x0]  }
.Ltmp26:
0x28b: {  	v10 =	vbroadcast v7, $0xF;
	s23 =	simm.s32 $0x0;
	(pc) =	sbr.rel @p5 .LBB2_47-.Ltmp26, $4  }
0x28c: {  	v11 =	vor.u32 s23, v0  }
0x28d: {  	vm0 =	vlt.s32 v11, v10  }
0x28e: {  	s22 =	sadd.s32 $0xFFFFFFFF, s22;
	p0 =	por $0x0, $0x0;
	p1 =	por $0x0, $0x0;
	v8 =	vnsel vm0, $0x7F800000, v8  }
0x28f: {  	v7 =	vimm.f32 $+Inf;
	v6 =	vimm.s32 $0x0;
	p2 =	por $0x0, $0x0;
	p3 =	por $0x0, $0x0;
	p4 =	por $0x0, $0x0;
	(xrf1) =	vsort.ascd.msk.f32 $0xffff, v8, v9  }
0x290: {  	_ =	sdelay $0x9  }
0x291: {  	s23 =	simm.s32 $0x5810  }
0x292: {  	s30 =	simm.s32 $0x6090;
	v8 =	vld [tilespmem:s23+$0x0]  }
0x293: {  	v9 =	vld [tilespmem:s30+$0x0]  }
0x294: {  	s31 =	simm.s32 $0x10;
	v11, v12, _ =	vpop (xrf1)  }
0x295: {  	p5 =	seq.s32 s22, $0x1;
	v13 =	vor.u32 s31, v0;
	v11 =	vperm.xlane v11, v5  }
.Ltmp27:
0x296: {  	vm0 =	vlt.s32 v13, v10;
	v12 =	vperm.xlane v12, v5;
	(pc) =	sbr.rel @p5 .LBB2_49-.Ltmp27, $4  }
0x297: {  	v8 =	vnsel vm0, $0x7F800000, v8;
	vm15 =	vle.f32 v7, v11  }
0x298: {  	(xrf1) =	vsort.ascd.msk.f32 $0xffff, v8, v9;
	v8 =	vsel vm15, v7, v11;
	v9 =	vsel vm15, v6, v12  }
0x299: {  	v11 =	vsel vm15, v11, v7;
	v12 =	vsel vm15, v12, v6;
	(xrf1) =	vsort.ascd.msk.f32 $0xffff, v8, v9  }
0x29a: {  	s22 =	sadd.s32 $0xFFFFFFFF, s22;
	p0 =	por $0x1, $0x1;
	(xrf1) =	vsort.ascd.msk.f32 $0xffff, v11, v12  }
0x29b: {  	_ =	sdelay $0x7  }
0x29c: {  	s23 =	simm.s32 $0x5820  }
0x29d: {  	s30 =	simm.s32 $0x60A0;
	s31 =	simm.s32 $0x20;
	v8 =	vld [tilespmem:s23+$0x0]  }
0x29e: {  	v9 =	vld [tilespmem:s30+$0x0];
	v13 =	vor.u32 s31, v0  }
0x29f: {  	v11, v12, _ =	vpop (xrf1)  }
0x2a0: {  	v11 =	vperm.xlane v11, v5  }
0x2a1: {  	vm0 =	vlt.s32 v13, v10;
	v13, v14, _ =	vpop (xrf1)  }
0x2a2: {  	p5 =	seq.s32 s22, $0x1;
	v8 =	vnsel vm0, $0x7F800000, v8;
	v12 =	vperm.xlane v12, v5;
	v15, v16, _ =	vpop (xrf1);
	vm14 =	vle.f32 v13, v11  }
.Ltmp28:
0x2a3: {  	(xrf1) =	vsort.ascd.msk.f32 $0xffff, v8, v9;
	v9 =	vperm.xlane v15, v5;
	v8 =	vsel vm14, v13, v11;
	(pc) =	sbr.rel @p5 .LBB2_51-.Ltmp28, $4  }
0x2a4: {  	v15 =	vsel vm14, v14, v12;
	v11 =	vsel vm14, v11, v13;
	v13 =	vperm.xlane v16, v5  }
0x2a5: {  	v12 =	vsel vm14, v12, v14;
	(xrf1) =	vsort.ascd.msk.f32 $0xffff, v8, v15;
	vm15 =	vle.f32 v7, v9  }
0x2a6: {  	(xrf1) =	vsort.ascd.msk.f32 $0xffff, v11, v12;
	v8 =	vsel vm15, v7, v9;
	v11 =	vsel vm15, v6, v13  }
0x2a7: {  	s22 =	sadd.s32 $0xFFFFFFFF, s22;
	p1 =	por $0x1, $0x1;
	v15 =	vsel vm15, v9, v7;
	v16 =	vsel vm15, v13, v6;
	(xrf1) =	vsort.ascd.msk.f32 $0xffff, v8, v11  }
0x2a8: {  	_ =	sdelay $0x4  }
0x2a9: {  	(xrf1) =	vsort.ascd.msk.f32 $0xffff, v15, v16;
	s23 =	simm.s32 $0x5830  }
0x2aa: {  	s30 =	simm.s32 $0x60B0;
	v8 =	vld [tilespmem:s23+$0x0]  }
0x2ab: {  	s31 =	simm.s32 $0x30;
	v9 =	vld [tilespmem:s30+$0x0]  }
0x2ac: {  	v13 =	vor.u32 s31, v0;
	_ =	sdelay $0x1  }
0x2ad: {  	vm0 =	vlt.s32 v13, v10;
	v11, v12, _ =	vpop (xrf1)  }
0x2ae: {  	v8 =	vnsel vm0, $0x7F800000, v8;
	v11 =	vperm.xlane v11, v5;
	v13, v14, _ =	vpop (xrf1)  }
0x2af: {  	(xrf1) =	vsort.ascd.msk.f32 $0xffff, v8, v9;
	v15, v16, _ =	vpop (xrf1)  }
0x2b0: {  	v12 =	vperm.xlane v12, v5;
	vm14 =	vle.f32 v13, v11;
	v9 =	vperm.xlane v15, v5  }
0x2b1: {  	p5 =	seq.s32 s22, $0x1;
	v8 =	vsel vm14, v13, v11;
	v11 =	vsel vm14, v11, v13;
	v13 =	vperm.xlane v16, v5;
	v16, v17, _ =	vpop (xrf1)  }
.Ltmp29:
0x2b2: {  	v15 =	vsel vm14, v14, v12;
	vm15 =	vle.f32 v16, v9;
	(pc) =	sbr.rel @p5 .LBB2_53-.Ltmp29, $4  }
0x2b3: {  	(xrf1) =	vsort.ascd.msk.f32 $0xffff, v8, v15;
	v8 =	vsel vm15, v16, v9  }
0x2b4: {  	v12 =	vsel vm14, v12, v14  }
0x2b5: {  	(xrf1) =	vsort.ascd.msk.f32 $0xffff, v11, v12;
	v11 =	vsel vm15, v17, v13  }
0x2b6: {  	s22 =	sadd.s32 $0xFFFFFFFF, s22;
	p2 =	por $0x1, $0x1;
	v15 =	vsel vm15, v9, v16;
	v16 =	vsel vm15, v13, v17;
	(xrf1) =	vsort.ascd.msk.f32 $0xffff, v8, v11;
	v8, v9, _ =	vpop (xrf1)  }
0x2b7: {  	_ =	sdelay $0x4  }
0x2b8: {  	v11 =	vperm.xlane v8, v5  }
0x2b9: {  	(xrf1) =	vsort.ascd.msk.f32 $0xffff, v15, v16;
	s23 =	simm.s32 $0x5840  }
0x2ba: {  	s30 =	simm.s32 $0x60C0;
	v13 =	vld [tilespmem:s23+$0x0];
	vm0 =	vle.f32 v7, v11  }
0x2bb: {  	v12 =	vperm.xlane v9, v5;
	s31 =	simm.s32 $0x40;
	v14 =	vld [tilespmem:s30+$0x0];
	v15 =	vsel vm0, v7, v11  }
0x2bc: {  	v19 =	vor.u32 s31, v0;
	v17, v18, _ =	vpop (xrf1)  }
0x2bd: {  	vm13 =	vlt.s32 v19, v10;
	v59 =	vsel vm0, v6, v12;
	v17 =	vperm.xlane v17, v5  }
0x2be: {  	v11 =	vsel vm0, v11, v7;
	v12 =	vsel vm0, v12, v6;
	(xrf1) =	vsort.ascd.msk.f32 $0xffff, v15, v59;
	v15, v16, _ =	vpop (xrf1)  }
0x2bf: {  	(xrf1) =	vsort.ascd.msk.f32 $0xffff, v11, v12;
	v11 =	vnsel vm13, $0x7F800000, v13;
	v12 =	vperm.xlane v18, v5;
	vm14 =	vle.f32 v15, v17;
	v13, v60, _ =	vpop (xrf1)  }
0x2c0: {  	(xrf1) =	vsort.ascd.msk.f32 $0xffff, v11, v14;
	v11 =	vsel vm14, v15, v17;
	v13 =	vperm.xlane v13, v5  }
0x2c1: {  	v14 =	vsel vm14, v16, v12;
	v15 =	vsel vm14, v17, v15;
	v61 =	vperm.xlane v60, v5;
	v63, v62, _ =	vpop (xrf1)  }
0x2c2: {  	p5 =	seq.s32 s22, $0x1;
	v12 =	vsel vm14, v12, v16;
	(xrf1) =	vsort.ascd.msk.f32 $0xffff, v11, v14;
	vm15 =	vle.f32 v63, v13  }
.Ltmp30:
0x2c3: {  	(xrf1) =	vsort.ascd.msk.f32 $0xffff, v15, v12;
	v12 =	vsel vm15, v62, v61;
	(pc) =	sbr.rel @p5 .LBB2_55-.Ltmp30, $2  }
0x2c4: {  	v11 =	vsel vm15, v63, v13;
	_ =	sdelay $0x2  }
0x2c5: {  	s25 =	sadd.s32 $0xFFFFFFFF, s22;
	p3 =	por $0x1, $0x1;
	v13 =	vsel vm15, v13, v63;
	v14 =	vsel vm15, v61, v62;
	(xrf1) =	vsort.ascd.msk.f32 $0xffff, v11, v12;
	v11, v12, _ =	vpop (xrf1)  }
0x2c6: {  	_ =	sdelay $0x2  }
0x2c7: {  	v15 =	vperm.xlane v11, v5  }
0x2c8: {  	v16 =	vperm.xlane v12, v5;
	v17, v18, _ =	vpop (xrf1)  }
0x2c9: {  	vm0 =	vle.f32 v17, v15  }
0x2ca: {  	s22 =	simm.s32 $0x5850;
	v24 =	vsel vm0, v18, v16  }
0x2cb: {  	v19 =	vld [tilespmem:s22+$0x0];
	v23 =	vsel vm0, v17, v15;
	_ =	sdelay $0x1  }
0x2cc: {  	(xrf1) =	vsort.ascd.msk.f32 $0xffff, v13, v14;
	s23 =	simm.s32 $0x60D0;
	s24 =	simm.s32 $0x50;
	v21, v22, _ =	vpop (xrf1)  }
0x2cd: {  	v20 =	vld [tilespmem:s23+$0x0];
	v15 =	vsel vm0, v15, v17;
	v17 =	vor.u32 s24, v0;
	(xrf1) =	vsort.ascd.msk.f32 $0xffff, v23, v24;
	v23, v24, _ =	vpop (xrf1)  }
0x2ce: {  	v16 =	vsel vm0, v16, v18;
	vm12 =	vlt.s32 v17, v10;
	v17 =	vperm.xlane v23, v5  }
0x2cf: {  	(xrf1) =	vsort.ascd.msk.f32 $0xffff, v15, v16;
	v15 =	vnsel vm12, $0x7F800000, v19;
	v19, v63, _ =	vpop (xrf1)  }
0x2d0: {  	v21 =	vperm.xlane v21, v5;
	v16 =	vperm.xlane v24, v5;
	vm13 =	vle.f32 v19, v17  }
0x2d1: {  	v18 =	vperm.xlane v22, v5;
	v23 =	vsel vm13, v19, v17;
	v17 =	vsel vm13, v17, v19  }
0x2d2: {  	vm14 =	vle.f32 v7, v21;
	(xrf1) =	vsort.ascd.msk.f32 $0xffff, v15, v20;
	v15, v20, _ =	vpop (xrf1);
	v24 =	vsel vm13, v63, v16  }
0x2d3: {  	v15 =	vperm.xlane v15, v5;
	v16 =	vsel vm13, v16, v63;
	(xrf1) =	vsort.ascd.msk.f32 $0xffff, v23, v24  }
0x2d4: {  	v18 =	vsel vm14, v6, v18;
	(xrf1) =	vsort.ascd.msk.f32 $0xffff, v17, v16;
	v17, v19, _ =	vpop (xrf1)  }
0x2d5: {  	p5 =	seq.s32 s25, $0x1;
	v16 =	vperm.xlane v20, v5;
	v20 =	vsel vm14, v7, v21;
	vm15 =	vle.f32 v17, v15  }
.Ltmp31:
0x2d6: {  	(xrf1) =	vsort.ascd.msk.f32 $0xffff, v20, v18;
	v18 =	vsel vm15, v17, v15;
	(pc) =	sbr.rel @p5 .LBB2_58-.Ltmp31, $3  }
0x2d7: {  	_ =	sdelay $0x1  }
0x2d8: {  	v20 =	vsel vm15, v19, v16  }
0x2d9: {  	s25 =	sadd.s32 $0xFFFFFFFF, s25;
	p4 =	por $0x1, $0x1;
	v15 =	vsel vm15, v15, v17;
	v16 =	vsel vm15, v16, v19;
	(xrf1) =	vsort.ascd.msk.f32 $0xffff, v18, v20;
	v17, v18, _ =	vpop (xrf1)  }
.LBB2_57:
0x2da: {  	p5 =	seq.s32 s25, $0x1;
	s25 =	sadd.s32 $0xFFFFFFFF, s25;
	v17 =	vperm.xlane v17, v5  }
0x2db: {  	v18 =	vperm.xlane v18, v5;
	v19, v20, _ =	vpop (xrf1)  }
0x2dc: {  	s22 =	sadd.s32 $0x10, s22;
	(xrf1) =	vsort.ascd.msk.f32 $0xffff, v15, v16;
	vm0 =	vle.f32 v19, v17;
	v15, v16, _ =	vpop (xrf1)  }
0x2dd: {  	s23 =	sadd.s32 $0x10, s23;
	v21 =	vld [tilespmem:s22+$0x0];
	v22 =	vsel vm0, v19, v17;
	v23 =	vsel vm0, v20, v18;
	v16 =	vperm.xlane v16, v5  }
0x2de: {  	v17 =	vsel vm0, v17, v19;
	v20 =	vsel vm0, v18, v20;
	v24 =	vld [tilespmem:s23+$0x0];
	(xrf1) =	vsort.ascd.msk.f32 $0xffff, v22, v23  }
0x2df: {  	s24 =	sadd.s32 $0x10, s24;
	v15 =	vperm.xlane v15, v5;
	(xrf1) =	vsort.ascd.msk.f32 $0xffff, v17, v20  }
0x2e0: {  	v17 =	vor.u32 s24, v0;
	v18, v19, _ =	vpop (xrf1)  }
0x2e1: {  	vm0 =	vlt.s32 v17, v10;
	v17 =	vperm.xlane v18, v5  }
0x2e2: {  	v19 =	vperm.xlane v19, v5;
	v23 =	vnsel vm0, $0x7F800000, v21;
	v20, v21, _ =	vpop (xrf1)  }
0x2e3: {  	(xrf1) =	vsort.ascd.msk.f32 $0xffff, v23, v24;
	vm0 =	vle.f32 v20, v17;
	v18, v22, _ =	vpop (xrf1)  }
0x2e4: {  	v23 =	vsel vm0, v20, v17;
	v24 =	vsel vm0, v21, v19;
	v17 =	vsel vm0, v17, v20  }
0x2e5: {  	v25 =	vsel vm0, v19, v21;
	(xrf1) =	vsort.ascd.msk.f32 $0xffff, v23, v24;
	v20, v21, _ =	vpop (xrf1)  }
.Ltmp32:
0x2e6: {  	(xrf1) =	vsort.ascd.msk.f32 $0xffff, v17, v25;
	v17 =	vperm.xlane v18, v5;
	vm0 =	vle.f32 v20, v15;
	(pc) =	sbr.rel @!p5 .LBB2_57-.Ltmp32, $4  }
0x2e7: {  	v23 =	vperm.xlane v22, v5;
	v19, v22, _ =	vpop (xrf1);
	v15 =	vsel vm0, v20, v15;
	v16 =	vsel vm0, v21, v16  }
0x2e8: {  	vm0 =	vle.f32 v19, v17;
	(xrf1) =	vsort.ascd.msk.f32 $0xffff, v15, v16  }
0x2e9: {  	v20 =	vsel vm0, v19, v17;
	v21 =	vsel vm0, v22, v23;
	v15 =	vsel vm0, v17, v19  }
0x2ea: {  	v16 =	vsel vm0, v23, v22;
	(xrf1) =	vsort.ascd.msk.f32 $0xffff, v20, v21;
	v17, v18, _ =	vpop (xrf1)  }
.LBB2_58:
0x2eb: {  	_ = 	snop  }
0x2ec: {  	v10 =	vperm.xlane @p2 v17, v5;
	v17, v19, _ =	vpop @p3 (xrf1)  }
0x2ed: {  	v17 =	vpsel p3, v17, v7  }
0x2ee: {  	vm0 =	vle.f32 @p2 v17, v10  }
0x2ef: {  	v18 =	vperm.xlane @p2 v18, v5;
	v20 =	vsel @p2 vm0, v17, v10  }
0x2f0: {  	v19 =	vpsel p3, v19, v6  }
0x2f1: {  	(xrf1) =	vsort.ascd.msk.f32 @p1 $0xffff, v15, v16;
	v15, v16, _ =	vpop @p3 (xrf1);
	v21 =	vsel @p2 vm0, v19, v18  }
0x2f2: {  	v10 =	vsel @p2 vm0, v10, v17;
	v52, v22, _ =	vpop (xrf1)  }
0x2f3: {  	v18 =	vsel @p2 vm0, v18, v19;
	(xrf1) =	vsort.ascd.msk.f32 @p2 $0xffff, v20, v21;
	v17 =	vperm.xlane v52, v5;
	v19, v20, _ =	vpop @p0 (xrf1)  }
0x2f4: {  	(xrf1) =	vsort.ascd.msk.f32 @p2 $0xffff, v10, v18;
	v10 =	vperm.xlane v22, v5;
	v53 =	vpsel p0, v19, v7  }
0x2f5: {  	v15 =	vperm.xlane @p3 v15, v5;
	v19, v21, _ =	vpop @p0 (xrf1);
	v20 =	vpsel p0, v20, v6;
	vm12 =	vle.f32 v53, v17  }
0x2f6: {  	v16 =	vperm.xlane @p3 v16, v5;
	v54 =	vsel vm12, v53, v17;
	v23 =	vsel vm12, v20, v10;
	v18, v24, _ =	vpop @p4 (xrf1)  }
0x2f7: {  	v17 =	vsel vm12, v17, v53;
	v10 =	vsel vm12, v10, v20;
	v18 =	vpsel p4, v18, v7  }
0x2f8: {  	(xrf1) =	vsort.ascd.msk.f32 $0xffff, v54, v23;
	v20 =	vpsel p4, v24, v6;
	vm0 =	vle.f32 @p3 v18, v15  }
0x2f9: {  	(xrf1) =	vsort.ascd.msk.f32 $0xffff, v17, v10;
	v10 =	vsel @p3 vm0, v18, v15;
	v15 =	vsel @p3 vm0, v20, v16;
	_ =	sdelay $0x1  }
0x2fa: {  	(xrf1) =	vsort.ascd.msk.f32 @p3 $0xffff, v10, v15  }
0x2fb: {  	v15, v16, _ =	vpop @p1 (xrf1)  }
0x2fc: {  	v10 =	vperm.xlane @p0 v19, v5;
	v15 =	vpsel p1, v15, v7  }
0x2fd: {  	v17 =	vperm.xlane @p0 v21, v5  }
0x2fe: {  	v16 =	vpsel p1, v16, v6;
	vm0 =	vle.f32 @p0 v15, v10  }
0x2ff: {  	v18 =	vsel @p0 vm0, v15, v10;
	v19 =	vsel @p0 vm0, v16, v17;
	v10 =	vsel @p0 vm0, v10, v15;
	v15, v20, _ =	vpop @p1 (xrf1)  }
0x300: {  	v16 =	vsel @p0 vm0, v17, v16;
	(xrf1) =	vsort.ascd.msk.f32 @p0 $0xffff, v18, v19;
	v11 =	vpsel p1, v15, v11  }
0x301: {  	v10 =	vpsel p0, v10, v13;
	v12 =	vpsel p1, v20, v12;
	v11 =	vperm.xlane @p1 v11, v5;
	v13, v15, _ =	vpop @p2 (xrf1)  }
0x302: {  	v14 =	vpsel p0, v16, v14;
	v12 =	vperm.xlane @p1 v12, v5;
	v13 =	vpsel p2, v13, v7  }
0x303: {  	(xrf1) =	vsort.ascd.msk.f32 @p0 $0xffff, v10, v14;
	v14 =	vpsel p2, v15, v6;
	vm0 =	vle.f32 @p1 v13, v11  }
0x304: {  	v16, v17, _ =	vpop @p2 (xrf1);
	v15 =	vsel @p1 vm0, v13, v11;
	v18 =	vsel @p1 vm0, v14, v12  }
0x305: {  	v55, v10, _ =	vpop (xrf1);
	(xrf1) =	vsort.ascd.msk.f32 @p1 $0xffff, v15, v18;
	_ =	sdelay $0x1  }
0x306: {  	v56, v57, _ =	vpop (xrf1)  }
0x307: {  	v15 =	vperm.xlane @p2 v16, v5;
	v16, v18, _ =	vpop @p3 (xrf1)  }
0x308: {  	v17 =	vperm.xlane @p2 v17, v5;
	v11 =	vsel @p1 vm0, v11, v13;
	v13 =	vpsel p3, v16, v7  }
0x309: {  	v12 =	vsel @p1 vm0, v12, v14;
	v14 =	vpsel p3, v18, v6;
	vm0 =	vle.f32 @p2 v13, v15  }
0x30a: {  	(xrf1) =	vsort.ascd.msk.f32 @p1 $0xffff, v11, v12;
	v11 =	vsel @p2 vm0, v13, v15;
	v12 =	vsel @p2 vm0, v14, v17  }
0x30b: {  	(xrf1) =	vsort.ascd.msk.f32 @p2 $0xffff, v11, v12;
	_ =	sdelay $0x2  }
0x30c: {  	v12, v13, _ =	vpop @p0 (xrf1)  }
0x30d: {  	v11 =	vperm.xlane v56, v5;
	v12 =	vpsel p0, v12, v7  }
0x30e: {  	v58 =	vperm.xlane v57, v5;
	v13 =	vpsel p0, v13, v6;
	v15, v16, _ =	vpop @p0 (xrf1)  }
0x30f: {  	vm13 =	vle.f32 v12, v11;
	v8 =	vpsel p0, v15, v8;
	v9 =	vpsel p0, v16, v9  }
0x310: {  	v59 =	vsel vm13, v12, v11;
	v11 =	vsel vm13, v11, v12;
	v8 =	vperm.xlane @p0 v8, v5;
	v12, v15, _ =	vpop @p1 (xrf1)  }
0x311: {  	v60 =	vsel vm13, v13, v58;
	v9 =	vperm.xlane @p0 v9, v5;
	v12 =	vpsel p1, v12, v7  }
0x312: {  	v13 =	vsel vm13, v58, v13;
	v14 =	vpsel p1, v15, v6;
	vm0 =	vle.f32 @p0 v12, v8  }
0x313: {  	v16 =	vsel @p0 vm0, v14, v9  }
0x314: {  	v15 =	vsel @p0 vm0, v12, v8  }
0x315: {  	(xrf1) =	vsort.ascd.msk.f32 $0xffff, v59, v60  }
0x316: {  	(xrf1) =	vsort.ascd.msk.f32 $0xffff, v11, v13;
	v11, v13, _ =	vpop @p1 (xrf1)  }
0x317: {  	v11 =	vperm.xlane @p1 v11, v5;
	v13 =	vperm.xlane @p1 v13, v5;
	(xrf1) =	vsort.ascd.msk.f32 @p0 $0xffff, v15, v16;
	v15, v16, _ =	vpop @p2 (xrf1)  }
0x318: {  	v8 =	vsel @p0 vm0, v8, v12;
	v9 =	vsel @p0 vm0, v9, v14;
	v12 =	vpsel p2, v15, v7  }
0x319: {  	(xrf1) =	vsort.ascd.msk.f32 @p0 $0xffff, v8, v9;
	v14 =	vpsel p2, v16, v6;
	vm0 =	vle.f32 @p1 v12, v11  }
0x31a: {  	v8 =	vsel @p1 vm0, v12, v11;
	v9 =	vsel @p1 vm0, v14, v13  }
0x31b: {  	(xrf1) =	vsort.ascd.msk.f32 @p1 $0xffff, v8, v9;
	_ =	sdelay $0x8  }
0x31c: {  	v9, v8, _ =	vpop (xrf1)  }
0x31d: {  	v9, v11, _ =	vpop (xrf1)  }
0x31e: {  	v9 =	vperm.xlane v9, v5;
	v12, v13, _ =	vpop @p0 (xrf1)  }
0x31f: {  	v11 =	vperm.xlane v11, v5;
	v12 =	vpsel p0, v12, v7;
	v14, v15, _ =	vpop @p0 (xrf1)  }
0x320: {  	v13 =	vpsel p0, v13, v6;
	vm14 =	vle.f32 v12, v9;
	v15 =	vperm.xlane @p0 v15, v5  }
0x321: {  	v14 =	vperm.xlane @p0 v14, v5;
	v61 =	vsel vm14, v12, v9;
	v62 =	vsel vm14, v13, v11;
	v18, v19, _ =	vpop @p1 (xrf1)  }
0x322: {  	v9 =	vsel vm14, v9, v12;
	v11 =	vsel vm14, v11, v13;
	v12 =	vpsel p1, v18, v7  }
0x323: {  	(xrf1) =	vsort.ascd.msk.f32 $0xffff, v61, v62;
	v13 =	vpsel p1, v19, v6;
	vm0 =	vle.f32 @p0 v12, v14  }
0x324: {  	(xrf1) =	vsort.ascd.msk.f32 $0xffff, v9, v11;
	v9 =	vsel @p0 vm0, v12, v14;
	v11 =	vsel @p0 vm0, v13, v15  }
0x325: {  	(xrf1) =	vsort.ascd.msk.f32 @p0 $0xffff, v9, v11;
	_ =	sdelay $0xb  }
0x326: {  	v11, v9, _ =	vpop (xrf1)  }
0x327: {  	v11, v63, _ =	vpop (xrf1)  }
0x328: {  	v11 =	vperm.xlane v11, v5;
	v13, v14, _ =	vpop @p0 (xrf1)  }
0x329: {  	v12 =	vperm.xlane v63, v5;
	v7 =	vpsel p0, v13, v7  }
0x32a: {  	v6 =	vpsel p0, v14, v6;
	vm15 =	vle.f32 v7, v11  }
0x32b: {  	v7 =	vsel vm15, v7, v11;
	v6 =	vsel vm15, v6, v12  }
0x32c: {  	(xrf1) =	vsort.ascd.msk.f32 $0xffff, v7, v6;
	_ =	sdelay $0x9  }
.Ltmp33:
0x32d: {  	_ = 	snop;
	(pc) =	sbr.rel .LBB2_38-.Ltmp33, $2  }
0x32e: {  	_ =	sdelay $0x2  }
0x32f: {  	v7, v6, _ =	vpop (xrf1)  }
.LBB2_8:
.Ltmp34:
0x330: {  	(pc) =	sbr.rel .LBB2_22-.Ltmp34, $2  }
0x331: {  	_ =	sdelay $0x2  }
0x332: {  	s24 =	simm.s32 $0x5000  }
.LBB2_24:
.Ltmp35:
0x333: {  	(pc) =	sbr.rel .LBB2_35-.Ltmp35, $2  }
0x334: {  	_ =	sdelay $0x2  }
0x335: {  	_ = 	snop  }
.LBB2_17:
.Ltmp36:
0x336: {  	(pc) =	sbr.rel .LBB2_45-.Ltmp36, $2  }
0x337: {  	_ =	sdelay $0x2  }
0x338: {  	s24 =	simm.s32 $0x5000  }
.LBB2_47:
.Ltmp37:
0x339: {  	(pc) =	sbr.rel .LBB2_58-.Ltmp37, $2  }
0x33a: {  	_ =	sdelay $0x2  }
0x33b: {  	_ = 	snop  }
.LBB2_19:
.Ltmp38:
0x33c: {  	_ = 	snop;
	(pc) =	sbr.rel .LBB2_22-.Ltmp38, $2  }
0x33d: {  	_ =	sdelay $0x2  }
0x33e: {  	v6 =	vmovc v8;
	s24 =	simm.s32 $0x5000;
	v8 =	vmov v12;
	vm2 =	vmmov vm1;
	v13 =	vmov v11  }
.LBB2_26:
.Ltmp39:
0x33f: {  	(pc) =	sbr.rel .LBB2_35-.Ltmp39, $2  }
0x340: {  	_ =	sdelay $0x2  }
0x341: {  	_ = 	snop  }
.LBB2_42:
.Ltmp40:
0x342: {  	_ = 	snop;
	(pc) =	sbr.rel .LBB2_45-.Ltmp40, $2  }
0x343: {  	_ =	sdelay $0x2  }
0x344: {  	v6 =	vmovc v8;
	s24 =	simm.s32 $0x5000;
	v8 =	vmov v12;
	vm2 =	vmmov vm1;
	v13 =	vmov v11  }
.LBB2_49:
.Ltmp41:
0x345: {  	(pc) =	sbr.rel .LBB2_58-.Ltmp41, $2  }
0x346: {  	_ =	sdelay $0x2  }
0x347: {  	_ = 	snop  }
.LBB2_28:
.Ltmp42:
0x348: {  	(pc) =	sbr.rel .LBB2_35-.Ltmp42, $2  }
0x349: {  	_ =	sdelay $0x2  }
0x34a: {  	_ = 	snop  }
.LBB2_51:
.Ltmp43:
0x34b: {  	(pc) =	sbr.rel .LBB2_58-.Ltmp43, $2  }
0x34c: {  	_ =	sdelay $0x2  }
0x34d: {  	_ = 	snop  }
.LBB2_30:
.Ltmp44:
0x34e: {  	(pc) =	sbr.rel .LBB2_35-.Ltmp44, $2  }
0x34f: {  	_ =	sdelay $0x2  }
0x350: {  	v17 =	vmov v8;
	v18 =	vmov v9  }
.LBB2_53:
.Ltmp45:
0x351: {  	(pc) =	sbr.rel .LBB2_58-.Ltmp45, $2  }
0x352: {  	_ =	sdelay $0x2  }
0x353: {  	v17 =	vmov v8;
	v18 =	vmov v9  }
.LBB2_32:
.Ltmp46:
0x354: {  	(pc) =	sbr.rel .LBB2_35-.Ltmp46, $2  }
0x355: {  	_ =	sdelay $0x2  }
0x356: {  	v17 =	vmovc v11;
	v18 =	vmov v12;
	v15 =	vmov v13;
	v16 =	vmov v14  }
.LBB2_55:
.Ltmp47:
0x357: {  	(pc) =	sbr.rel .LBB2_58-.Ltmp47, $2  }
0x358: {  	_ =	sdelay $0x2  }
0x359: {  	v17 =	vmovc v11;
	v18 =	vmov v12;
	v15 =	vmov v13;
	v16 =	vmov v14  }
.LBB2_40:
0x35a: {  	_ =	sfence.sel $0x180000  }
0x35b: {  	[bflag:$0x0] =	sbarrier.arrive $0xFFFF  }
0x35c: {  	p0 =	sne.s32 s0, $0x0;
	_ =	strace $0x90000047  }
0x35d: {  	s0 =	sadd.s32 @!p0 $0x100000, s1;
	[bflag:$0x2] =	sbarrier.arrive $0xFFFF  }
0x35e: {  	[sflag:s0] =	ssyncadd.tile.s32 @!p0 $0x1;
	_ =	shalt  }
.Lfunc_end2:
_tile_overlayer_lowered:
.L_overlay_start_2:
0x35f: {  	(tag) =	ssettag $0x2  }
0x360: {  	s0 =	rddreg [dreg:$0x0];
	s2 =	stileid.u32  }
0x361: {  	s1 =	rddreg [dreg:$0x1];
	p0 =	sne.s32 s2, $0x0  }
0x362: {  	s3 =	rddreg [dreg:$0x2];
	[bflag:$0x3] =	sbarrier.arrive $0xFFFF;
	s2 =	simm.s32 @!p0 $0x1C03  }
0x363: {  	[timem:s3], [sflag:s2] =	dma.local @!p0 [hbm:s0], s1  }
0x364: {  	s0 =	simm.s32 @!p0 $0x3  }
0x365: {  	_ =	swait.ge @!p0 [sflag:s0], s1  }
0x366: {  	s1 =	ssub.s32 @!p0 $0x0, s1;
	[sflag:s0] =	ssyncset.done @!p0 $0x0  }
0x367: {  	[sflag:s0] =	ssyncadd.s32 @!p0 s1  }
0x368: {  	[bflag:$0x3] =	sbarrier.arrive $0xFFFF  }
0x369: {  	_ =	shalt  }

</sc_bundles>
